<compile_context>
chip_gen: v7x
topology: tpu7x:2x2x1
jax: 0.10.2.dev20260603
libtpu: 0.0.44.dev20260713+nightly
codegen_flags: <defaults>
</compile_context>

<pallas_src>
import functools

import jax
import jax.numpy as jnp
from jax import lax
from jax.experimental import pallas as pl
from jax.experimental.pallas import tpu as pltpu
from jax.experimental.pallas import tpu_sc as plsc

DIM = 128
FIELDS = 26
F_TC = 24
F_SC = FIELDS - F_TC
NW = 32
CHUNK = 128
BATCH_BLK = 512


def _tc_kernel(z_ref, noise_ref, prev_ref, out_ref):
    del prev_ref
    z = z_ref[...]
    iota = lax.broadcasted_iota(jnp.int32, (F_TC, BATCH_BLK, DIM), 2)
    mask = (z[:, :, None] == iota).astype(jnp.float32)
    out_ref[...] = noise_ref[...] + mask


def _sc_body(z_hbm, noise_hbm, out_hbm, zbuf, buf, row0):
    wid = lax.axis_index("s") * 2 + lax.axis_index("c")
    rows_here = F_SC * 16384
    rows_per_w = rows_here // NW
    base = row0 + wid * rows_per_w
    lane = lax.iota(jnp.int32, 16)

    def chunk_step(c, carry):
        r0 = base + c * CHUNK
        pltpu.sync_copy(noise_hbm.at[pl.ds(r0 * DIM, CHUNK * DIM)], buf)
        pltpu.sync_copy(z_hbm.at[pl.ds(r0, CHUNK)], zbuf)

        def rowblock(i, carry2):
            z16 = zbuf[pl.ds(i * 16, 16)]
            rbase = i * 16 * DIM
            for t in range(16):
                bz = z16.at[jnp.full((16,), t, jnp.int32)].get(
                    mode="promise_in_bounds")
                for g in range(8):
                    sl = pl.ds(rbase + t * DIM + g * 16, 16)
                    v = buf[sl]
                    buf[sl] = jnp.where(lane + 16 * g == bz, v + 1.0, v)
            return carry2

        lax.fori_loop(0, CHUNK // 16, rowblock, 0)
        pltpu.sync_copy(buf, out_hbm.at[pl.ds(r0 * DIM, CHUNK * DIM)])
        return carry

    lax.fori_loop(0, rows_per_w // CHUNK, chunk_step, 0)


def kernel(z, noise):
    batch = z.shape[0]
    rows = batch * FIELDS
    split_row = F_TC * batch
    z_t = z.T
    noise_t = jnp.transpose(noise, (1, 0, 2))
    z_flat = z_t.reshape(rows)
    noise1d = noise_t.reshape(rows * DIM)

    mesh = plsc.VectorSubcoreMesh(core_axis_name="c", subcore_axis_name="s")
    sc_call = functools.partial(
        pl.kernel,
        mesh=mesh,
        out_type=jax.ShapeDtypeStruct((rows * DIM,), jnp.float32),
        scratch_types=[
            pltpu.VMEM((CHUNK,), jnp.int32),
            pltpu.VMEM((CHUNK * DIM,), jnp.float32),
        ],
    )

    @sc_call
    def run_sc(z_hbm, noise_hbm, out_hbm, zbuf, buf):
        _sc_body(z_hbm, noise_hbm, out_hbm, zbuf, buf, split_row)

    out_sc = run_sc(z_flat, noise1d)
    out_sc3 = out_sc.reshape(FIELDS, batch, DIM)

    out_t = pl.pallas_call(
        _tc_kernel,
        grid=(batch // BATCH_BLK,),
        in_specs=[
            pl.BlockSpec((F_TC, BATCH_BLK), lambda i: (0, i)),
            pl.BlockSpec((F_TC, BATCH_BLK, DIM), lambda i: (0, i, 0)),
            pl.BlockSpec(memory_space=pl.ANY),
        ],
        out_specs=pl.BlockSpec((F_TC, BATCH_BLK, DIM), lambda i: (0, i, 0)),
        out_shape=jax.ShapeDtypeStruct((FIELDS, batch, DIM), jnp.float32),
        input_output_aliases={2: 0},
    )(z_t, noise_t, out_sc3)

    out = jnp.transpose(out_t, (1, 0, 2))
    return (out, 0)

# --- scband reference (transcript-rebuilt; emitter-appended) ---
"""Pipeline reference for scband-floor-7808250544143 (READ-ONLY COPY).

The authoritative reference and input builder live on the scoring server;
editing this copy changes nothing except your own understanding.
"""

import jax, jax.numpy as jnp
import numpy as np

DIM = 128
DEQUANT_SCALE = 1.0
BATCH = 16384
FIELDS = 26


def setup_inputs(seed: int = 0) -> dict:
    key = jax.random.key(seed)
    k1, k2 = jax.random.split(key)
    z = jax.random.randint(k1, (BATCH, FIELDS), 0, DIM)
    # dequant noise: torch does torch.rand_like(x) inside forward; we materialize it
    # here as an explicit input so the reference is deterministic.
    noise = jax.random.uniform(k2, (BATCH, FIELDS, DIM), dtype=jnp.float32)
    return {"z": z, "noise": noise}


def reference(z, noise):
    # x = one_hot(z, num_classes=dim, dtype=float32)
    x = jax.nn.one_hot(z, DIM, dtype=jnp.float32)
    # forward returns (x + dequant_scale * rand_like(x).detach(), 0)
    out = x + DEQUANT_SCALE * noise
    return (out, 0)

if __name__ == "__main__":
    import jax
    _d = setup_inputs()
    print(jax.jit(kernel)(*tuple(_d.values())))

</pallas_src>

<mosaic_0001>
#map = affine_map<(d0, d1) -> (0)>
module attributes {stable_mosaic.version = 14 : i64} {
  func.func @run_sc(%arg0: i32, %arg1: i32, %arg2: memref<425984xi32, #tpu.memory_space<hbm>>, %arg3: memref<54525952xf32, #tpu.memory_space<hbm>>, %arg4: memref<54525952xf32, #tpu.memory_space<hbm>>, %arg5: memref<128xi32, #tpu.memory_space<vmem>>, %arg6: memref<16384xf32, #tpu.memory_space<vmem>>) attributes {dimension_semantics = [#tpu.dimension_semantics<core_parallel>, #tpu.dimension_semantics<subcore_parallel>], iteration_bounds = array<i64: 2, 16>, scalar_prefetch = 0 : i64, scratch_operands = 2 : i64, tpu.core_type = #tpu.core_type<sc_vector_subcore>, window_params = [{transform_indices = #map}, {transform_indices = #map}, {transform_indices = #map}]} {
    %mul3A = arith.constant 2 : i32
    %mul3A_0 = arith.muli %arg1, %mul3A : i32
    %add3A = arith.addi %mul3A_0, %arg0 : i32
    %mul3A_1 = arith.constant 1024 : i32
    %mul3A_2 = arith.muli %add3A, %mul3A_1 : i32
    %add3A_3 = arith.constant 393216 : i32
    %add3A_4 = arith.addi %add3A_3, %mul3A_2 : i32
    %iota3A = tpu.iota {dimensions = array<i32: 0>} : vector<16xi32>
    %scan3A = arith.constant 0 : i32
    %scan3A_5 = arith.constant 0 : i32
    %scan3A_6 = arith.constant 8 : i32
    %scan3A_7 = arith.addi %scan3A_5, %scan3A_6 : i32
    %scan3A_8 = arith.constant 1 : i32
    scf.for %scan3A_10 = %scan3A_5 to %scan3A_7 step %scan3A_8  : i32 {
      %mul3A_11 = arith.constant 128 : i32
      %mul3A_12 = arith.muli %scan3A_10, %mul3A_11 : i32
      %add3A_13 = arith.addi %add3A_4, %mul3A_12 : i32
      %mul3A_14 = arith.constant 128 : i32
      %mul3A_15 = arith.muli %add3A_13, %mul3A_14 : i32
      "tpu.region"() ({
        %run_scoped3A = tpu.sem_alloc : memref<!tpu.dma_semaphore, #tpu.memory_space<semaphore_mem>>
        %dma_start3A = tpu.memref_slice %arg3[%mul3A_15] : memref<54525952xf32, #tpu.memory_space<hbm>> -> memref<16384xf32, #tpu.memory_space<hbm>>
        %dma_start3A_24 = tpu.memref_slice %arg3[%mul3A_15] : memref<54525952xf32, #tpu.memory_space<hbm>> -> memref<16384xf32, #tpu.memory_space<hbm>>
        tpu.enqueue_dma source(%dma_start3A_24 : memref<16384xf32, #tpu.memory_space<hbm>>) target(%arg6 : memref<16384xf32, #tpu.memory_space<vmem>>) target_semaphore(%run_scoped3A : memref<!tpu.dma_semaphore, #tpu.memory_space<semaphore_mem>>)
        %dma_wait3A = tpu.memref_slice %arg3[%mul3A_15] : memref<54525952xf32, #tpu.memory_space<hbm>> -> memref<16384xf32, #tpu.memory_space<hbm>>
        %dma_wait3A_25 = tpu.memref_slice %arg3[%mul3A_15] : memref<54525952xf32, #tpu.memory_space<hbm>> -> memref<16384xf32, #tpu.memory_space<hbm>>
        tpu.wait_dma2 semaphore(%run_scoped3A : memref<!tpu.dma_semaphore, #tpu.memory_space<semaphore_mem>>) src(%dma_wait3A_25 : memref<16384xf32, #tpu.memory_space<hbm>>) dst(%arg6 : memref<16384xf32, #tpu.memory_space<vmem>>)
        tpu.yield
      }) : () -> ()
      "tpu.region"() ({
        %run_scoped3A = tpu.sem_alloc : memref<!tpu.dma_semaphore, #tpu.memory_space<semaphore_mem>>
        %dma_start3A = tpu.memref_slice %arg2[%add3A_13] : memref<425984xi32, #tpu.memory_space<hbm>> -> memref<128xi32, #tpu.memory_space<hbm>>
        %dma_start3A_24 = tpu.memref_slice %arg2[%add3A_13] : memref<425984xi32, #tpu.memory_space<hbm>> -> memref<128xi32, #tpu.memory_space<hbm>>
        tpu.enqueue_dma source(%dma_start3A_24 : memref<128xi32, #tpu.memory_space<hbm>>) target(%arg5 : memref<128xi32, #tpu.memory_space<vmem>>) target_semaphore(%run_scoped3A : memref<!tpu.dma_semaphore, #tpu.memory_space<semaphore_mem>>)
        %dma_wait3A = tpu.memref_slice %arg2[%add3A_13] : memref<425984xi32, #tpu.memory_space<hbm>> -> memref<128xi32, #tpu.memory_space<hbm>>
        %dma_wait3A_25 = tpu.memref_slice %arg2[%add3A_13] : memref<425984xi32, #tpu.memory_space<hbm>> -> memref<128xi32, #tpu.memory_space<hbm>>
        tpu.wait_dma2 semaphore(%run_scoped3A : memref<!tpu.dma_semaphore, #tpu.memory_space<semaphore_mem>>) src(%dma_wait3A_25 : memref<128xi32, #tpu.memory_space<hbm>>) dst(%arg5 : memref<128xi32, #tpu.memory_space<vmem>>)
        tpu.yield
      }) : () -> ()
      %scan3A_16 = arith.constant 0 : i32
      %scan3A_17 = arith.constant 0 : i32
      %scan3A_18 = arith.constant 8 : i32
      %scan3A_19 = arith.addi %scan3A_17, %scan3A_18 : i32
      %scan3A_20 = arith.constant 1 : i32
      scf.for %scan3A_24 = %scan3A_17 to %scan3A_19 step %scan3A_20  : i32 {
        %mul3A_25 = arith.constant 16 : i32
        %mul3A_26 = arith.muli %scan3A_24, %mul3A_25 : i32
        %get3A = arith.index_cast %mul3A_26 : i32 to index
        %get3A_27 = tpu.vector_load %arg5[%get3A] {strides = array<i32>} : memref<128xi32, #tpu.memory_space<vmem>>, vector<16xi32>,
        %get3A_28 = vector.shape_cast %get3A_27 : vector<16xi32> to vector<16xi32>
        %mul3A_29 = arith.constant 16 : i32
        %mul3A_30 = arith.muli %scan3A_24, %mul3A_29 : i32
        %mul3A_31 = arith.constant 128 : i32
        %mul3A_32 = arith.muli %mul3A_30, %mul3A_31 : i32
        %broadcast_in_dim3A = arith.constant 0 : i32
        %broadcast_in_dim3A_33 = vector.broadcast %broadcast_in_dim3A : i32 to vector<16xi32>
        %lt3A = arith.constant 0 : i32
        %lt3A_34 = vector.broadcast %lt3A : i32 to vector<16xi32>
        %lt3A_35 = arith.cmpi slt, %broadcast_in_dim3A_33, %lt3A_34 : vector<16xi32>
        %add3A_36 = arith.constant 16 : i32
        %add3A_37 = vector.broadcast %add3A_36 : i32 to vector<16xi32>
        %add3A_38 = arith.addi %broadcast_in_dim3A_33, %add3A_37 : vector<16xi32>
        %select_n3A = arith.select %lt3A_35, %add3A_38, %broadcast_in_dim3A_33 : vector<16xi1>, vector<16xi32>
        %broadcast_in_dim3A_39 = vector.shape_cast %select_n3A : vector<16xi32> to vector<16x1xi32>
        %gather3A = vector.shape_cast %broadcast_in_dim3A_39 : vector<16x1xi32> to vector<16xi32>
        %gather3A_40 = tpu.dynamic_gather %get3A_28[%gather3A] in [0] : vector<16xi32>, vector<16xi32> -> vector<16xi32>
        %add3A_41 = arith.constant 0 : i32
        %add3A_42 = arith.addi %mul3A_32, %add3A_41 : i32
        %add3A_43 = arith.constant 0 : i32
        %add3A_44 = arith.addi %add3A_42, %add3A_43 : i32
        %get3A_45 = arith.index_cast %add3A_44 : i32 to index
        %get3A_46 = tpu.vector_load %arg6[%get3A_45] {strides = array<i32>} : memref<16384xf32, #tpu.memory_space<vmem>>, vector<16xf32>,
        %get3A_47 = vector.shape_cast %get3A_46 : vector<16xf32> to vector<16xf32>
        %add3A_48 = arith.constant 0 : i32
        %add3A_49 = vector.broadcast %add3A_48 : i32 to vector<16xi32>
        %add3A_50 = arith.addi %iota3A, %add3A_49 : vector<16xi32>
        %eq3A = arith.cmpi eq, %add3A_50, %gather3A_40 : vector<16xi32>
        %add3A_51 = arith.constant 1.000000e+00 : f32
        %add3A_52 = vector.broadcast %add3A_51 : f32 to vector<16xf32>
        %add3A_53 = arith.addf %get3A_47, %add3A_52 : vector<16xf32>
        %select_n3A_54 = arith.select %eq3A, %add3A_53, %get3A_47 : vector<16xi1>, vector<16xf32>
        %swap3A = arith.index_cast %add3A_44 : i32 to index
        %swap3A_55 = tpu.vector_load %arg6[%swap3A] {strides = array<i32>} : memref<16384xf32, #tpu.memory_space<vmem>>, vector<16xf32>,
        %swap3A_56 = vector.shape_cast %swap3A_55 : vector<16xf32> to vector<16xf32>
        %swap3A_57 = vector.shape_cast %select_n3A_54 : vector<16xf32> to vector<16xf32>
        tpu.vector_store %arg6[%swap3A], %swap3A_57 {strides = array<i32>} : memref<16384xf32, #tpu.memory_space<vmem>>, vector<16xf32>,
        %add3A_58 = arith.constant 0 : i32
        %add3A_59 = arith.addi %mul3A_32, %add3A_58 : i32
        %add3A_60 = arith.constant 16 : i32
        %add3A_61 = arith.addi %add3A_59, %add3A_60 : i32
        %get3A_62 = arith.index_cast %add3A_61 : i32 to index
        %get3A_63 = tpu.vector_load %arg6[%get3A_62] {strides = array<i32>} : memref<16384xf32, #tpu.memory_space<vmem>>, vector<16xf32>,
        %get3A_64 = vector.shape_cast %get3A_63 : vector<16xf32> to vector<16xf32>
        %add3A_65 = arith.constant 16 : i32
        %add3A_66 = vector.broadcast %add3A_65 : i32 to vector<16xi32>
        %add3A_67 = arith.addi %iota3A, %add3A_66 : vector<16xi32>
        %eq3A_68 = arith.cmpi eq, %add3A_67, %gather3A_40 : vector<16xi32>
        %add3A_69 = arith.constant 1.000000e+00 : f32
        %add3A_70 = vector.broadcast %add3A_69 : f32 to vector<16xf32>
        %add3A_71 = arith.addf %get3A_64, %add3A_70 : vector<16xf32>
        %select_n3A_72 = arith.select %eq3A_68, %add3A_71, %get3A_64 : vector<16xi1>, vector<16xf32>
        %swap3A_73 = arith.index_cast %add3A_61 : i32 to index
        %swap3A_74 = tpu.vector_load %arg6[%swap3A_73] {strides = array<i32>} : memref<16384xf32, #tpu.memory_space<vmem>>, vector<16xf32>,
        %swap3A_75 = vector.shape_cast %swap3A_74 : vector<16xf32> to vector<16xf32>
        %swap3A_76 = vector.shape_cast %select_n3A_72 : vector<16xf32> to vector<16xf32>
        tpu.vector_store %arg6[%swap3A_73], %swap3A_76 {strides = array<i32>} : memref<16384xf32, #tpu.memory_space<vmem>>, vector<16xf32>,
        %add3A_77 = arith.constant 0 : i32
        %add3A_78 = arith.addi %mul3A_32, %add3A_77 : i32
        %add3A_79 = arith.constant 32 : i32
        %add3A_80 = arith.addi %add3A_78, %add3A_79 : i32
        %get3A_81 = arith.index_cast %add3A_80 : i32 to index
        %get3A_82 = tpu.vector_load %arg6[%get3A_81] {strides = array<i32>} : memref<16384xf32, #tpu.memory_space<vmem>>, vector<16xf32>,
        %get3A_83 = vector.shape_cast %get3A_82 : vector<16xf32> to vector<16xf32>
        %add3A_84 = arith.constant 32 : i32
        %add3A_85 = vector.broadcast %add3A_84 : i32 to vector<16xi32>
        %add3A_86 = arith.addi %iota3A, %add3A_85 : vector<16xi32>
        %eq3A_87 = arith.cmpi eq, %add3A_86, %gather3A_40 : vector<16xi32>
        %add3A_88 = arith.constant 1.000000e+00 : f32
        %add3A_89 = vector.broadcast %add3A_88 : f32 to vector<16xf32>
        %add3A_90 = arith.addf %get3A_83, %add3A_89 : vector<16xf32>
        %select_n3A_91 = arith.select %eq3A_87, %add3A_90, %get3A_83 : vector<16xi1>, vector<16xf32>
        %swap3A_92 = arith.index_cast %add3A_80 : i32 to index
        %swap3A_93 = tpu.vector_load %arg6[%swap3A_92] {strides = array<i32>} : memref<16384xf32, #tpu.memory_space<vmem>>, vector<16xf32>,
        %swap3A_94 = vector.shape_cast %swap3A_93 : vector<16xf32> to vector<16xf32>
        %swap3A_95 = vector.shape_cast %select_n3A_91 : vector<16xf32> to vector<16xf32>
        tpu.vector_store %arg6[%swap3A_92], %swap3A_95 {strides = array<i32>} : memref<16384xf32, #tpu.memory_space<vmem>>, vector<16xf32>,
        %add3A_96 = arith.constant 0 : i32
        %add3A_97 = arith.addi %mul3A_32, %add3A_96 : i32
        %add3A_98 = arith.constant 48 : i32
        %add3A_99 = arith.addi %add3A_97, %add3A_98 : i32
        %get3A_100 = arith.index_cast %add3A_99 : i32 to index
        %get3A_101 = tpu.vector_load %arg6[%get3A_100] {strides = array<i32>} : memref<16384xf32, #tpu.memory_space<vmem>>, vector<16xf32>,
        %get3A_102 = vector.shape_cast %get3A_101 : vector<16xf32> to vector<16xf32>
        %add3A_103 = arith.constant 48 : i32
        %add3A_104 = vector.broadcast %add3A_103 : i32 to vector<16xi32>
        %add3A_105 = arith.addi %iota3A, %add3A_104 : vector<16xi32>
        %eq3A_106 = arith.cmpi eq, %add3A_105, %gather3A_40 : vector<16xi32>
        %add3A_107 = arith.constant 1.000000e+00 : f32
        %add3A_108 = vector.broadcast %add3A_107 : f32 to vector<16xf32>
        %add3A_109 = arith.addf %get3A_102, %add3A_108 : vector<16xf32>
        %select_n3A_110 = arith.select %eq3A_106, %add3A_109, %get3A_102 : vector<16xi1>, vector<16xf32>
        %swap3A_111 = arith.index_cast %add3A_99 : i32 to index
        %swap3A_112 = tpu.vector_load %arg6[%swap3A_111] {strides = array<i32>} : memref<16384xf32, #tpu.memory_space<vmem>>, vector<16xf32>,
        %swap3A_113 = vector.shape_cast %swap3A_112 : vector<16xf32> to vector<16xf32>
        %swap3A_114 = vector.shape_cast %select_n3A_110 : vector<16xf32> to vector<16xf32>
        tpu.vector_store %arg6[%swap3A_111], %swap3A_114 {strides = array<i32>} : memref<16384xf32, #tpu.memory_space<vmem>>, vector<16xf32>,
        %add3A_115 = arith.constant 0 : i32
        %add3A_116 = arith.addi %mul3A_32, %add3A_115 : i32
        %add3A_117 = arith.constant 64 : i32
        %add3A_118 = arith.addi %add3A_116, %add3A_117 : i32
        %get3A_119 = arith.index_cast %add3A_118 : i32 to index
        %get3A_120 = tpu.vector_load %arg6[%get3A_119] {strides = array<i32>} : memref<16384xf32, #tpu.memory_space<vmem>>, vector<16xf32>,
        %get3A_121 = vector.shape_cast %get3A_120 : vector<16xf32> to vector<16xf32>
        %add3A_122 = arith.constant 64 : i32
        %add3A_123 = vector.broadcast %add3A_122 : i32 to vector<16xi32>
        %add3A_124 = arith.addi %iota3A, %add3A_123 : vector<16xi32>
        %eq3A_125 = arith.cmpi eq, %add3A_124, %gather3A_40 : vector<16xi32>
        %add3A_126 = arith.constant 1.000000e+00 : f32
        %add3A_127 = vector.broadcast %add3A_126 : f32 to vector<16xf32>
        %add3A_128 = arith.addf %get3A_121, %add3A_127 : vector<16xf32>
        %select_n3A_129 = arith.select %eq3A_125, %add3A_128, %get3A_121 : vector<16xi1>, vector<16xf32>
        %swap3A_130 = arith.index_cast %add3A_118 : i32 to index
        %swap3A_131 = tpu.vector_load %arg6[%swap3A_130] {strides = array<i32>} : memref<16384xf32, #tpu.memory_space<vmem>>, vector<16xf32>,
        %swap3A_132 = vector.shape_cast %swap3A_131 : vector<16xf32> to vector<16xf32>
        %swap3A_133 = vector.shape_cast %select_n3A_129 : vector<16xf32> to vector<16xf32>
        tpu.vector_store %arg6[%swap3A_130], %swap3A_133 {strides = array<i32>} : memref<16384xf32, #tpu.memory_space<vmem>>, vector<16xf32>,
        %add3A_134 = arith.constant 0 : i32
        %add3A_135 = arith.addi %mul3A_32, %add3A_134 : i32
        %add3A_136 = arith.constant 80 : i32
        %add3A_137 = arith.addi %add3A_135, %add3A_136 : i32
        %get3A_138 = arith.index_cast %add3A_137 : i32 to index
        %get3A_139 = tpu.vector_load %arg6[%get3A_138] {strides = array<i32>} : memref<16384xf32, #tpu.memory_space<vmem>>, vector<16xf32>,
        %get3A_140 = vector.shape_cast %get3A_139 : vector<16xf32> to vector<16xf32>
        %add3A_141 = arith.constant 80 : i32
        %add3A_142 = vector.broadcast %add3A_141 : i32 to vector<16xi32>
        %add3A_143 = arith.addi %iota3A, %add3A_142 : vector<16xi32>
        %eq3A_144 = arith.cmpi eq, %add3A_143, %gather3A_40 : vector<16xi32>
        %add3A_145 = arith.constant 1.000000e+00 : f32
        %add3A_146 = vector.broadcast %add3A_145 : f32 to vector<16xf32>
        %add3A_147 = arith.addf %get3A_140, %add3A_146 : vector<16xf32>
        %select_n3A_148 = arith.select %eq3A_144, %add3A_147, %get3A_140 : vector<16xi1>, vector<16xf32>
        %swap3A_149 = arith.index_cast %add3A_137 : i32 to index
        %swap3A_150 = tpu.vector_load %arg6[%swap3A_149] {strides = array<i32>} : memref<16384xf32, #tpu.memory_space<vmem>>, vector<16xf32>,
        %swap3A_151 = vector.shape_cast %swap3A_150 : vector<16xf32> to vector<16xf32>
        %swap3A_152 = vector.shape_cast %select_n3A_148 : vector<16xf32> to vector<16xf32>
        tpu.vector_store %arg6[%swap3A_149], %swap3A_152 {strides = array<i32>} : memref<16384xf32, #tpu.memory_space<vmem>>, vector<16xf32>,
        %add3A_153 = arith.constant 0 : i32
        %add3A_154 = arith.addi %mul3A_32, %add3A_153 : i32
        %add3A_155 = arith.constant 96 : i32
        %add3A_156 = arith.addi %add3A_154, %add3A_155 : i32
        %get3A_157 = arith.index_cast %add3A_156 : i32 to index
        %get3A_158 = tpu.vector_load %arg6[%get3A_157] {strides = array<i32>} : memref<16384xf32, #tpu.memory_space<vmem>>, vector<16xf32>,
        %get3A_159 = vector.shape_cast %get3A_158 : vector<16xf32> to vector<16xf32>
        %add3A_160 = arith.constant 96 : i32
        %add3A_161 = vector.broadcast %add3A_160 : i32 to vector<16xi32>
        %add3A_162 = arith.addi %iota3A, %add3A_161 : vector<16xi32>
        %eq3A_163 = arith.cmpi eq, %add3A_162, %gather3A_40 : vector<16xi32>
        %add3A_164 = arith.constant 1.000000e+00 : f32
        %add3A_165 = vector.broadcast %add3A_164 : f32 to vector<16xf32>
        %add3A_166 = arith.addf %get3A_159, %add3A_165 : vector<16xf32>
        %select_n3A_167 = arith.select %eq3A_163, %add3A_166, %get3A_159 : vector<16xi1>, vector<16xf32>
        %swap3A_168 = arith.index_cast %add3A_156 : i32 to index
        %swap3A_169 = tpu.vector_load %arg6[%swap3A_168] {strides = array<i32>} : memref<16384xf32, #tpu.memory_space<vmem>>, vector<16xf32>,
        %swap3A_170 = vector.shape_cast %swap3A_169 : vector<16xf32> to vector<16xf32>
        %swap3A_171 = vector.shape_cast %select_n3A_167 : vector<16xf32> to vector<16xf32>
        tpu.vector_store %arg6[%swap3A_168], %swap3A_171 {strides = array<i32>} : memref<16384xf32, #tpu.memory_space<vmem>>, vector<16xf32>,
        %add3A_172 = arith.constant 0 : i32
        %add3A_173 = arith.addi %mul3A_32, %add3A_172 : i32
        %add3A_174 = arith.constant 112 : i32
        %add3A_175 = arith.addi %add3A_173, %add3A_174 : i32
        %get3A_176 = arith.index_cast %add3A_175 : i32 to index
        %get3A_177 = tpu.vector_load %arg6[%get3A_176] {strides = array<i32>} : memref<16384xf32, #tpu.memory_space<vmem>>, vector<16xf32>,
        %get3A_178 = vector.shape_cast %get3A_177 : vector<16xf32> to vector<16xf32>
        %add3A_179 = arith.constant 112 : i32
        %add3A_180 = vector.broadcast %add3A_179 : i32 to vector<16xi32>
        %add3A_181 = arith.addi %iota3A, %add3A_180 : vector<16xi32>
        %eq3A_182 = arith.cmpi eq, %add3A_181, %gather3A_40 : vector<16xi32>
        %add3A_183 = arith.constant 1.000000e+00 : f32
        %add3A_184 = vector.broadcast %add3A_183 : f32 to vector<16xf32>
        %add3A_185 = arith.addf %get3A_178, %add3A_184 : vector<16xf32>
        %select_n3A_186 = arith.select %eq3A_182, %add3A_185, %get3A_178 : vector<16xi1>, vector<16xf32>
        %swap3A_187 = arith.index_cast %add3A_175 : i32 to index
        %swap3A_188 = tpu.vector_load %arg6[%swap3A_187] {strides = array<i32>} : memref<16384xf32, #tpu.memory_space<vmem>>, vector<16xf32>,
        %swap3A_189 = vector.shape_cast %swap3A_188 : vector<16xf32> to vector<16xf32>
        %swap3A_190 = vector.shape_cast %select_n3A_186 : vector<16xf32> to vector<16xf32>
        tpu.vector_store %arg6[%swap3A_187], %swap3A_190 {strides = array<i32>} : memref<16384xf32, #tpu.memory_space<vmem>>, vector<16xf32>,
        %broadcast_in_dim3A_191 = arith.constant 1 : i32
        %broadcast_in_dim3A_192 = vector.broadcast %broadcast_in_dim3A_191 : i32 to vector<16xi32>
        %lt3A_193 = arith.constant 0 : i32
        %lt3A_194 = vector.broadcast %lt3A_193 : i32 to vector<16xi32>
        %lt3A_195 = arith.cmpi slt, %broadcast_in_dim3A_192, %lt3A_194 : vector<16xi32>
        %add3A_196 = arith.constant 16 : i32
        %add3A_197 = vector.broadcast %add3A_196 : i32 to vector<16xi32>
        %add3A_198 = arith.addi %broadcast_in_dim3A_192, %add3A_197 : vector<16xi32>
        %select_n3A_199 = arith.select %lt3A_195, %add3A_198, %broadcast_in_dim3A_192 : vector<16xi1>, vector<16xi32>
        %broadcast_in_dim3A_200 = vector.shape_cast %select_n3A_199 : vector<16xi32> to vector<16x1xi32>
        %gather3A_201 = vector.shape_cast %broadcast_in_dim3A_200 : vector<16x1xi32> to vector<16xi32>
        %gather3A_202 = tpu.dynamic_gather %get3A_28[%gather3A_201] in [0] : vector<16xi32>, vector<16xi32> -> vector<16xi32>
        %add3A_203 = arith.constant 128 : i32
        %add3A_204 = arith.addi %mul3A_32, %add3A_203 : i32
        %add3A_205 = arith.constant 0 : i32
        %add3A_206 = arith.addi %add3A_204, %add3A_205 : i32
        %get3A_207 = arith.index_cast %add3A_206 : i32 to index
        %get3A_208 = tpu.vector_load %arg6[%get3A_207] {strides = array<i32>} : memref<16384xf32, #tpu.memory_space<vmem>>, vector<16xf32>,
        %get3A_209 = vector.shape_cast %get3A_208 : vector<16xf32> to vector<16xf32>
        %add3A_210 = arith.constant 0 : i32
        %add3A_211 = vector.broadcast %add3A_210 : i32 to vector<16xi32>
        %add3A_212 = arith.addi %iota3A, %add3A_211 : vector<16xi32>
        %eq3A_213 = arith.cmpi eq, %add3A_212, %gather3A_202 : vector<16xi32>
        %add3A_214 = arith.constant 1.000000e+00 : f32
        %add3A_215 = vector.broadcast %add3A_214 : f32 to vector<16xf32>
        %add3A_216 = arith.addf %get3A_209, %add3A_215 : vector<16xf32>
        %select_n3A_217 = arith.select %eq3A_213, %add3A_216, %get3A_209 : vector<16xi1>, vector<16xf32>
        %swap3A_218 = arith.index_cast %add3A_206 : i32 to index
        %swap3A_219 = tpu.vector_load %arg6[%swap3A_218] {strides = array<i32>} : memref<16384xf32, #tpu.memory_space<vmem>>, vector<16xf32>,
        %swap3A_220 = vector.shape_cast %swap3A_219 : vector<16xf32> to vector<16xf32>
        %swap3A_221 = vector.shape_cast %select_n3A_217 : vector<16xf32> to vector<16xf32>
        tpu.vector_store %arg6[%swap3A_218], %swap3A_221 {strides = array<i32>} : memref<16384xf32, #tpu.memory_space<vmem>>, vector<16xf32>,
        %add3A_222 = arith.constant 128 : i32
        %add3A_223 = arith.addi %mul3A_32, %add3A_222 : i32
        %add3A_224 = arith.constant 16 : i32
        %add3A_225 = arith.addi %add3A_223, %add3A_224 : i32
        %get3A_226 = arith.index_cast %add3A_225 : i32 to index
        %get3A_227 = tpu.vector_load %arg6[%get3A_226] {strides = array<i32>} : memref<16384xf32, #tpu.memory_space<vmem>>, vector<16xf32>,
        %get3A_228 = vector.shape_cast %get3A_227 : vector<16xf32> to vector<16xf32>
        %add3A_229 = arith.constant 16 : i32
        %add3A_230 = vector.broadcast %add3A_229 : i32 to vector<16xi32>
        %add3A_231 = arith.addi %iota3A, %add3A_230 : vector<16xi32>
        %eq3A_232 = arith.cmpi eq, %add3A_231, %gather3A_202 : vector<16xi32>
        %add3A_233 = arith.constant 1.000000e+00 : f32
        %add3A_234 = vector.broadcast %add3A_233 : f32 to vector<16xf32>
        %add3A_235 = arith.addf %get3A_228, %add3A_234 : vector<16xf32>
        %select_n3A_236 = arith.select %eq3A_232, %add3A_235, %get3A_228 : vector<16xi1>, vector<16xf32>
        %swap3A_237 = arith.index_cast %add3A_225 : i32 to index
        %swap3A_238 = tpu.vector_load %arg6[%swap3A_237] {strides = array<i32>} : memref<16384xf32, #tpu.memory_space<vmem>>, vector<16xf32>,
        %swap3A_239 = vector.shape_cast %swap3A_238 : vector<16xf32> to vector<16xf32>
        %swap3A_240 = vector.shape_cast %select_n3A_236 : vector<16xf32> to vector<16xf32>
        tpu.vector_store %arg6[%swap3A_237], %swap3A_240 {strides = array<i32>} : memref<16384xf32, #tpu.memory_space<vmem>>, vector<16xf32>,
        %add3A_241 = arith.constant 128 : i32
        %add3A_242 = arith.addi %mul3A_32, %add3A_241 : i32
        %add3A_243 = arith.constant 32 : i32
        %add3A_244 = arith.addi %add3A_242, %add3A_243 : i32
        %get3A_245 = arith.index_cast %add3A_244 : i32 to index
        %get3A_246 = tpu.vector_load %arg6[%get3A_245] {strides = array<i32>} : memref<16384xf32, #tpu.memory_space<vmem>>, vector<16xf32>,
        %get3A_247 = vector.shape_cast %get3A_246 : vector<16xf32> to vector<16xf32>
        %add3A_248 = arith.constant 32 : i32
        %add3A_249 = vector.broadcast %add3A_248 : i32 to vector<16xi32>
        %add3A_250 = arith.addi %iota3A, %add3A_249 : vector<16xi32>
        %eq3A_251 = arith.cmpi eq, %add3A_250, %gather3A_202 : vector<16xi32>
        %add3A_252 = arith.constant 1.000000e+00 : f32
        %add3A_253 = vector.broadcast %add3A_252 : f32 to vector<16xf32>
        %add3A_254 = arith.addf %get3A_247, %add3A_253 : vector<16xf32>
        %select_n3A_255 = arith.select %eq3A_251, %add3A_254, %get3A_247 : vector<16xi1>, vector<16xf32>
        %swap3A_256 = arith.index_cast %add3A_244 : i32 to index
        %swap3A_257 = tpu.vector_load %arg6[%swap3A_256] {strides = array<i32>} : memref<16384xf32, #tpu.memory_space<vmem>>, vector<16xf32>,
        %swap3A_258 = vector.shape_cast %swap3A_257 : vector<16xf32> to vector<16xf32>
        %swap3A_259 = vector.shape_cast %select_n3A_255 : vector<16xf32> to vector<16xf32>
        tpu.vector_store %arg6[%swap3A_256], %swap3A_259 {strides = array<i32>} : memref<16384xf32, #tpu.memory_space<vmem>>, vector<16xf32>,
        %add3A_260 = arith.constant 128 : i32
        %add3A_261 = arith.addi %mul3A_32, %add3A_260 : i32
        %add3A_262 = arith.constant 48 : i32
        %add3A_263 = arith.addi %add3A_261, %add3A_262 : i32
        %get3A_264 = arith.index_cast %add3A_263 : i32 to index
        %get3A_265 = tpu.vector_load %arg6[%get3A_264] {strides = array<i32>} : memref<16384xf32, #tpu.memory_space<vmem>>, vector<16xf32>,
        %get3A_266 = vector.shape_cast %get3A_265 : vector<16xf32> to vector<16xf32>
        %add3A_267 = arith.constant 48 : i32
        %add3A_268 = vector.broadcast %add3A_267 : i32 to vector<16xi32>
        %add3A_269 = arith.addi %iota3A, %add3A_268 : vector<16xi32>
        %eq3A_270 = arith.cmpi eq, %add3A_269, %gather3A_202 : vector<16xi32>
        %add3A_271 = arith.constant 1.000000e+00 : f32
        %add3A_272 = vector.broadcast %add3A_271 : f32 to vector<16xf32>
        %add3A_273 = arith.addf %get3A_266, %add3A_272 : vector<16xf32>
        %select_n3A_274 = arith.select %eq3A_270, %add3A_273, %get3A_266 : vector<16xi1>, vector<16xf32>
        %swap3A_275 = arith.index_cast %add3A_263 : i32 to index
        %swap3A_276 = tpu.vector_load %arg6[%swap3A_275] {strides = array<i32>} : memref<16384xf32, #tpu.memory_space<vmem>>, vector<16xf32>,
        %swap3A_277 = vector.shape_cast %swap3A_276 : vector<16xf32> to vector<16xf32>
        %swap3A_278 = vector.shape_cast %select_n3A_274 : vector<16xf32> to vector<16xf32>
        tpu.vector_store %arg6[%swap3A_275], %swap3A_278 {strides = array<i32>} : memref<16384xf32, #tpu.memory_space<vmem>>, vector<16xf32>,
        %add3A_279 = arith.constant 128 : i32
        %add3A_280 = arith.addi %mul3A_32, %add3A_279 : i32
        %add3A_281 = arith.constant 64 : i32
        %add3A_282 = arith.addi %add3A_280, %add3A_281 : i32
        %get3A_283 = arith.index_cast %add3A_282 : i32 to index
        %get3A_284 = tpu.vector_load %arg6[%get3A_283] {strides = array<i32>} : memref<16384xf32, #tpu.memory_space<vmem>>, vector<16xf32>,
        %get3A_285 = vector.shape_cast %get3A_284 : vector<16xf32> to vector<16xf32>
        %add3A_286 = arith.constant 64 : i32
        %add3A_287 = vector.broadcast %add3A_286 : i32 to vector<16xi32>
        %add3A_288 = arith.addi %iota3A, %add3A_287 : vector<16xi32>
        %eq3A_289 = arith.cmpi eq, %add3A_288, %gather3A_202 : vector<16xi32>
        %add3A_290 = arith.constant 1.000000e+00 : f32
        %add3A_291 = vector.broadcast %add3A_290 : f32 to vector<16xf32>
        %add3A_292 = arith.addf %get3A_285, %add3A_291 : vector<16xf32>
        %select_n3A_293 = arith.select %eq3A_289, %add3A_292, %get3A_285 : vector<16xi1>, vector<16xf32>
        %swap3A_294 = arith.index_cast %add3A_282 : i32 to index
        %swap3A_295 = tpu.vector_load %arg6[%swap3A_294] {strides = array<i32>} : memref<16384xf32, #tpu.memory_space<vmem>>, vector<16xf32>,
        %swap3A_296 = vector.shape_cast %swap3A_295 : vector<16xf32> to vector<16xf32>
        %swap3A_297 = vector.shape_cast %select_n3A_293 : vector<16xf32> to vector<16xf32>
        tpu.vector_store %arg6[%swap3A_294], %swap3A_297 {strides = array<i32>} : memref<16384xf32, #tpu.memory_space<vmem>>, vector<16xf32>,
        %add3A_298 = arith.constant 128 : i32
        %add3A_299 = arith.addi %mul3A_32, %add3A_298 : i32
        %add3A_300 = arith.constant 80 : i32
        %add3A_301 = arith.addi %add3A_299, %add3A_300 : i32
        %get3A_302 = arith.index_cast %add3A_301 : i32 to index
        %get3A_303 = tpu.vector_load %arg6[%get3A_302] {strides = array<i32>} : memref<16384xf32, #tpu.memory_space<vmem>>, vector<16xf32>,
        %get3A_304 = vector.shape_cast %get3A_303 : vector<16xf32> to vector<16xf32>
        %add3A_305 = arith.constant 80 : i32
        %add3A_306 = vector.broadcast %add3A_305 : i32 to vector<16xi32>
        %add3A_307 = arith.addi %iota3A, %add3A_306 : vector<16xi32>
        %eq3A_308 = arith.cmpi eq, %add3A_307, %gather3A_202 : vector<16xi32>
        %add3A_309 = arith.constant 1.000000e+00 : f32
        %add3A_310 = vector.broadcast %add3A_309 : f32 to vector<16xf32>
        %add3A_311 = arith.addf %get3A_304, %add3A_310 : vector<16xf32>
        %select_n3A_312 = arith.select %eq3A_308, %add3A_311, %get3A_304 : vector<16xi1>, vector<16xf32>
        %swap3A_313 = arith.index_cast %add3A_301 : i32 to index
        %swap3A_314 = tpu.vector_load %arg6[%swap3A_313] {strides = array<i32>} : memref<16384xf32, #tpu.memory_space<vmem>>, vector<16xf32>,
        %swap3A_315 = vector.shape_cast %swap3A_314 : vector<16xf32> to vector<16xf32>
        %swap3A_316 = vector.shape_cast %select_n3A_312 : vector<16xf32> to vector<16xf32>
        tpu.vector_store %arg6[%swap3A_313], %swap3A_316 {strides = array<i32>} : memref<16384xf32, #tpu.memory_space<vmem>>, vector<16xf32>,
        %add3A_317 = arith.constant 128 : i32
        %add3A_318 = arith.addi %mul3A_32, %add3A_317 : i32
        %add3A_319 = arith.constant 96 : i32
        %add3A_320 = arith.addi %add3A_318, %add3A_319 : i32
        %get3A_321 = arith.index_cast %add3A_320 : i32 to index
        %get3A_322 = tpu.vector_load %arg6[%get3A_321] {strides = array<i32>} : memref<16384xf32, #tpu.memory_space<vmem>>, vector<16xf32>,
        %get3A_323 = vector.shape_cast %get3A_322 : vector<16xf32> to vector<16xf32>
        %add3A_324 = arith.constant 96 : i32
        %add3A_325 = vector.broadcast %add3A_324 : i32 to vector<16xi32>
        %add3A_326 = arith.addi %iota3A, %add3A_325 : vector<16xi32>
        %eq3A_327 = arith.cmpi eq, %add3A_326, %gather3A_202 : vector<16xi32>
        %add3A_328 = arith.constant 1.000000e+00 : f32
        %add3A_329 = vector.broadcast %add3A_328 : f32 to vector<16xf32>
        %add3A_330 = arith.addf %get3A_323, %add3A_329 : vector<16xf32>
        %select_n3A_331 = arith.select %eq3A_327, %add3A_330, %get3A_323 : vector<16xi1>, vector<16xf32>
        %swap3A_332 = arith.index_cast %add3A_320 : i32 to index
        %swap3A_333 = tpu.vector_load %arg6[%swap3A_332] {strides = array<i32>} : memref<16384xf32, #tpu.memory_space<vmem>>, vector<16xf32>,
        %swap3A_334 = vector.shape_cast %swap3A_333 : vector<16xf32> to vector<16xf32>
        %swap3A_335 = vector.shape_cast %select_n3A_331 : vector<16xf32> to vector<16xf32>
        tpu.vector_store %arg6[%swap3A_332], %swap3A_335 {strides = array<i32>} : memref<16384xf32, #tpu.memory_space<vmem>>, vector<16xf32>,
        %add3A_336 = arith.constant 128 : i32
        %add3A_337 = arith.addi %mul3A_32, %add3A_336 : i32
        %add3A_338 = arith.constant 112 : i32
        %add3A_339 = arith.addi %add3A_337, %add3A_338 : i32
        %get3A_340 = arith.index_cast %add3A_339 : i32 to index
        %get3A_341 = tpu.vector_load %arg6[%get3A_340] {strides = array<i32>} : memref<16384xf32, #tpu.memory_space<vmem>>, vector<16xf32>,
        %get3A_342 = vector.shape_cast %get3A_341 : vector<16xf32> to vector<16xf32>
        %add3A_343 = arith.constant 112 : i32
        %add3A_344 = vector.broadcast %add3A_343 : i32 to vector<16xi32>
        %add3A_345 = arith.addi %iota3A, %add3A_344 : vector<16xi32>
        %eq3A_346 = arith.cmpi eq, %add3A_345, %gather3A_202 : vector<16xi32>
        %add3A_347 = arith.constant 1.000000e+00 : f32
        %add3A_348 = vector.broadcast %add3A_347 : f32 to vector<16xf32>
        %add3A_349 = arith.addf %get3A_342, %add3A_348 : vector<16xf32>
        %select_n3A_350 = arith.select %eq3A_346, %add3A_349, %get3A_342 : vector<16xi1>, vector<16xf32>
        %swap3A_351 = arith.index_cast %add3A_339 : i32 to index
        %swap3A_352 = tpu.vector_load %arg6[%swap3A_351] {strides = array<i32>} : memref<16384xf32, #tpu.memory_space<vmem>>, vector<16xf32>,
        %swap3A_353 = vector.shape_cast %swap3A_352 : vector<16xf32> to vector<16xf32>
        %swap3A_354 = vector.shape_cast %select_n3A_350 : vector<16xf32> to vector<16xf32>
        tpu.vector_store %arg6[%swap3A_351], %swap3A_354 {strides = array<i32>} : memref<16384xf32, #tpu.memory_space<vmem>>, vector<16xf32>,
        %broadcast_in_dim3A_355 = arith.constant 2 : i32
        %broadcast_in_dim3A_356 = vector.broadcast %broadcast_in_dim3A_355 : i32 to vector<16xi32>
        %lt3A_357 = arith.constant 0 : i32
        %lt3A_358 = vector.broadcast %lt3A_357 : i32 to vector<16xi32>
        %lt3A_359 = arith.cmpi slt, %broadcast_in_dim3A_356, %lt3A_358 : vector<16xi32>
        %add3A_360 = arith.constant 16 : i32
        %add3A_361 = vector.broadcast %add3A_360 : i32 to vector<16xi32>
        %add3A_362 = arith.addi %broadcast_in_dim3A_356, %add3A_361 : vector<16xi32>
        %select_n3A_363 = arith.select %lt3A_359, %add3A_362, %broadcast_in_dim3A_356 : vector<16xi1>, vector<16xi32>
        %broadcast_in_dim3A_364 = vector.shape_cast %select_n3A_363 : vector<16xi32> to vector<16x1xi32>
        %gather3A_365 = vector.shape_cast %broadcast_in_dim3A_364 : vector<16x1xi32> to vector<16xi32>
        %gather3A_366 = tpu.dynamic_gather %get3A_28[%gather3A_365] in [0] : vector<16xi32>, vector<16xi32> -> vector<16xi32>
        %add3A_367 = arith.constant 256 : i32
        %add3A_368 = arith.addi %mul3A_32, %add3A_367 : i32
        %add3A_369 = arith.constant 0 : i32
        %add3A_370 = arith.addi %add3A_368, %add3A_369 : i32
        %get3A_371 = arith.index_cast %add3A_370 : i32 to index
        %get3A_372 = tpu.vector_load %arg6[%get3A_371] {strides = array<i32>} : memref<16384xf32, #tpu.memory_space<vmem>>, vector<16xf32>,
        %get3A_373 = vector.shape_cast %get3A_372 : vector<16xf32> to vector<16xf32>
        %add3A_374 = arith.constant 0 : i32
        %add3A_375 = vector.broadcast %add3A_374 : i32 to vector<16xi32>
        %add3A_376 = arith.addi %iota3A, %add3A_375 : vector<16xi32>
        %eq3A_377 = arith.cmpi eq, %add3A_376, %gather3A_366 : vector<16xi32>
        %add3A_378 = arith.constant 1.000000e+00 : f32
        %add3A_379 = vector.broadcast %add3A_378 : f32 to vector<16xf32>
        %add3A_380 = arith.addf %get3A_373, %add3A_379 : vector<16xf32>
        %select_n3A_381 = arith.select %eq3A_377, %add3A_380, %get3A_373 : vector<16xi1>, vector<16xf32>
        %swap3A_382 = arith.index_cast %add3A_370 : i32 to index
        %swap3A_383 = tpu.vector_load %arg6[%swap3A_382] {strides = array<i32>} : memref<16384xf32, #tpu.memory_space<vmem>>, vector<16xf32>,
        %swap3A_384 = vector.shape_cast %swap3A_383 : vector<16xf32> to vector<16xf32>
        %swap3A_385 = vector.shape_cast %select_n3A_381 : vector<16xf32> to vector<16xf32>
        tpu.vector_store %arg6[%swap3A_382], %swap3A_385 {strides = array<i32>} : memref<16384xf32, #tpu.memory_space<vmem>>, vector<16xf32>,
        %add3A_386 = arith.constant 256 : i32
        %add3A_387 = arith.addi %mul3A_32, %add3A_386 : i32
        %add3A_388 = arith.constant 16 : i32
        %add3A_389 = arith.addi %add3A_387, %add3A_388 : i32
        %get3A_390 = arith.index_cast %add3A_389 : i32 to index
        %get3A_391 = tpu.vector_load %arg6[%get3A_390] {strides = array<i32>} : memref<16384xf32, #tpu.memory_space<vmem>>, vector<16xf32>,
        %get3A_392 = vector.shape_cast %get3A_391 : vector<16xf32> to vector<16xf32>
        %add3A_393 = arith.constant 16 : i32
        %add3A_394 = vector.broadcast %add3A_393 : i32 to vector<16xi32>
        %add3A_395 = arith.addi %iota3A, %add3A_394 : vector<16xi32>
        %eq3A_396 = arith.cmpi eq, %add3A_395, %gather3A_366 : vector<16xi32>
        %add3A_397 = arith.constant 1.000000e+00 : f32
        %add3A_398 = vector.broadcast %add3A_397 : f32 to vector<16xf32>
        %add3A_399 = arith.addf %get3A_392, %add3A_398 : vector<16xf32>
        %select_n3A_400 = arith.select %eq3A_396, %add3A_399, %get3A_392 : vector<16xi1>, vector<16xf32>
        %swap3A_401 = arith.index_cast %add3A_389 : i32 to index
        %swap3A_402 = tpu.vector_load %arg6[%swap3A_401] {strides = array<i32>} : memref<16384xf32, #tpu.memory_space<vmem>>, vector<16xf32>,
        %swap3A_403 = vector.shape_cast %swap3A_402 : vector<16xf32> to vector<16xf32>
        %swap3A_404 = vector.shape_cast %select_n3A_400 : vector<16xf32> to vector<16xf32>
        tpu.vector_store %arg6[%swap3A_401], %swap3A_404 {strides = array<i32>} : memref<16384xf32, #tpu.memory_space<vmem>>, vector<16xf32>,
        %add3A_405 = arith.constant 256 : i32
        %add3A_406 = arith.addi %mul3A_32, %add3A_405 : i32
        %add3A_407 = arith.constant 32 : i32
        %add3A_408 = arith.addi %add3A_406, %add3A_407 : i32
        %get3A_409 = arith.index_cast %add3A_408 : i32 to index
        %get3A_410 = tpu.vector_load %arg6[%get3A_409] {strides = array<i32>} : memref<16384xf32, #tpu.memory_space<vmem>>, vector<16xf32>,
        %get3A_411 = vector.shape_cast %get3A_410 : vector<16xf32> to vector<16xf32>
        %add3A_412 = arith.constant 32 : i32
        %add3A_413 = vector.broadcast %add3A_412 : i32 to vector<16xi32>
        %add3A_414 = arith.addi %iota3A, %add3A_413 : vector<16xi32>
        %eq3A_415 = arith.cmpi eq, %add3A_414, %gather3A_366 : vector<16xi32>
        %add3A_416 = arith.constant 1.000000e+00 : f32
        %add3A_417 = vector.broadcast %add3A_416 : f32 to vector<16xf32>
        %add3A_418 = arith.addf %get3A_411, %add3A_417 : vector<16xf32>
        %select_n3A_419 = arith.select %eq3A_415, %add3A_418, %get3A_411 : vector<16xi1>, vector<16xf32>
        %swap3A_420 = arith.index_cast %add3A_408 : i32 to index
        %swap3A_421 = tpu.vector_load %arg6[%swap3A_420] {strides = array<i32>} : memref<16384xf32, #tpu.memory_space<vmem>>, vector<16xf32>,
        %swap3A_422 = vector.shape_cast %swap3A_421 : vector<16xf32> to vector<16xf32>
        %swap3A_423 = vector.shape_cast %select_n3A_419 : vector<16xf32> to vector<16xf32>
        tpu.vector_store %arg6[%swap3A_420], %swap3A_423 {strides = array<i32>} : memref<16384xf32, #tpu.memory_space<vmem>>, vector<16xf32>,
        %add3A_424 = arith.constant 256 : i32
        %add3A_425 = arith.addi %mul3A_32, %add3A_424 : i32
        %add3A_426 = arith.constant 48 : i32
        %add3A_427 = arith.addi %add3A_425, %add3A_426 : i32
        %get3A_428 = arith.index_cast %add3A_427 : i32 to index
        %get3A_429 = tpu.vector_load %arg6[%get3A_428] {strides = array<i32>} : memref<16384xf32, #tpu.memory_space<vmem>>, vector<16xf32>,
        %get3A_430 = vector.shape_cast %get3A_429 : vector<16xf32> to vector<16xf32>
        %add3A_431 = arith.constant 48 : i32
        %add3A_432 = vector.broadcast %add3A_431 : i32 to vector<16xi32>
        %add3A_433 = arith.addi %iota3A, %add3A_432 : vector<16xi32>
        %eq3A_434 = arith.cmpi eq, %add3A_433, %gather3A_366 : vector<16xi32>
        %add3A_435 = arith.constant 1.000000e+00 : f32
        %add3A_436 = vector.broadcast %add3A_435 : f32 to vector<16xf32>
        %add3A_437 = arith.addf %get3A_430, %add3A_436 : vector<16xf32>
        %select_n3A_438 = arith.select %eq3A_434, %add3A_437, %get3A_430 : vector<16xi1>, vector<16xf32>
        %swap3A_439 = arith.index_cast %add3A_427 : i32 to index
        %swap3A_440 = tpu.vector_load %arg6[%swap3A_439] {strides = array<i32>} : memref<16384xf32, #tpu.memory_space<vmem>>, vector<16xf32>,
        %swap3A_441 = vector.shape_cast %swap3A_440 : vector<16xf32> to vector<16xf32>
        %swap3A_442 = vector.shape_cast %select_n3A_438 : vector<16xf32> to vector<16xf32>
        tpu.vector_store %arg6[%swap3A_439], %swap3A_442 {strides = array<i32>} : memref<16384xf32, #tpu.memory_space<vmem>>, vector<16xf32>,
        %add3A_443 = arith.constant 256 : i32
        %add3A_444 = arith.addi %mul3A_32, %add3A_443 : i32
        %add3A_445 = arith.constant 64 : i32
        %add3A_446 = arith.addi %add3A_444, %add3A_445 : i32
        %get3A_447 = arith.index_cast %add3A_446 : i32 to index
        %get3A_448 = tpu.vector_load %arg6[%get3A_447] {strides = array<i32>} : memref<16384xf32, #tpu.memory_space<vmem>>, vector<16xf32>,
        %get3A_449 = vector.shape_cast %get3A_448 : vector<16xf32> to vector<16xf32>
        %add3A_450 = arith.constant 64 : i32
        %add3A_451 = vector.broadcast %add3A_450 : i32 to vector<16xi32>
        %add3A_452 = arith.addi %iota3A, %add3A_451 : vector<16xi32>
        %eq3A_453 = arith.cmpi eq, %add3A_452, %gather3A_366 : vector<16xi32>
        %add3A_454 = arith.constant 1.000000e+00 : f32
        %add3A_455 = vector.broadcast %add3A_454 : f32 to vector<16xf32>
        %add3A_456 = arith.addf %get3A_449, %add3A_455 : vector<16xf32>
        %select_n3A_457 = arith.select %eq3A_453, %add3A_456, %get3A_449 : vector<16xi1>, vector<16xf32>
        %swap3A_458 = arith.index_cast %add3A_446 : i32 to index
        %swap3A_459 = tpu.vector_load %arg6[%swap3A_458] {strides = array<i32>} : memref<16384xf32, #tpu.memory_space<vmem>>, vector<16xf32>,
        %swap3A_460 = vector.shape_cast %swap3A_459 : vector<16xf32> to vector<16xf32>
        %swap3A_461 = vector.shape_cast %select_n3A_457 : vector<16xf32> to vector<16xf32>
        tpu.vector_store %arg6[%swap3A_458], %swap3A_461 {strides = array<i32>} : memref<16384xf32, #tpu.memory_space<vmem>>, vector<16xf32>,
        %add3A_462 = arith.constant 256 : i32
        %add3A_463 = arith.addi %mul3A_32, %add3A_462 : i32
        %add3A_464 = arith.constant 80 : i32
        %add3A_465 = arith.addi %add3A_463, %add3A_464 : i32
        %get3A_466 = arith.index_cast %add3A_465 : i32 to index
        %get3A_467 = tpu.vector_load %arg6[%get3A_466] {strides = array<i32>} : memref<16384xf32, #tpu.memory_space<vmem>>, vector<16xf32>,
        %get3A_468 = vector.shape_cast %get3A_467 : vector<16xf32> to vector<16xf32>
        %add3A_469 = arith.constant 80 : i32
        %add3A_470 = vector.broadcast %add3A_469 : i32 to vector<16xi32>
        %add3A_471 = arith.addi %iota3A, %add3A_470 : vector<16xi32>
        %eq3A_472 = arith.cmpi eq, %add3A_471, %gather3A_366 : vector<16xi32>
        %add3A_473 = arith.constant 1.000000e+00 : f32
        %add3A_474 = vector.broadcast %add3A_473 : f32 to vector<16xf32>
        %add3A_475 = arith.addf %get3A_468, %add3A_474 : vector<16xf32>
        %select_n3A_476 = arith.select %eq3A_472, %add3A_475, %get3A_468 : vector<16xi1>, vector<16xf32>
        %swap3A_477 = arith.index_cast %add3A_465 : i32 to index
        %swap3A_478 = tpu.vector_load %arg6[%swap3A_477] {strides = array<i32>} : memref<16384xf32, #tpu.memory_space<vmem>>, vector<16xf32>,
        %swap3A_479 = vector.shape_cast %swap3A_478 : vector<16xf32> to vector<16xf32>
        %swap3A_480 = vector.shape_cast %select_n3A_476 : vector<16xf32> to vector<16xf32>
        tpu.vector_store %arg6[%swap3A_477], %swap3A_480 {strides = array<i32>} : memref<16384xf32, #tpu.memory_space<vmem>>, vector<16xf32>,
        %add3A_481 = arith.constant 256 : i32
        %add3A_482 = arith.addi %mul3A_32, %add3A_481 : i32
        %add3A_483 = arith.constant 96 : i32
        %add3A_484 = arith.addi %add3A_482, %add3A_483 : i32
        %get3A_485 = arith.index_cast %add3A_484 : i32 to index
        %get3A_486 = tpu.vector_load %arg6[%get3A_485] {strides = array<i32>} : memref<16384xf32, #tpu.memory_space<vmem>>, vector<16xf32>,
        %get3A_487 = vector.shape_cast %get3A_486 : vector<16xf32> to vector<16xf32>
        %add3A_488 = arith.constant 96 : i32
        %add3A_489 = vector.broadcast %add3A_488 : i32 to vector<16xi32>
        %add3A_490 = arith.addi %iota3A, %add3A_489 : vector<16xi32>
        %eq3A_491 = arith.cmpi eq, %add3A_490, %gather3A_366 : vector<16xi32>
        %add3A_492 = arith.constant 1.000000e+00 : f32
        %add3A_493 = vector.broadcast %add3A_492 : f32 to vector<16xf32>
        %add3A_494 = arith.addf %get3A_487, %add3A_493 : vector<16xf32>
        %select_n3A_495 = arith.select %eq3A_491, %add3A_494, %get3A_487 : vector<16xi1>, vector<16xf32>
        %swap3A_496 = arith.index_cast %add3A_484 : i32 to index
        %swap3A_497 = tpu.vector_load %arg6[%swap3A_496] {strides = array<i32>} : memref<16384xf32, #tpu.memory_space<vmem>>, vector<16xf32>,
        %swap3A_498 = vector.shape_cast %swap3A_497 : vector<16xf32> to vector<16xf32>
        %swap3A_499 = vector.shape_cast %select_n3A_495 : vector<16xf32> to vector<16xf32>
        tpu.vector_store %arg6[%swap3A_496], %swap3A_499 {strides = array<i32>} : memref<16384xf32, #tpu.memory_space<vmem>>, vector<16xf32>,
        %add3A_500 = arith.constant 256 : i32
        %add3A_501 = arith.addi %mul3A_32, %add3A_500 : i32
        %add3A_502 = arith.constant 112 : i32
        %add3A_503 = arith.addi %add3A_501, %add3A_502 : i32
        %get3A_504 = arith.index_cast %add3A_503 : i32 to index
        %get3A_505 = tpu.vector_load %arg6[%get3A_504] {strides = array<i32>} : memref<16384xf32, #tpu.memory_space<vmem>>, vector<16xf32>,
        %get3A_506 = vector.shape_cast %get3A_505 : vector<16xf32> to vector<16xf32>
        %add3A_507 = arith.constant 112 : i32
        %add3A_508 = vector.broadcast %add3A_507 : i32 to vector<16xi32>
        %add3A_509 = arith.addi %iota3A, %add3A_508 : vector<16xi32>
        %eq3A_510 = arith.cmpi eq, %add3A_509, %gather3A_366 : vector<16xi32>
        %add3A_511 = arith.constant 1.000000e+00 : f32
        %add3A_512 = vector.broadcast %add3A_511 : f32 to vector<16xf32>
        %add3A_513 = arith.addf %get3A_506, %add3A_512 : vector<16xf32>
        %select_n3A_514 = arith.select %eq3A_510, %add3A_513, %get3A_506 : vector<16xi1>, vector<16xf32>
        %swap3A_515 = arith.index_cast %add3A_503 : i32 to index
        %swap3A_516 = tpu.vector_load %arg6[%swap3A_515] {strides = array<i32>} : memref<16384xf32, #tpu.memory_space<vmem>>, vector<16xf32>,
        %swap3A_517 = vector.shape_cast %swap3A_516 : vector<16xf32> to vector<16xf32>
        %swap3A_518 = vector.shape_cast %select_n3A_514 : vector<16xf32> to vector<16xf32>
        tpu.vector_store %arg6[%swap3A_515], %swap3A_518 {strides = array<i32>} : memref<16384xf32, #tpu.memory_space<vmem>>, vector<16xf32>,
        %broadcast_in_dim3A_519 = arith.constant 3 : i32
        %broadcast_in_dim3A_520 = vector.broadcast %broadcast_in_dim3A_519 : i32 to vector<16xi32>
        %lt3A_521 = arith.constant 0 : i32
        %lt3A_522 = vector.broadcast %lt3A_521 : i32 to vector<16xi32>
        %lt3A_523 = arith.cmpi slt, %broadcast_in_dim3A_520, %lt3A_522 : vector<16xi32>
        %add3A_524 = arith.constant 16 : i32
        %add3A_525 = vector.broadcast %add3A_524 : i32 to vector<16xi32>
        %add3A_526 = arith.addi %broadcast_in_dim3A_520, %add3A_525 : vector<16xi32>
        %select_n3A_527 = arith.select %lt3A_523, %add3A_526, %broadcast_in_dim3A_520 : vector<16xi1>, vector<16xi32>
        %broadcast_in_dim3A_528 = vector.shape_cast %select_n3A_527 : vector<16xi32> to vector<16x1xi32>
        %gather3A_529 = vector.shape_cast %broadcast_in_dim3A_528 : vector<16x1xi32> to vector<16xi32>
        %gather3A_530 = tpu.dynamic_gather %get3A_28[%gather3A_529] in [0] : vector<16xi32>, vector<16xi32> -> vector<16xi32>
        %add3A_531 = arith.constant 384 : i32
        %add3A_532 = arith.addi %mul3A_32, %add3A_531 : i32
        %add3A_533 = arith.constant 0 : i32
        %add3A_534 = arith.addi %add3A_532, %add3A_533 : i32
        %get3A_535 = arith.index_cast %add3A_534 : i32 to index
        %get3A_536 = tpu.vector_load %arg6[%get3A_535] {strides = array<i32>} : memref<16384xf32, #tpu.memory_space<vmem>>, vector<16xf32>,
        %get3A_537 = vector.shape_cast %get3A_536 : vector<16xf32> to vector<16xf32>
        %add3A_538 = arith.constant 0 : i32
        %add3A_539 = vector.broadcast %add3A_538 : i32 to vector<16xi32>
        %add3A_540 = arith.addi %iota3A, %add3A_539 : vector<16xi32>
        %eq3A_541 = arith.cmpi eq, %add3A_540, %gather3A_530 : vector<16xi32>
        %add3A_542 = arith.constant 1.000000e+00 : f32
        %add3A_543 = vector.broadcast %add3A_542 : f32 to vector<16xf32>
        %add3A_544 = arith.addf %get3A_537, %add3A_543 : vector<16xf32>
        %select_n3A_545 = arith.select %eq3A_541, %add3A_544, %get3A_537 : vector<16xi1>, vector<16xf32>
        %swap3A_546 = arith.index_cast %add3A_534 : i32 to index
        %swap3A_547 = tpu.vector_load %arg6[%swap3A_546] {strides = array<i32>} : memref<16384xf32, #tpu.memory_space<vmem>>, vector<16xf32>,
        %swap3A_548 = vector.shape_cast %swap3A_547 : vector<16xf32> to vector<16xf32>
        %swap3A_549 = vector.shape_cast %select_n3A_545 : vector<16xf32> to vector<16xf32>
        tpu.vector_store %arg6[%swap3A_546], %swap3A_549 {strides = array<i32>} : memref<16384xf32, #tpu.memory_space<vmem>>, vector<16xf32>,
        %add3A_550 = arith.constant 384 : i32
        %add3A_551 = arith.addi %mul3A_32, %add3A_550 : i32
        %add3A_552 = arith.constant 16 : i32
        %add3A_553 = arith.addi %add3A_551, %add3A_552 : i32
        %get3A_554 = arith.index_cast %add3A_553 : i32 to index
        %get3A_555 = tpu.vector_load %arg6[%get3A_554] {strides = array<i32>} : memref<16384xf32, #tpu.memory_space<vmem>>, vector<16xf32>,
        %get3A_556 = vector.shape_cast %get3A_555 : vector<16xf32> to vector<16xf32>
        %add3A_557 = arith.constant 16 : i32
        %add3A_558 = vector.broadcast %add3A_557 : i32 to vector<16xi32>
        %add3A_559 = arith.addi %iota3A, %add3A_558 : vector<16xi32>
        %eq3A_560 = arith.cmpi eq, %add3A_559, %gather3A_530 : vector<16xi32>
        %add3A_561 = arith.constant 1.000000e+00 : f32
        %add3A_562 = vector.broadcast %add3A_561 : f32 to vector<16xf32>
        %add3A_563 = arith.addf %get3A_556, %add3A_562 : vector<16xf32>
        %select_n3A_564 = arith.select %eq3A_560, %add3A_563, %get3A_556 : vector<16xi1>, vector<16xf32>
        %swap3A_565 = arith.index_cast %add3A_553 : i32 to index
        %swap3A_566 = tpu.vector_load %arg6[%swap3A_565] {strides = array<i32>} : memref<16384xf32, #tpu.memory_space<vmem>>, vector<16xf32>,
        %swap3A_567 = vector.shape_cast %swap3A_566 : vector<16xf32> to vector<16xf32>
        %swap3A_568 = vector.shape_cast %select_n3A_564 : vector<16xf32> to vector<16xf32>
        tpu.vector_store %arg6[%swap3A_565], %swap3A_568 {strides = array<i32>} : memref<16384xf32, #tpu.memory_space<vmem>>, vector<16xf32>,
        %add3A_569 = arith.constant 384 : i32
        %add3A_570 = arith.addi %mul3A_32, %add3A_569 : i32
        %add3A_571 = arith.constant 32 : i32
        %add3A_572 = arith.addi %add3A_570, %add3A_571 : i32
        %get3A_573 = arith.index_cast %add3A_572 : i32 to index
        %get3A_574 = tpu.vector_load %arg6[%get3A_573] {strides = array<i32>} : memref<16384xf32, #tpu.memory_space<vmem>>, vector<16xf32>,
        %get3A_575 = vector.shape_cast %get3A_574 : vector<16xf32> to vector<16xf32>
        %add3A_576 = arith.constant 32 : i32
        %add3A_577 = vector.broadcast %add3A_576 : i32 to vector<16xi32>
        %add3A_578 = arith.addi %iota3A, %add3A_577 : vector<16xi32>
        %eq3A_579 = arith.cmpi eq, %add3A_578, %gather3A_530 : vector<16xi32>
        %add3A_580 = arith.constant 1.000000e+00 : f32
        %add3A_581 = vector.broadcast %add3A_580 : f32 to vector<16xf32>
        %add3A_582 = arith.addf %get3A_575, %add3A_581 : vector<16xf32>
        %select_n3A_583 = arith.select %eq3A_579, %add3A_582, %get3A_575 : vector<16xi1>, vector<16xf32>
        %swap3A_584 = arith.index_cast %add3A_572 : i32 to index
        %swap3A_585 = tpu.vector_load %arg6[%swap3A_584] {strides = array<i32>} : memref<16384xf32, #tpu.memory_space<vmem>>, vector<16xf32>,
        %swap3A_586 = vector.shape_cast %swap3A_585 : vector<16xf32> to vector<16xf32>
        %swap3A_587 = vector.shape_cast %select_n3A_583 : vector<16xf32> to vector<16xf32>
        tpu.vector_store %arg6[%swap3A_584], %swap3A_587 {strides = array<i32>} : memref<16384xf32, #tpu.memory_space<vmem>>, vector<16xf32>,
        %add3A_588 = arith.constant 384 : i32
        %add3A_589 = arith.addi %mul3A_32, %add3A_588 : i32
        %add3A_590 = arith.constant 48 : i32
        %add3A_591 = arith.addi %add3A_589, %add3A_590 : i32
        %get3A_592 = arith.index_cast %add3A_591 : i32 to index
        %get3A_593 = tpu.vector_load %arg6[%get3A_592] {strides = array<i32>} : memref<16384xf32, #tpu.memory_space<vmem>>, vector<16xf32>,
        %get3A_594 = vector.shape_cast %get3A_593 : vector<16xf32> to vector<16xf32>
        %add3A_595 = arith.constant 48 : i32
        %add3A_596 = vector.broadcast %add3A_595 : i32 to vector<16xi32>
        %add3A_597 = arith.addi %iota3A, %add3A_596 : vector<16xi32>
        %eq3A_598 = arith.cmpi eq, %add3A_597, %gather3A_530 : vector<16xi32>
        %add3A_599 = arith.constant 1.000000e+00 : f32
        %add3A_600 = vector.broadcast %add3A_599 : f32 to vector<16xf32>
        %add3A_601 = arith.addf %get3A_594, %add3A_600 : vector<16xf32>
        %select_n3A_602 = arith.select %eq3A_598, %add3A_601, %get3A_594 : vector<16xi1>, vector<16xf32>
        %swap3A_603 = arith.index_cast %add3A_591 : i32 to index
        %swap3A_604 = tpu.vector_load %arg6[%swap3A_603] {strides = array<i32>} : memref<16384xf32, #tpu.memory_space<vmem>>, vector<16xf32>,
        %swap3A_605 = vector.shape_cast %swap3A_604 : vector<16xf32> to vector<16xf32>
        %swap3A_606 = vector.shape_cast %select_n3A_602 : vector<16xf32> to vector<16xf32>
        tpu.vector_store %arg6[%swap3A_603], %swap3A_606 {strides = array<i32>} : memref<16384xf32, #tpu.memory_space<vmem>>, vector<16xf32>,
        %add3A_607 = arith.constant 384 : i32
        %add3A_608 = arith.addi %mul3A_32, %add3A_607 : i32
        %add3A_609 = arith.constant 64 : i32
        %add3A_610 = arith.addi %add3A_608, %add3A_609 : i32
        %get3A_611 = arith.index_cast %add3A_610 : i32 to index
        %get3A_612 = tpu.vector_load %arg6[%get3A_611] {strides = array<i32>} : memref<16384xf32, #tpu.memory_space<vmem>>, vector<16xf32>,
        %get3A_613 = vector.shape_cast %get3A_612 : vector<16xf32> to vector<16xf32>
        %add3A_614 = arith.constant 64 : i32
        %add3A_615 = vector.broadcast %add3A_614 : i32 to vector<16xi32>
        %add3A_616 = arith.addi %iota3A, %add3A_615 : vector<16xi32>
        %eq3A_617 = arith.cmpi eq, %add3A_616, %gather3A_530 : vector<16xi32>
        %add3A_618 = arith.constant 1.000000e+00 : f32
        %add3A_619 = vector.broadcast %add3A_618 : f32 to vector<16xf32>
        %add3A_620 = arith.addf %get3A_613, %add3A_619 : vector<16xf32>
        %select_n3A_621 = arith.select %eq3A_617, %add3A_620, %get3A_613 : vector<16xi1>, vector<16xf32>
        %swap3A_622 = arith.index_cast %add3A_610 : i32 to index
        %swap3A_623 = tpu.vector_load %arg6[%swap3A_622] {strides = array<i32>} : memref<16384xf32, #tpu.memory_space<vmem>>, vector<16xf32>,
        %swap3A_624 = vector.shape_cast %swap3A_623 : vector<16xf32> to vector<16xf32>
        %swap3A_625 = vector.shape_cast %select_n3A_621 : vector<16xf32> to vector<16xf32>
        tpu.vector_store %arg6[%swap3A_622], %swap3A_625 {strides = array<i32>} : memref<16384xf32, #tpu.memory_space<vmem>>, vector<16xf32>,
        %add3A_626 = arith.constant 384 : i32
        %add3A_627 = arith.addi %mul3A_32, %add3A_626 : i32
        %add3A_628 = arith.constant 80 : i32
        %add3A_629 = arith.addi %add3A_627, %add3A_628 : i32
        %get3A_630 = arith.index_cast %add3A_629 : i32 to index
        %get3A_631 = tpu.vector_load %arg6[%get3A_630] {strides = array<i32>} : memref<16384xf32, #tpu.memory_space<vmem>>, vector<16xf32>,
        %get3A_632 = vector.shape_cast %get3A_631 : vector<16xf32> to vector<16xf32>
        %add3A_633 = arith.constant 80 : i32
        %add3A_634 = vector.broadcast %add3A_633 : i32 to vector<16xi32>
        %add3A_635 = arith.addi %iota3A, %add3A_634 : vector<16xi32>
        %eq3A_636 = arith.cmpi eq, %add3A_635, %gather3A_530 : vector<16xi32>
        %add3A_637 = arith.constant 1.000000e+00 : f32
        %add3A_638 = vector.broadcast %add3A_637 : f32 to vector<16xf32>
        %add3A_639 = arith.addf %get3A_632, %add3A_638 : vector<16xf32>
        %select_n3A_640 = arith.select %eq3A_636, %add3A_639, %get3A_632 : vector<16xi1>, vector<16xf32>
        %swap3A_641 = arith.index_cast %add3A_629 : i32 to index
        %swap3A_642 = tpu.vector_load %arg6[%swap3A_641] {strides = array<i32>} : memref<16384xf32, #tpu.memory_space<vmem>>, vector<16xf32>,
        %swap3A_643 = vector.shape_cast %swap3A_642 : vector<16xf32> to vector<16xf32>
        %swap3A_644 = vector.shape_cast %select_n3A_640 : vector<16xf32> to vector<16xf32>
        tpu.vector_store %arg6[%swap3A_641], %swap3A_644 {strides = array<i32>} : memref<16384xf32, #tpu.memory_space<vmem>>, vector<16xf32>,
        %add3A_645 = arith.constant 384 : i32
        %add3A_646 = arith.addi %mul3A_32, %add3A_645 : i32
        %add3A_647 = arith.constant 96 : i32
        %add3A_648 = arith.addi %add3A_646, %add3A_647 : i32
        %get3A_649 = arith.index_cast %add3A_648 : i32 to index
        %get3A_650 = tpu.vector_load %arg6[%get3A_649] {strides = array<i32>} : memref<16384xf32, #tpu.memory_space<vmem>>, vector<16xf32>,
        %get3A_651 = vector.shape_cast %get3A_650 : vector<16xf32> to vector<16xf32>
        %add3A_652 = arith.constant 96 : i32
        %add3A_653 = vector.broadcast %add3A_652 : i32 to vector<16xi32>
        %add3A_654 = arith.addi %iota3A, %add3A_653 : vector<16xi32>
        %eq3A_655 = arith.cmpi eq, %add3A_654, %gather3A_530 : vector<16xi32>
        %add3A_656 = arith.constant 1.000000e+00 : f32
        %add3A_657 = vector.broadcast %add3A_656 : f32 to vector<16xf32>
        %add3A_658 = arith.addf %get3A_651, %add3A_657 : vector<16xf32>
        %select_n3A_659 = arith.select %eq3A_655, %add3A_658, %get3A_651 : vector<16xi1>, vector<16xf32>
        %swap3A_660 = arith.index_cast %add3A_648 : i32 to index
        %swap3A_661 = tpu.vector_load %arg6[%swap3A_660] {strides = array<i32>} : memref<16384xf32, #tpu.memory_space<vmem>>, vector<16xf32>,
        %swap3A_662 = vector.shape_cast %swap3A_661 : vector<16xf32> to vector<16xf32>
        %swap3A_663 = vector.shape_cast %select_n3A_659 : vector<16xf32> to vector<16xf32>
        tpu.vector_store %arg6[%swap3A_660], %swap3A_663 {strides = array<i32>} : memref<16384xf32, #tpu.memory_space<vmem>>, vector<16xf32>,
        %add3A_664 = arith.constant 384 : i32
        %add3A_665 = arith.addi %mul3A_32, %add3A_664 : i32
        %add3A_666 = arith.constant 112 : i32
        %add3A_667 = arith.addi %add3A_665, %add3A_666 : i32
        %get3A_668 = arith.index_cast %add3A_667 : i32 to index
        %get3A_669 = tpu.vector_load %arg6[%get3A_668] {strides = array<i32>} : memref<16384xf32, #tpu.memory_space<vmem>>, vector<16xf32>,
        %get3A_670 = vector.shape_cast %get3A_669 : vector<16xf32> to vector<16xf32>
        %add3A_671 = arith.constant 112 : i32
        %add3A_672 = vector.broadcast %add3A_671 : i32 to vector<16xi32>
        %add3A_673 = arith.addi %iota3A, %add3A_672 : vector<16xi32>
        %eq3A_674 = arith.cmpi eq, %add3A_673, %gather3A_530 : vector<16xi32>
        %add3A_675 = arith.constant 1.000000e+00 : f32
        %add3A_676 = vector.broadcast %add3A_675 : f32 to vector<16xf32>
        %add3A_677 = arith.addf %get3A_670, %add3A_676 : vector<16xf32>
        %select_n3A_678 = arith.select %eq3A_674, %add3A_677, %get3A_670 : vector<16xi1>, vector<16xf32>
        %swap3A_679 = arith.index_cast %add3A_667 : i32 to index
        %swap3A_680 = tpu.vector_load %arg6[%swap3A_679] {strides = array<i32>} : memref<16384xf32, #tpu.memory_space<vmem>>, vector<16xf32>,
        %swap3A_681 = vector.shape_cast %swap3A_680 : vector<16xf32> to vector<16xf32>
        %swap3A_682 = vector.shape_cast %select_n3A_678 : vector<16xf32> to vector<16xf32>
        tpu.vector_store %arg6[%swap3A_679], %swap3A_682 {strides = array<i32>} : memref<16384xf32, #tpu.memory_space<vmem>>, vector<16xf32>,
        %broadcast_in_dim3A_683 = arith.constant 4 : i32
        %broadcast_in_dim3A_684 = vector.broadcast %broadcast_in_dim3A_683 : i32 to vector<16xi32>
        %lt3A_685 = arith.constant 0 : i32
        %lt3A_686 = vector.broadcast %lt3A_685 : i32 to vector<16xi32>
        %lt3A_687 = arith.cmpi slt, %broadcast_in_dim3A_684, %lt3A_686 : vector<16xi32>
        %add3A_688 = arith.constant 16 : i32
        %add3A_689 = vector.broadcast %add3A_688 : i32 to vector<16xi32>
        %add3A_690 = arith.addi %broadcast_in_dim3A_684, %add3A_689 : vector<16xi32>
        %select_n3A_691 = arith.select %lt3A_687, %add3A_690, %broadcast_in_dim3A_684 : vector<16xi1>, vector<16xi32>
        %broadcast_in_dim3A_692 = vector.shape_cast %select_n3A_691 : vector<16xi32> to vector<16x1xi32>
        %gather3A_693 = vector.shape_cast %broadcast_in_dim3A_692 : vector<16x1xi32> to vector<16xi32>
        %gather3A_694 = tpu.dynamic_gather %get3A_28[%gather3A_693] in [0] : vector<16xi32>, vector<16xi32> -> vector<16xi32>
        %add3A_695 = arith.constant 512 : i32
        %add3A_696 = arith.addi %mul3A_32, %add3A_695 : i32
        %add3A_697 = arith.constant 0 : i32
        %add3A_698 = arith.addi %add3A_696, %add3A_697 : i32
        %get3A_699 = arith.index_cast %add3A_698 : i32 to index
        %get3A_700 = tpu.vector_load %arg6[%get3A_699] {strides = array<i32>} : memref<16384xf32, #tpu.memory_space<vmem>>, vector<16xf32>,
        %get3A_701 = vector.shape_cast %get3A_700 : vector<16xf32> to vector<16xf32>
        %add3A_702 = arith.constant 0 : i32
        %add3A_703 = vector.broadcast %add3A_702 : i32 to vector<16xi32>
        %add3A_704 = arith.addi %iota3A, %add3A_703 : vector<16xi32>
        %eq3A_705 = arith.cmpi eq, %add3A_704, %gather3A_694 : vector<16xi32>
        %add3A_706 = arith.constant 1.000000e+00 : f32
        %add3A_707 = vector.broadcast %add3A_706 : f32 to vector<16xf32>
        %add3A_708 = arith.addf %get3A_701, %add3A_707 : vector<16xf32>
        %select_n3A_709 = arith.select %eq3A_705, %add3A_708, %get3A_701 : vector<16xi1>, vector<16xf32>
        %swap3A_710 = arith.index_cast %add3A_698 : i32 to index
        %swap3A_711 = tpu.vector_load %arg6[%swap3A_710] {strides = array<i32>} : memref<16384xf32, #tpu.memory_space<vmem>>, vector<16xf32>,
        %swap3A_712 = vector.shape_cast %swap3A_711 : vector<16xf32> to vector<16xf32>
        %swap3A_713 = vector.shape_cast %select_n3A_709 : vector<16xf32> to vector<16xf32>
        tpu.vector_store %arg6[%swap3A_710], %swap3A_713 {strides = array<i32>} : memref<16384xf32, #tpu.memory_space<vmem>>, vector<16xf32>,
        %add3A_714 = arith.constant 512 : i32
        %add3A_715 = arith.addi %mul3A_32, %add3A_714 : i32
        %add3A_716 = arith.constant 16 : i32
        %add3A_717 = arith.addi %add3A_715, %add3A_716 : i32
        %get3A_718 = arith.index_cast %add3A_717 : i32 to index
        %get3A_719 = tpu.vector_load %arg6[%get3A_718] {strides = array<i32>} : memref<16384xf32, #tpu.memory_space<vmem>>, vector<16xf32>,
        %get3A_720 = vector.shape_cast %get3A_719 : vector<16xf32> to vector<16xf32>
        %add3A_721 = arith.constant 16 : i32
        %add3A_722 = vector.broadcast %add3A_721 : i32 to vector<16xi32>
        %add3A_723 = arith.addi %iota3A, %add3A_722 : vector<16xi32>
        %eq3A_724 = arith.cmpi eq, %add3A_723, %gather3A_694 : vector<16xi32>
        %add3A_725 = arith.constant 1.000000e+00 : f32
        %add3A_726 = vector.broadcast %add3A_725 : f32 to vector<16xf32>
        %add3A_727 = arith.addf %get3A_720, %add3A_726 : vector<16xf32>
        %select_n3A_728 = arith.select %eq3A_724, %add3A_727, %get3A_720 : vector<16xi1>, vector<16xf32>
        %swap3A_729 = arith.index_cast %add3A_717 : i32 to index
        %swap3A_730 = tpu.vector_load %arg6[%swap3A_729] {strides = array<i32>} : memref<16384xf32, #tpu.memory_space<vmem>>, vector<16xf32>,
        %swap3A_731 = vector.shape_cast %swap3A_730 : vector<16xf32> to vector<16xf32>
        %swap3A_732 = vector.shape_cast %select_n3A_728 : vector<16xf32> to vector<16xf32>
        tpu.vector_store %arg6[%swap3A_729], %swap3A_732 {strides = array<i32>} : memref<16384xf32, #tpu.memory_space<vmem>>, vector<16xf32>,
        %add3A_733 = arith.constant 512 : i32
        %add3A_734 = arith.addi %mul3A_32, %add3A_733 : i32
        %add3A_735 = arith.constant 32 : i32
        %add3A_736 = arith.addi %add3A_734, %add3A_735 : i32
        %get3A_737 = arith.index_cast %add3A_736 : i32 to index
        %get3A_738 = tpu.vector_load %arg6[%get3A_737] {strides = array<i32>} : memref<16384xf32, #tpu.memory_space<vmem>>, vector<16xf32>,
        %get3A_739 = vector.shape_cast %get3A_738 : vector<16xf32> to vector<16xf32>
        %add3A_740 = arith.constant 32 : i32
        %add3A_741 = vector.broadcast %add3A_740 : i32 to vector<16xi32>
        %add3A_742 = arith.addi %iota3A, %add3A_741 : vector<16xi32>
        %eq3A_743 = arith.cmpi eq, %add3A_742, %gather3A_694 : vector<16xi32>
        %add3A_744 = arith.constant 1.000000e+00 : f32
        %add3A_745 = vector.broadcast %add3A_744 : f32 to vector<16xf32>
        %add3A_746 = arith.addf %get3A_739, %add3A_745 : vector<16xf32>
        %select_n3A_747 = arith.select %eq3A_743, %add3A_746, %get3A_739 : vector<16xi1>, vector<16xf32>
        %swap3A_748 = arith.index_cast %add3A_736 : i32 to index
        %swap3A_749 = tpu.vector_load %arg6[%swap3A_748] {strides = array<i32>} : memref<16384xf32, #tpu.memory_space<vmem>>, vector<16xf32>,
        %swap3A_750 = vector.shape_cast %swap3A_749 : vector<16xf32> to vector<16xf32>
        %swap3A_751 = vector.shape_cast %select_n3A_747 : vector<16xf32> to vector<16xf32>
        tpu.vector_store %arg6[%swap3A_748], %swap3A_751 {strides = array<i32>} : memref<16384xf32, #tpu.memory_space<vmem>>, vector<16xf32>,
        %add3A_752 = arith.constant 512 : i32
        %add3A_753 = arith.addi %mul3A_32, %add3A_752 : i32
        %add3A_754 = arith.constant 48 : i32
        %add3A_755 = arith.addi %add3A_753, %add3A_754 : i32
        %get3A_756 = arith.index_cast %add3A_755 : i32 to index
        %get3A_757 = tpu.vector_load %arg6[%get3A_756] {strides = array<i32>} : memref<16384xf32, #tpu.memory_space<vmem>>, vector<16xf32>,
        %get3A_758 = vector.shape_cast %get3A_757 : vector<16xf32> to vector<16xf32>
        %add3A_759 = arith.constant 48 : i32
        %add3A_760 = vector.broadcast %add3A_759 : i32 to vector<16xi32>
        %add3A_761 = arith.addi %iota3A, %add3A_760 : vector<16xi32>
        %eq3A_762 = arith.cmpi eq, %add3A_761, %gather3A_694 : vector<16xi32>
        %add3A_763 = arith.constant 1.000000e+00 : f32
        %add3A_764 = vector.broadcast %add3A_763 : f32 to vector<16xf32>
        %add3A_765 = arith.addf %get3A_758, %add3A_764 : vector<16xf32>
        %select_n3A_766 = arith.select %eq3A_762, %add3A_765, %get3A_758 : vector<16xi1>, vector<16xf32>
        %swap3A_767 = arith.index_cast %add3A_755 : i32 to index
        %swap3A_768 = tpu.vector_load %arg6[%swap3A_767] {strides = array<i32>} : memref<16384xf32, #tpu.memory_space<vmem>>, vector<16xf32>,
        %swap3A_769 = vector.shape_cast %swap3A_768 : vector<16xf32> to vector<16xf32>
        %swap3A_770 = vector.shape_cast %select_n3A_766 : vector<16xf32> to vector<16xf32>
        tpu.vector_store %arg6[%swap3A_767], %swap3A_770 {strides = array<i32>} : memref<16384xf32, #tpu.memory_space<vmem>>, vector<16xf32>,
        %add3A_771 = arith.constant 512 : i32
        %add3A_772 = arith.addi %mul3A_32, %add3A_771 : i32
        %add3A_773 = arith.constant 64 : i32
        %add3A_774 = arith.addi %add3A_772, %add3A_773 : i32
        %get3A_775 = arith.index_cast %add3A_774 : i32 to index
        %get3A_776 = tpu.vector_load %arg6[%get3A_775] {strides = array<i32>} : memref<16384xf32, #tpu.memory_space<vmem>>, vector<16xf32>,
        %get3A_777 = vector.shape_cast %get3A_776 : vector<16xf32> to vector<16xf32>
        %add3A_778 = arith.constant 64 : i32
        %add3A_779 = vector.broadcast %add3A_778 : i32 to vector<16xi32>
        %add3A_780 = arith.addi %iota3A, %add3A_779 : vector<16xi32>
        %eq3A_781 = arith.cmpi eq, %add3A_780, %gather3A_694 : vector<16xi32>
        %add3A_782 = arith.constant 1.000000e+00 : f32
        %add3A_783 = vector.broadcast %add3A_782 : f32 to vector<16xf32>
        %add3A_784 = arith.addf %get3A_777, %add3A_783 : vector<16xf32>
        %select_n3A_785 = arith.select %eq3A_781, %add3A_784, %get3A_777 : vector<16xi1>, vector<16xf32>
        %swap3A_786 = arith.index_cast %add3A_774 : i32 to index
        %swap3A_787 = tpu.vector_load %arg6[%swap3A_786] {strides = array<i32>} : memref<16384xf32, #tpu.memory_space<vmem>>, vector<16xf32>,
        %swap3A_788 = vector.shape_cast %swap3A_787 : vector<16xf32> to vector<16xf32>
        %swap3A_789 = vector.shape_cast %select_n3A_785 : vector<16xf32> to vector<16xf32>
        tpu.vector_store %arg6[%swap3A_786], %swap3A_789 {strides = array<i32>} : memref<16384xf32, #tpu.memory_space<vmem>>, vector<16xf32>,
        %add3A_790 = arith.constant 512 : i32
        %add3A_791 = arith.addi %mul3A_32, %add3A_790 : i32
        %add3A_792 = arith.constant 80 : i32
        %add3A_793 = arith.addi %add3A_791, %add3A_792 : i32
        %get3A_794 = arith.index_cast %add3A_793 : i32 to index
        %get3A_795 = tpu.vector_load %arg6[%get3A_794] {strides = array<i32>} : memref<16384xf32, #tpu.memory_space<vmem>>, vector<16xf32>,
        %get3A_796 = vector.shape_cast %get3A_795 : vector<16xf32> to vector<16xf32>
        %add3A_797 = arith.constant 80 : i32
        %add3A_798 = vector.broadcast %add3A_797 : i32 to vector<16xi32>
        %add3A_799 = arith.addi %iota3A, %add3A_798 : vector<16xi32>
        %eq3A_800 = arith.cmpi eq, %add3A_799, %gather3A_694 : vector<16xi32>
        %add3A_801 = arith.constant 1.000000e+00 : f32
        %add3A_802 = vector.broadcast %add3A_801 : f32 to vector<16xf32>
        %add3A_803 = arith.addf %get3A_796, %add3A_802 : vector<16xf32>
        %select_n3A_804 = arith.select %eq3A_800, %add3A_803, %get3A_796 : vector<16xi1>, vector<16xf32>
        %swap3A_805 = arith.index_cast %add3A_793 : i32 to index
        %swap3A_806 = tpu.vector_load %arg6[%swap3A_805] {strides = array<i32>} : memref<16384xf32, #tpu.memory_space<vmem>>, vector<16xf32>,
        %swap3A_807 = vector.shape_cast %swap3A_806 : vector<16xf32> to vector<16xf32>
        %swap3A_808 = vector.shape_cast %select_n3A_804 : vector<16xf32> to vector<16xf32>
        tpu.vector_store %arg6[%swap3A_805], %swap3A_808 {strides = array<i32>} : memref<16384xf32, #tpu.memory_space<vmem>>, vector<16xf32>,
        %add3A_809 = arith.constant 512 : i32
        %add3A_810 = arith.addi %mul3A_32, %add3A_809 : i32
        %add3A_811 = arith.constant 96 : i32
        %add3A_812 = arith.addi %add3A_810, %add3A_811 : i32
        %get3A_813 = arith.index_cast %add3A_812 : i32 to index
        %get3A_814 = tpu.vector_load %arg6[%get3A_813] {strides = array<i32>} : memref<16384xf32, #tpu.memory_space<vmem>>, vector<16xf32>,
        %get3A_815 = vector.shape_cast %get3A_814 : vector<16xf32> to vector<16xf32>
        %add3A_816 = arith.constant 96 : i32
        %add3A_817 = vector.broadcast %add3A_816 : i32 to vector<16xi32>
        %add3A_818 = arith.addi %iota3A, %add3A_817 : vector<16xi32>
        %eq3A_819 = arith.cmpi eq, %add3A_818, %gather3A_694 : vector<16xi32>
        %add3A_820 = arith.constant 1.000000e+00 : f32
        %add3A_821 = vector.broadcast %add3A_820 : f32 to vector<16xf32>
        %add3A_822 = arith.addf %get3A_815, %add3A_821 : vector<16xf32>
        %select_n3A_823 = arith.select %eq3A_819, %add3A_822, %get3A_815 : vector<16xi1>, vector<16xf32>
        %swap3A_824 = arith.index_cast %add3A_812 : i32 to index
        %swap3A_825 = tpu.vector_load %arg6[%swap3A_824] {strides = array<i32>} : memref<16384xf32, #tpu.memory_space<vmem>>, vector<16xf32>,
        %swap3A_826 = vector.shape_cast %swap3A_825 : vector<16xf32> to vector<16xf32>
        %swap3A_827 = vector.shape_cast %select_n3A_823 : vector<16xf32> to vector<16xf32>
        tpu.vector_store %arg6[%swap3A_824], %swap3A_827 {strides = array<i32>} : memref<16384xf32, #tpu.memory_space<vmem>>, vector<16xf32>,
        %add3A_828 = arith.constant 512 : i32
        %add3A_829 = arith.addi %mul3A_32, %add3A_828 : i32
        %add3A_830 = arith.constant 112 : i32
        %add3A_831 = arith.addi %add3A_829, %add3A_830 : i32
        %get3A_832 = arith.index_cast %add3A_831 : i32 to index
        %get3A_833 = tpu.vector_load %arg6[%get3A_832] {strides = array<i32>} : memref<16384xf32, #tpu.memory_space<vmem>>, vector<16xf32>,
        %get3A_834 = vector.shape_cast %get3A_833 : vector<16xf32> to vector<16xf32>
        %add3A_835 = arith.constant 112 : i32
        %add3A_836 = vector.broadcast %add3A_835 : i32 to vector<16xi32>
        %add3A_837 = arith.addi %iota3A, %add3A_836 : vector<16xi32>
        %eq3A_838 = arith.cmpi eq, %add3A_837, %gather3A_694 : vector<16xi32>
        %add3A_839 = arith.constant 1.000000e+00 : f32
        %add3A_840 = vector.broadcast %add3A_839 : f32 to vector<16xf32>
        %add3A_841 = arith.addf %get3A_834, %add3A_840 : vector<16xf32>
        %select_n3A_842 = arith.select %eq3A_838, %add3A_841, %get3A_834 : vector<16xi1>, vector<16xf32>
        %swap3A_843 = arith.index_cast %add3A_831 : i32 to index
        %swap3A_844 = tpu.vector_load %arg6[%swap3A_843] {strides = array<i32>} : memref<16384xf32, #tpu.memory_space<vmem>>, vector<16xf32>,
        %swap3A_845 = vector.shape_cast %swap3A_844 : vector<16xf32> to vector<16xf32>
        %swap3A_846 = vector.shape_cast %select_n3A_842 : vector<16xf32> to vector<16xf32>
        tpu.vector_store %arg6[%swap3A_843], %swap3A_846 {strides = array<i32>} : memref<16384xf32, #tpu.memory_space<vmem>>, vector<16xf32>,
        %broadcast_in_dim3A_847 = arith.constant 5 : i32
        %broadcast_in_dim3A_848 = vector.broadcast %broadcast_in_dim3A_847 : i32 to vector<16xi32>
        %lt3A_849 = arith.constant 0 : i32
        %lt3A_850 = vector.broadcast %lt3A_849 : i32 to vector<16xi32>
        %lt3A_851 = arith.cmpi slt, %broadcast_in_dim3A_848, %lt3A_850 : vector<16xi32>
        %add3A_852 = arith.constant 16 : i32
        %add3A_853 = vector.broadcast %add3A_852 : i32 to vector<16xi32>
        %add3A_854 = arith.addi %broadcast_in_dim3A_848, %add3A_853 : vector<16xi32>
        %select_n3A_855 = arith.select %lt3A_851, %add3A_854, %broadcast_in_dim3A_848 : vector<16xi1>, vector<16xi32>
        %broadcast_in_dim3A_856 = vector.shape_cast %select_n3A_855 : vector<16xi32> to vector<16x1xi32>
        %gather3A_857 = vector.shape_cast %broadcast_in_dim3A_856 : vector<16x1xi32> to vector<16xi32>
        %gather3A_858 = tpu.dynamic_gather %get3A_28[%gather3A_857] in [0] : vector<16xi32>, vector<16xi32> -> vector<16xi32>
        %add3A_859 = arith.constant 640 : i32
        %add3A_860 = arith.addi %mul3A_32, %add3A_859 : i32
        %add3A_861 = arith.constant 0 : i32
        %add3A_862 = arith.addi %add3A_860, %add3A_861 : i32
        %get3A_863 = arith.index_cast %add3A_862 : i32 to index
        %get3A_864 = tpu.vector_load %arg6[%get3A_863] {strides = array<i32>} : memref<16384xf32, #tpu.memory_space<vmem>>, vector<16xf32>,
        %get3A_865 = vector.shape_cast %get3A_864 : vector<16xf32> to vector<16xf32>
        %add3A_866 = arith.constant 0 : i32
        %add3A_867 = vector.broadcast %add3A_866 : i32 to vector<16xi32>
        %add3A_868 = arith.addi %iota3A, %add3A_867 : vector<16xi32>
        %eq3A_869 = arith.cmpi eq, %add3A_868, %gather3A_858 : vector<16xi32>
        %add3A_870 = arith.constant 1.000000e+00 : f32
        %add3A_871 = vector.broadcast %add3A_870 : f32 to vector<16xf32>
        %add3A_872 = arith.addf %get3A_865, %add3A_871 : vector<16xf32>
        %select_n3A_873 = arith.select %eq3A_869, %add3A_872, %get3A_865 : vector<16xi1>, vector<16xf32>
        %swap3A_874 = arith.index_cast %add3A_862 : i32 to index
        %swap3A_875 = tpu.vector_load %arg6[%swap3A_874] {strides = array<i32>} : memref<16384xf32, #tpu.memory_space<vmem>>, vector<16xf32>,
        %swap3A_876 = vector.shape_cast %swap3A_875 : vector<16xf32> to vector<16xf32>
        %swap3A_877 = vector.shape_cast %select_n3A_873 : vector<16xf32> to vector<16xf32>
        tpu.vector_store %arg6[%swap3A_874], %swap3A_877 {strides = array<i32>} : memref<16384xf32, #tpu.memory_space<vmem>>, vector<16xf32>,
        %add3A_878 = arith.constant 640 : i32
        %add3A_879 = arith.addi %mul3A_32, %add3A_878 : i32
        %add3A_880 = arith.constant 16 : i32
        %add3A_881 = arith.addi %add3A_879, %add3A_880 : i32
        %get3A_882 = arith.index_cast %add3A_881 : i32 to index
        %get3A_883 = tpu.vector_load %arg6[%get3A_882] {strides = array<i32>} : memref<16384xf32, #tpu.memory_space<vmem>>, vector<16xf32>,
        %get3A_884 = vector.shape_cast %get3A_883 : vector<16xf32> to vector<16xf32>
        %add3A_885 = arith.constant 16 : i32
        %add3A_886 = vector.broadcast %add3A_885 : i32 to vector<16xi32>
        %add3A_887 = arith.addi %iota3A, %add3A_886 : vector<16xi32>
        %eq3A_888 = arith.cmpi eq, %add3A_887, %gather3A_858 : vector<16xi32>
        %add3A_889 = arith.constant 1.000000e+00 : f32
        %add3A_890 = vector.broadcast %add3A_889 : f32 to vector<16xf32>
        %add3A_891 = arith.addf %get3A_884, %add3A_890 : vector<16xf32>
        %select_n3A_892 = arith.select %eq3A_888, %add3A_891, %get3A_884 : vector<16xi1>, vector<16xf32>
        %swap3A_893 = arith.index_cast %add3A_881 : i32 to index
        %swap3A_894 = tpu.vector_load %arg6[%swap3A_893] {strides = array<i32>} : memref<16384xf32, #tpu.memory_space<vmem>>, vector<16xf32>,
        %swap3A_895 = vector.shape_cast %swap3A_894 : vector<16xf32> to vector<16xf32>
        %swap3A_896 = vector.shape_cast %select_n3A_892 : vector<16xf32> to vector<16xf32>
        tpu.vector_store %arg6[%swap3A_893], %swap3A_896 {strides = array<i32>} : memref<16384xf32, #tpu.memory_space<vmem>>, vector<16xf32>,
        %add3A_897 = arith.constant 640 : i32
        %add3A_898 = arith.addi %mul3A_32, %add3A_897 : i32
        %add3A_899 = arith.constant 32 : i32
        %add3A_900 = arith.addi %add3A_898, %add3A_899 : i32
        %get3A_901 = arith.index_cast %add3A_900 : i32 to index
        %get3A_902 = tpu.vector_load %arg6[%get3A_901] {strides = array<i32>} : memref<16384xf32, #tpu.memory_space<vmem>>, vector<16xf32>,
        %get3A_903 = vector.shape_cast %get3A_902 : vector<16xf32> to vector<16xf32>
        %add3A_904 = arith.constant 32 : i32
        %add3A_905 = vector.broadcast %add3A_904 : i32 to vector<16xi32>
        %add3A_906 = arith.addi %iota3A, %add3A_905 : vector<16xi32>
        %eq3A_907 = arith.cmpi eq, %add3A_906, %gather3A_858 : vector<16xi32>
        %add3A_908 = arith.constant 1.000000e+00 : f32
        %add3A_909 = vector.broadcast %add3A_908 : f32 to vector<16xf32>
        %add3A_910 = arith.addf %get3A_903, %add3A_909 : vector<16xf32>
        %select_n3A_911 = arith.select %eq3A_907, %add3A_910, %get3A_903 : vector<16xi1>, vector<16xf32>
        %swap3A_912 = arith.index_cast %add3A_900 : i32 to index
        %swap3A_913 = tpu.vector_load %arg6[%swap3A_912] {strides = array<i32>} : memref<16384xf32, #tpu.memory_space<vmem>>, vector<16xf32>,
        %swap3A_914 = vector.shape_cast %swap3A_913 : vector<16xf32> to vector<16xf32>
        %swap3A_915 = vector.shape_cast %select_n3A_911 : vector<16xf32> to vector<16xf32>
        tpu.vector_store %arg6[%swap3A_912], %swap3A_915 {strides = array<i32>} : memref<16384xf32, #tpu.memory_space<vmem>>, vector<16xf32>,
        %add3A_916 = arith.constant 640 : i32
        %add3A_917 = arith.addi %mul3A_32, %add3A_916 : i32
        %add3A_918 = arith.constant 48 : i32
        %add3A_919 = arith.addi %add3A_917, %add3A_918 : i32
        %get3A_920 = arith.index_cast %add3A_919 : i32 to index
        %get3A_921 = tpu.vector_load %arg6[%get3A_920] {strides = array<i32>} : memref<16384xf32, #tpu.memory_space<vmem>>, vector<16xf32>,
        %get3A_922 = vector.shape_cast %get3A_921 : vector<16xf32> to vector<16xf32>
        %add3A_923 = arith.constant 48 : i32
        %add3A_924 = vector.broadcast %add3A_923 : i32 to vector<16xi32>
        %add3A_925 = arith.addi %iota3A, %add3A_924 : vector<16xi32>
        %eq3A_926 = arith.cmpi eq, %add3A_925, %gather3A_858 : vector<16xi32>
        %add3A_927 = arith.constant 1.000000e+00 : f32
        %add3A_928 = vector.broadcast %add3A_927 : f32 to vector<16xf32>
        %add3A_929 = arith.addf %get3A_922, %add3A_928 : vector<16xf32>
        %select_n3A_930 = arith.select %eq3A_926, %add3A_929, %get3A_922 : vector<16xi1>, vector<16xf32>
        %swap3A_931 = arith.index_cast %add3A_919 : i32 to index
        %swap3A_932 = tpu.vector_load %arg6[%swap3A_931] {strides = array<i32>} : memref<16384xf32, #tpu.memory_space<vmem>>, vector<16xf32>,
        %swap3A_933 = vector.shape_cast %swap3A_932 : vector<16xf32> to vector<16xf32>
        %swap3A_934 = vector.shape_cast %select_n3A_930 : vector<16xf32> to vector<16xf32>
        tpu.vector_store %arg6[%swap3A_931], %swap3A_934 {strides = array<i32>} : memref<16384xf32, #tpu.memory_space<vmem>>, vector<16xf32>,
        %add3A_935 = arith.constant 640 : i32
        %add3A_936 = arith.addi %mul3A_32, %add3A_935 : i32
        %add3A_937 = arith.constant 64 : i32
        %add3A_938 = arith.addi %add3A_936, %add3A_937 : i32
        %get3A_939 = arith.index_cast %add3A_938 : i32 to index
        %get3A_940 = tpu.vector_load %arg6[%get3A_939] {strides = array<i32>} : memref<16384xf32, #tpu.memory_space<vmem>>, vector<16xf32>,
        %get3A_941 = vector.shape_cast %get3A_940 : vector<16xf32> to vector<16xf32>
        %add3A_942 = arith.constant 64 : i32
        %add3A_943 = vector.broadcast %add3A_942 : i32 to vector<16xi32>
        %add3A_944 = arith.addi %iota3A, %add3A_943 : vector<16xi32>
        %eq3A_945 = arith.cmpi eq, %add3A_944, %gather3A_858 : vector<16xi32>
        %add3A_946 = arith.constant 1.000000e+00 : f32
        %add3A_947 = vector.broadcast %add3A_946 : f32 to vector<16xf32>
        %add3A_948 = arith.addf %get3A_941, %add3A_947 : vector<16xf32>
        %select_n3A_949 = arith.select %eq3A_945, %add3A_948, %get3A_941 : vector<16xi1>, vector<16xf32>
        %swap3A_950 = arith.index_cast %add3A_938 : i32 to index
        %swap3A_951 = tpu.vector_load %arg6[%swap3A_950] {strides = array<i32>} : memref<16384xf32, #tpu.memory_space<vmem>>, vector<16xf32>,
        %swap3A_952 = vector.shape_cast %swap3A_951 : vector<16xf32> to vector<16xf32>
        %swap3A_953 = vector.shape_cast %select_n3A_949 : vector<16xf32> to vector<16xf32>
        tpu.vector_store %arg6[%swap3A_950], %swap3A_953 {strides = array<i32>} : memref<16384xf32, #tpu.memory_space<vmem>>, vector<16xf32>,
        %add3A_954 = arith.constant 640 : i32
        %add3A_955 = arith.addi %mul3A_32, %add3A_954 : i32
        %add3A_956 = arith.constant 80 : i32
        %add3A_957 = arith.addi %add3A_955, %add3A_956 : i32
        %get3A_958 = arith.index_cast %add3A_957 : i32 to index
        %get3A_959 = tpu.vector_load %arg6[%get3A_958] {strides = array<i32>} : memref<16384xf32, #tpu.memory_space<vmem>>, vector<16xf32>,
        %get3A_960 = vector.shape_cast %get3A_959 : vector<16xf32> to vector<16xf32>
        %add3A_961 = arith.constant 80 : i32
        %add3A_962 = vector.broadcast %add3A_961 : i32 to vector<16xi32>
        %add3A_963 = arith.addi %iota3A, %add3A_962 : vector<16xi32>
        %eq3A_964 = arith.cmpi eq, %add3A_963, %gather3A_858 : vector<16xi32>
        %add3A_965 = arith.constant 1.000000e+00 : f32
        %add3A_966 = vector.broadcast %add3A_965 : f32 to vector<16xf32>
        %add3A_967 = arith.addf %get3A_960, %add3A_966 : vector<16xf32>
        %select_n3A_968 = arith.select %eq3A_964, %add3A_967, %get3A_960 : vector<16xi1>, vector<16xf32>
        %swap3A_969 = arith.index_cast %add3A_957 : i32 to index
        %swap3A_970 = tpu.vector_load %arg6[%swap3A_969] {strides = array<i32>} : memref<16384xf32, #tpu.memory_space<vmem>>, vector<16xf32>,
        %swap3A_971 = vector.shape_cast %swap3A_970 : vector<16xf32> to vector<16xf32>
        %swap3A_972 = vector.shape_cast %select_n3A_968 : vector<16xf32> to vector<16xf32>
        tpu.vector_store %arg6[%swap3A_969], %swap3A_972 {strides = array<i32>} : memref<16384xf32, #tpu.memory_space<vmem>>, vector<16xf32>,
        %add3A_973 = arith.constant 640 : i32
        %add3A_974 = arith.addi %mul3A_32, %add3A_973 : i32
        %add3A_975 = arith.constant 96 : i32
        %add3A_976 = arith.addi %add3A_974, %add3A_975 : i32
        %get3A_977 = arith.index_cast %add3A_976 : i32 to index
        %get3A_978 = tpu.vector_load %arg6[%get3A_977] {strides = array<i32>} : memref<16384xf32, #tpu.memory_space<vmem>>, vector<16xf32>,
        %get3A_979 = vector.shape_cast %get3A_978 : vector<16xf32> to vector<16xf32>
        %add3A_980 = arith.constant 96 : i32
        %add3A_981 = vector.broadcast %add3A_980 : i32 to vector<16xi32>
        %add3A_982 = arith.addi %iota3A, %add3A_981 : vector<16xi32>
        %eq3A_983 = arith.cmpi eq, %add3A_982, %gather3A_858 : vector<16xi32>
        %add3A_984 = arith.constant 1.000000e+00 : f32
        %add3A_985 = vector.broadcast %add3A_984 : f32 to vector<16xf32>
        %add3A_986 = arith.addf %get3A_979, %add3A_985 : vector<16xf32>
        %select_n3A_987 = arith.select %eq3A_983, %add3A_986, %get3A_979 : vector<16xi1>, vector<16xf32>
        %swap3A_988 = arith.index_cast %add3A_976 : i32 to index
        %swap3A_989 = tpu.vector_load %arg6[%swap3A_988] {strides = array<i32>} : memref<16384xf32, #tpu.memory_space<vmem>>, vector<16xf32>,
        %swap3A_990 = vector.shape_cast %swap3A_989 : vector<16xf32> to vector<16xf32>
        %swap3A_991 = vector.shape_cast %select_n3A_987 : vector<16xf32> to vector<16xf32>
        tpu.vector_store %arg6[%swap3A_988], %swap3A_991 {strides = array<i32>} : memref<16384xf32, #tpu.memory_space<vmem>>, vector<16xf32>,
        %add3A_992 = arith.constant 640 : i32
        %add3A_993 = arith.addi %mul3A_32, %add3A_992 : i32
        %add3A_994 = arith.constant 112 : i32
        %add3A_995 = arith.addi %add3A_993, %add3A_994 : i32
        %get3A_996 = arith.index_cast %add3A_995 : i32 to index
        %get3A_997 = tpu.vector_load %arg6[%get3A_996] {strides = array<i32>} : memref<16384xf32, #tpu.memory_space<vmem>>, vector<16xf32>,
        %get3A_998 = vector.shape_cast %get3A_997 : vector<16xf32> to vector<16xf32>
        %add3A_999 = arith.constant 112 : i32
        %add3A_1000 = vector.broadcast %add3A_999 : i32 to vector<16xi32>
        %add3A_1001 = arith.addi %iota3A, %add3A_1000 : vector<16xi32>
        %eq3A_1002 = arith.cmpi eq, %add3A_1001, %gather3A_858 : vector<16xi32>
        %add3A_1003 = arith.constant 1.000000e+00 : f32
        %add3A_1004 = vector.broadcast %add3A_1003 : f32 to vector<16xf32>
        %add3A_1005 = arith.addf %get3A_998, %add3A_1004 : vector<16xf32>
        %select_n3A_1006 = arith.select %eq3A_1002, %add3A_1005, %get3A_998 : vector<16xi1>, vector<16xf32>
        %swap3A_1007 = arith.index_cast %add3A_995 : i32 to index
        %swap3A_1008 = tpu.vector_load %arg6[%swap3A_1007] {strides = array<i32>} : memref<16384xf32, #tpu.memory_space<vmem>>, vector<16xf32>,
        %swap3A_1009 = vector.shape_cast %swap3A_1008 : vector<16xf32> to vector<16xf32>
        %swap3A_1010 = vector.shape_cast %select_n3A_1006 : vector<16xf32> to vector<16xf32>
        tpu.vector_store %arg6[%swap3A_1007], %swap3A_1010 {strides = array<i32>} : memref<16384xf32, #tpu.memory_space<vmem>>, vector<16xf32>,
        %broadcast_in_dim3A_1011 = arith.constant 6 : i32
        %broadcast_in_dim3A_1012 = vector.broadcast %broadcast_in_dim3A_1011 : i32 to vector<16xi32>
        %lt3A_1013 = arith.constant 0 : i32
        %lt3A_1014 = vector.broadcast %lt3A_1013 : i32 to vector<16xi32>
        %lt3A_1015 = arith.cmpi slt, %broadcast_in_dim3A_1012, %lt3A_1014 : vector<16xi32>
        %add3A_1016 = arith.constant 16 : i32
        %add3A_1017 = vector.broadcast %add3A_1016 : i32 to vector<16xi32>
        %add3A_1018 = arith.addi %broadcast_in_dim3A_1012, %add3A_1017 : vector<16xi32>
        %select_n3A_1019 = arith.select %lt3A_1015, %add3A_1018, %broadcast_in_dim3A_1012 : vector<16xi1>, vector<16xi32>
        %broadcast_in_dim3A_1020 = vector.shape_cast %select_n3A_1019 : vector<16xi32> to vector<16x1xi32>
        %gather3A_1021 = vector.shape_cast %broadcast_in_dim3A_1020 : vector<16x1xi32> to vector<16xi32>
        %gather3A_1022 = tpu.dynamic_gather %get3A_28[%gather3A_1021] in [0] : vector<16xi32>, vector<16xi32> -> vector<16xi32>
        %add3A_1023 = arith.constant 768 : i32
        %add3A_1024 = arith.addi %mul3A_32, %add3A_1023 : i32
        %add3A_1025 = arith.constant 0 : i32
        %add3A_1026 = arith.addi %add3A_1024, %add3A_1025 : i32
        %get3A_1027 = arith.index_cast %add3A_1026 : i32 to index
        %get3A_1028 = tpu.vector_load %arg6[%get3A_1027] {strides = array<i32>} : memref<16384xf32, #tpu.memory_space<vmem>>, vector<16xf32>,
        %get3A_1029 = vector.shape_cast %get3A_1028 : vector<16xf32> to vector<16xf32>
        %add3A_1030 = arith.constant 0 : i32
        %add3A_1031 = vector.broadcast %add3A_1030 : i32 to vector<16xi32>
        %add3A_1032 = arith.addi %iota3A, %add3A_1031 : vector<16xi32>
        %eq3A_1033 = arith.cmpi eq, %add3A_1032, %gather3A_1022 : vector<16xi32>
        %add3A_1034 = arith.constant 1.000000e+00 : f32
        %add3A_1035 = vector.broadcast %add3A_1034 : f32 to vector<16xf32>
        %add3A_1036 = arith.addf %get3A_1029, %add3A_1035 : vector<16xf32>
        %select_n3A_1037 = arith.select %eq3A_1033, %add3A_1036, %get3A_1029 : vector<16xi1>, vector<16xf32>
        %swap3A_1038 = arith.index_cast %add3A_1026 : i32 to index
        %swap3A_1039 = tpu.vector_load %arg6[%swap3A_1038] {strides = array<i32>} : memref<16384xf32, #tpu.memory_space<vmem>>, vector<16xf32>,
        %swap3A_1040 = vector.shape_cast %swap3A_1039 : vector<16xf32> to vector<16xf32>
        %swap3A_1041 = vector.shape_cast %select_n3A_1037 : vector<16xf32> to vector<16xf32>
        tpu.vector_store %arg6[%swap3A_1038], %swap3A_1041 {strides = array<i32>} : memref<16384xf32, #tpu.memory_space<vmem>>, vector<16xf32>,
        %add3A_1042 = arith.constant 768 : i32
        %add3A_1043 = arith.addi %mul3A_32, %add3A_1042 : i32
        %add3A_1044 = arith.constant 16 : i32
        %add3A_1045 = arith.addi %add3A_1043, %add3A_1044 : i32
        %get3A_1046 = arith.index_cast %add3A_1045 : i32 to index
        %get3A_1047 = tpu.vector_load %arg6[%get3A_1046] {strides = array<i32>} : memref<16384xf32, #tpu.memory_space<vmem>>, vector<16xf32>,
        %get3A_1048 = vector.shape_cast %get3A_1047 : vector<16xf32> to vector<16xf32>
        %add3A_1049 = arith.constant 16 : i32
        %add3A_1050 = vector.broadcast %add3A_1049 : i32 to vector<16xi32>
        %add3A_1051 = arith.addi %iota3A, %add3A_1050 : vector<16xi32>
        %eq3A_1052 = arith.cmpi eq, %add3A_1051, %gather3A_1022 : vector<16xi32>
        %add3A_1053 = arith.constant 1.000000e+00 : f32
        %add3A_1054 = vector.broadcast %add3A_1053 : f32 to vector<16xf32>
        %add3A_1055 = arith.addf %get3A_1048, %add3A_1054 : vector<16xf32>
        %select_n3A_1056 = arith.select %eq3A_1052, %add3A_1055, %get3A_1048 : vector<16xi1>, vector<16xf32>
        %swap3A_1057 = arith.index_cast %add3A_1045 : i32 to index
        %swap3A_1058 = tpu.vector_load %arg6[%swap3A_1057] {strides = array<i32>} : memref<16384xf32, #tpu.memory_space<vmem>>, vector<16xf32>,
        %swap3A_1059 = vector.shape_cast %swap3A_1058 : vector<16xf32> to vector<16xf32>
        %swap3A_1060 = vector.shape_cast %select_n3A_1056 : vector<16xf32> to vector<16xf32>
        tpu.vector_store %arg6[%swap3A_1057], %swap3A_1060 {strides = array<i32>} : memref<16384xf32, #tpu.memory_space<vmem>>, vector<16xf32>,
        %add3A_1061 = arith.constant 768 : i32
        %add3A_1062 = arith.addi %mul3A_32, %add3A_1061 : i32
        %add3A_1063 = arith.constant 32 : i32
        %add3A_1064 = arith.addi %add3A_1062, %add3A_1063 : i32
        %get3A_1065 = arith.index_cast %add3A_1064 : i32 to index
        %get3A_1066 = tpu.vector_load %arg6[%get3A_1065] {strides = array<i32>} : memref<16384xf32, #tpu.memory_space<vmem>>, vector<16xf32>,
        %get3A_1067 = vector.shape_cast %get3A_1066 : vector<16xf32> to vector<16xf32>
        %add3A_1068 = arith.constant 32 : i32
        %add3A_1069 = vector.broadcast %add3A_1068 : i32 to vector<16xi32>
        %add3A_1070 = arith.addi %iota3A, %add3A_1069 : vector<16xi32>
        %eq3A_1071 = arith.cmpi eq, %add3A_1070, %gather3A_1022 : vector<16xi32>
        %add3A_1072 = arith.constant 1.000000e+00 : f32
        %add3A_1073 = vector.broadcast %add3A_1072 : f32 to vector<16xf32>
        %add3A_1074 = arith.addf %get3A_1067, %add3A_1073 : vector<16xf32>
        %select_n3A_1075 = arith.select %eq3A_1071, %add3A_1074, %get3A_1067 : vector<16xi1>, vector<16xf32>
        %swap3A_1076 = arith.index_cast %add3A_1064 : i32 to index
        %swap3A_1077 = tpu.vector_load %arg6[%swap3A_1076] {strides = array<i32>} : memref<16384xf32, #tpu.memory_space<vmem>>, vector<16xf32>,
        %swap3A_1078 = vector.shape_cast %swap3A_1077 : vector<16xf32> to vector<16xf32>
        %swap3A_1079 = vector.shape_cast %select_n3A_1075 : vector<16xf32> to vector<16xf32>
        tpu.vector_store %arg6[%swap3A_1076], %swap3A_1079 {strides = array<i32>} : memref<16384xf32, #tpu.memory_space<vmem>>, vector<16xf32>,
        %add3A_1080 = arith.constant 768 : i32
        %add3A_1081 = arith.addi %mul3A_32, %add3A_1080 : i32
        %add3A_1082 = arith.constant 48 : i32
        %add3A_1083 = arith.addi %add3A_1081, %add3A_1082 : i32
        %get3A_1084 = arith.index_cast %add3A_1083 : i32 to index
        %get3A_1085 = tpu.vector_load %arg6[%get3A_1084] {strides = array<i32>} : memref<16384xf32, #tpu.memory_space<vmem>>, vector<16xf32>,
        %get3A_1086 = vector.shape_cast %get3A_1085 : vector<16xf32> to vector<16xf32>
        %add3A_1087 = arith.constant 48 : i32
        %add3A_1088 = vector.broadcast %add3A_1087 : i32 to vector<16xi32>
        %add3A_1089 = arith.addi %iota3A, %add3A_1088 : vector<16xi32>
        %eq3A_1090 = arith.cmpi eq, %add3A_1089, %gather3A_1022 : vector<16xi32>
        %add3A_1091 = arith.constant 1.000000e+00 : f32
        %add3A_1092 = vector.broadcast %add3A_1091 : f32 to vector<16xf32>
        %add3A_1093 = arith.addf %get3A_1086, %add3A_1092 : vector<16xf32>
        %select_n3A_1094 = arith.select %eq3A_1090, %add3A_1093, %get3A_1086 : vector<16xi1>, vector<16xf32>
        %swap3A_1095 = arith.index_cast %add3A_1083 : i32 to index
        %swap3A_1096 = tpu.vector_load %arg6[%swap3A_1095] {strides = array<i32>} : memref<16384xf32, #tpu.memory_space<vmem>>, vector<16xf32>,
        %swap3A_1097 = vector.shape_cast %swap3A_1096 : vector<16xf32> to vector<16xf32>
        %swap3A_1098 = vector.shape_cast %select_n3A_1094 : vector<16xf32> to vector<16xf32>
        tpu.vector_store %arg6[%swap3A_1095], %swap3A_1098 {strides = array<i32>} : memref<16384xf32, #tpu.memory_space<vmem>>, vector<16xf32>,
        %add3A_1099 = arith.constant 768 : i32
        %add3A_1100 = arith.addi %mul3A_32, %add3A_1099 : i32
        %add3A_1101 = arith.constant 64 : i32
        %add3A_1102 = arith.addi %add3A_1100, %add3A_1101 : i32
        %get3A_1103 = arith.index_cast %add3A_1102 : i32 to index
        %get3A_1104 = tpu.vector_load %arg6[%get3A_1103] {strides = array<i32>} : memref<16384xf32, #tpu.memory_space<vmem>>, vector<16xf32>,
        %get3A_1105 = vector.shape_cast %get3A_1104 : vector<16xf32> to vector<16xf32>
        %add3A_1106 = arith.constant 64 : i32
        %add3A_1107 = vector.broadcast %add3A_1106 : i32 to vector<16xi32>
        %add3A_1108 = arith.addi %iota3A, %add3A_1107 : vector<16xi32>
        %eq3A_1109 = arith.cmpi eq, %add3A_1108, %gather3A_1022 : vector<16xi32>
        %add3A_1110 = arith.constant 1.000000e+00 : f32
        %add3A_1111 = vector.broadcast %add3A_1110 : f32 to vector<16xf32>
        %add3A_1112 = arith.addf %get3A_1105, %add3A_1111 : vector<16xf32>
        %select_n3A_1113 = arith.select %eq3A_1109, %add3A_1112, %get3A_1105 : vector<16xi1>, vector<16xf32>
        %swap3A_1114 = arith.index_cast %add3A_1102 : i32 to index
        %swap3A_1115 = tpu.vector_load %arg6[%swap3A_1114] {strides = array<i32>} : memref<16384xf32, #tpu.memory_space<vmem>>, vector<16xf32>,
        %swap3A_1116 = vector.shape_cast %swap3A_1115 : vector<16xf32> to vector<16xf32>
        %swap3A_1117 = vector.shape_cast %select_n3A_1113 : vector<16xf32> to vector<16xf32>
        tpu.vector_store %arg6[%swap3A_1114], %swap3A_1117 {strides = array<i32>} : memref<16384xf32, #tpu.memory_space<vmem>>, vector<16xf32>,
        %add3A_1118 = arith.constant 768 : i32
        %add3A_1119 = arith.addi %mul3A_32, %add3A_1118 : i32
        %add3A_1120 = arith.constant 80 : i32
        %add3A_1121 = arith.addi %add3A_1119, %add3A_1120 : i32
        %get3A_1122 = arith.index_cast %add3A_1121 : i32 to index
        %get3A_1123 = tpu.vector_load %arg6[%get3A_1122] {strides = array<i32>} : memref<16384xf32, #tpu.memory_space<vmem>>, vector<16xf32>,
        %get3A_1124 = vector.shape_cast %get3A_1123 : vector<16xf32> to vector<16xf32>
        %add3A_1125 = arith.constant 80 : i32
        %add3A_1126 = vector.broadcast %add3A_1125 : i32 to vector<16xi32>
        %add3A_1127 = arith.addi %iota3A, %add3A_1126 : vector<16xi32>
        %eq3A_1128 = arith.cmpi eq, %add3A_1127, %gather3A_1022 : vector<16xi32>
        %add3A_1129 = arith.constant 1.000000e+00 : f32
        %add3A_1130 = vector.broadcast %add3A_1129 : f32 to vector<16xf32>
        %add3A_1131 = arith.addf %get3A_1124, %add3A_1130 : vector<16xf32>
        %select_n3A_1132 = arith.select %eq3A_1128, %add3A_1131, %get3A_1124 : vector<16xi1>, vector<16xf32>
        %swap3A_1133 = arith.index_cast %add3A_1121 : i32 to index
        %swap3A_1134 = tpu.vector_load %arg6[%swap3A_1133] {strides = array<i32>} : memref<16384xf32, #tpu.memory_space<vmem>>, vector<16xf32>,
        %swap3A_1135 = vector.shape_cast %swap3A_1134 : vector<16xf32> to vector<16xf32>
        %swap3A_1136 = vector.shape_cast %select_n3A_1132 : vector<16xf32> to vector<16xf32>
        tpu.vector_store %arg6[%swap3A_1133], %swap3A_1136 {strides = array<i32>} : memref<16384xf32, #tpu.memory_space<vmem>>, vector<16xf32>,
        %add3A_1137 = arith.constant 768 : i32
        %add3A_1138 = arith.addi %mul3A_32, %add3A_1137 : i32
        %add3A_1139 = arith.constant 96 : i32
        %add3A_1140 = arith.addi %add3A_1138, %add3A_1139 : i32
        %get3A_1141 = arith.index_cast %add3A_1140 : i32 to index
        %get3A_1142 = tpu.vector_load %arg6[%get3A_1141] {strides = array<i32>} : memref<16384xf32, #tpu.memory_space<vmem>>, vector<16xf32>,
        %get3A_1143 = vector.shape_cast %get3A_1142 : vector<16xf32> to vector<16xf32>
        %add3A_1144 = arith.constant 96 : i32
        %add3A_1145 = vector.broadcast %add3A_1144 : i32 to vector<16xi32>
        %add3A_1146 = arith.addi %iota3A, %add3A_1145 : vector<16xi32>
        %eq3A_1147 = arith.cmpi eq, %add3A_1146, %gather3A_1022 : vector<16xi32>
        %add3A_1148 = arith.constant 1.000000e+00 : f32
        %add3A_1149 = vector.broadcast %add3A_1148 : f32 to vector<16xf32>
        %add3A_1150 = arith.addf %get3A_1143, %add3A_1149 : vector<16xf32>
        %select_n3A_1151 = arith.select %eq3A_1147, %add3A_1150, %get3A_1143 : vector<16xi1>, vector<16xf32>
        %swap3A_1152 = arith.index_cast %add3A_1140 : i32 to index
        %swap3A_1153 = tpu.vector_load %arg6[%swap3A_1152] {strides = array<i32>} : memref<16384xf32, #tpu.memory_space<vmem>>, vector<16xf32>,
        %swap3A_1154 = vector.shape_cast %swap3A_1153 : vector<16xf32> to vector<16xf32>
        %swap3A_1155 = vector.shape_cast %select_n3A_1151 : vector<16xf32> to vector<16xf32>
        tpu.vector_store %arg6[%swap3A_1152], %swap3A_1155 {strides = array<i32>} : memref<16384xf32, #tpu.memory_space<vmem>>, vector<16xf32>,
        %add3A_1156 = arith.constant 768 : i32
        %add3A_1157 = arith.addi %mul3A_32, %add3A_1156 : i32
        %add3A_1158 = arith.constant 112 : i32
        %add3A_1159 = arith.addi %add3A_1157, %add3A_1158 : i32
        %get3A_1160 = arith.index_cast %add3A_1159 : i32 to index
        %get3A_1161 = tpu.vector_load %arg6[%get3A_1160] {strides = array<i32>} : memref<16384xf32, #tpu.memory_space<vmem>>, vector<16xf32>,
        %get3A_1162 = vector.shape_cast %get3A_1161 : vector<16xf32> to vector<16xf32>
        %add3A_1163 = arith.constant 112 : i32
        %add3A_1164 = vector.broadcast %add3A_1163 : i32 to vector<16xi32>
        %add3A_1165 = arith.addi %iota3A, %add3A_1164 : vector<16xi32>
        %eq3A_1166 = arith.cmpi eq, %add3A_1165, %gather3A_1022 : vector<16xi32>
        %add3A_1167 = arith.constant 1.000000e+00 : f32
        %add3A_1168 = vector.broadcast %add3A_1167 : f32 to vector<16xf32>
        %add3A_1169 = arith.addf %get3A_1162, %add3A_1168 : vector<16xf32>
        %select_n3A_1170 = arith.select %eq3A_1166, %add3A_1169, %get3A_1162 : vector<16xi1>, vector<16xf32>
        %swap3A_1171 = arith.index_cast %add3A_1159 : i32 to index
        %swap3A_1172 = tpu.vector_load %arg6[%swap3A_1171] {strides = array<i32>} : memref<16384xf32, #tpu.memory_space<vmem>>, vector<16xf32>,
        %swap3A_1173 = vector.shape_cast %swap3A_1172 : vector<16xf32> to vector<16xf32>
        %swap3A_1174 = vector.shape_cast %select_n3A_1170 : vector<16xf32> to vector<16xf32>
        tpu.vector_store %arg6[%swap3A_1171], %swap3A_1174 {strides = array<i32>} : memref<16384xf32, #tpu.memory_space<vmem>>, vector<16xf32>,
        %broadcast_in_dim3A_1175 = arith.constant 7 : i32
        %broadcast_in_dim3A_1176 = vector.broadcast %broadcast_in_dim3A_1175 : i32 to vector<16xi32>
        %lt3A_1177 = arith.constant 0 : i32
        %lt3A_1178 = vector.broadcast %lt3A_1177 : i32 to vector<16xi32>
        %lt3A_1179 = arith.cmpi slt, %broadcast_in_dim3A_1176, %lt3A_1178 : vector<16xi32>
        %add3A_1180 = arith.constant 16 : i32
        %add3A_1181 = vector.broadcast %add3A_1180 : i32 to vector<16xi32>
        %add3A_1182 = arith.addi %broadcast_in_dim3A_1176, %add3A_1181 : vector<16xi32>
        %select_n3A_1183 = arith.select %lt3A_1179, %add3A_1182, %broadcast_in_dim3A_1176 : vector<16xi1>, vector<16xi32>
        %broadcast_in_dim3A_1184 = vector.shape_cast %select_n3A_1183 : vector<16xi32> to vector<16x1xi32>
        %gather3A_1185 = vector.shape_cast %broadcast_in_dim3A_1184 : vector<16x1xi32> to vector<16xi32>
        %gather3A_1186 = tpu.dynamic_gather %get3A_28[%gather3A_1185] in [0] : vector<16xi32>, vector<16xi32> -> vector<16xi32>
        %add3A_1187 = arith.constant 896 : i32
        %add3A_1188 = arith.addi %mul3A_32, %add3A_1187 : i32
        %add3A_1189 = arith.constant 0 : i32
        %add3A_1190 = arith.addi %add3A_1188, %add3A_1189 : i32
        %get3A_1191 = arith.index_cast %add3A_1190 : i32 to index
        %get3A_1192 = tpu.vector_load %arg6[%get3A_1191] {strides = array<i32>} : memref<16384xf32, #tpu.memory_space<vmem>>, vector<16xf32>,
        %get3A_1193 = vector.shape_cast %get3A_1192 : vector<16xf32> to vector<16xf32>
        %add3A_1194 = arith.constant 0 : i32
        %add3A_1195 = vector.broadcast %add3A_1194 : i32 to vector<16xi32>
        %add3A_1196 = arith.addi %iota3A, %add3A_1195 : vector<16xi32>
        %eq3A_1197 = arith.cmpi eq, %add3A_1196, %gather3A_1186 : vector<16xi32>
        %add3A_1198 = arith.constant 1.000000e+00 : f32
        %add3A_1199 = vector.broadcast %add3A_1198 : f32 to vector<16xf32>
        %add3A_1200 = arith.addf %get3A_1193, %add3A_1199 : vector<16xf32>
        %select_n3A_1201 = arith.select %eq3A_1197, %add3A_1200, %get3A_1193 : vector<16xi1>, vector<16xf32>
        %swap3A_1202 = arith.index_cast %add3A_1190 : i32 to index
        %swap3A_1203 = tpu.vector_load %arg6[%swap3A_1202] {strides = array<i32>} : memref<16384xf32, #tpu.memory_space<vmem>>, vector<16xf32>,
        %swap3A_1204 = vector.shape_cast %swap3A_1203 : vector<16xf32> to vector<16xf32>
        %swap3A_1205 = vector.shape_cast %select_n3A_1201 : vector<16xf32> to vector<16xf32>
        tpu.vector_store %arg6[%swap3A_1202], %swap3A_1205 {strides = array<i32>} : memref<16384xf32, #tpu.memory_space<vmem>>, vector<16xf32>,
        %add3A_1206 = arith.constant 896 : i32
        %add3A_1207 = arith.addi %mul3A_32, %add3A_1206 : i32
        %add3A_1208 = arith.constant 16 : i32
        %add3A_1209 = arith.addi %add3A_1207, %add3A_1208 : i32
        %get3A_1210 = arith.index_cast %add3A_1209 : i32 to index
        %get3A_1211 = tpu.vector_load %arg6[%get3A_1210] {strides = array<i32>} : memref<16384xf32, #tpu.memory_space<vmem>>, vector<16xf32>,
        %get3A_1212 = vector.shape_cast %get3A_1211 : vector<16xf32> to vector<16xf32>
        %add3A_1213 = arith.constant 16 : i32
        %add3A_1214 = vector.broadcast %add3A_1213 : i32 to vector<16xi32>
        %add3A_1215 = arith.addi %iota3A, %add3A_1214 : vector<16xi32>
        %eq3A_1216 = arith.cmpi eq, %add3A_1215, %gather3A_1186 : vector<16xi32>
        %add3A_1217 = arith.constant 1.000000e+00 : f32
        %add3A_1218 = vector.broadcast %add3A_1217 : f32 to vector<16xf32>
        %add3A_1219 = arith.addf %get3A_1212, %add3A_1218 : vector<16xf32>
        %select_n3A_1220 = arith.select %eq3A_1216, %add3A_1219, %get3A_1212 : vector<16xi1>, vector<16xf32>
        %swap3A_1221 = arith.index_cast %add3A_1209 : i32 to index
        %swap3A_1222 = tpu.vector_load %arg6[%swap3A_1221] {strides = array<i32>} : memref<16384xf32, #tpu.memory_space<vmem>>, vector<16xf32>,
        %swap3A_1223 = vector.shape_cast %swap3A_1222 : vector<16xf32> to vector<16xf32>
        %swap3A_1224 = vector.shape_cast %select_n3A_1220 : vector<16xf32> to vector<16xf32>
        tpu.vector_store %arg6[%swap3A_1221], %swap3A_1224 {strides = array<i32>} : memref<16384xf32, #tpu.memory_space<vmem>>, vector<16xf32>,
        %add3A_1225 = arith.constant 896 : i32
        %add3A_1226 = arith.addi %mul3A_32, %add3A_1225 : i32
        %add3A_1227 = arith.constant 32 : i32
        %add3A_1228 = arith.addi %add3A_1226, %add3A_1227 : i32
        %get3A_1229 = arith.index_cast %add3A_1228 : i32 to index
        %get3A_1230 = tpu.vector_load %arg6[%get3A_1229] {strides = array<i32>} : memref<16384xf32, #tpu.memory_space<vmem>>, vector<16xf32>,
        %get3A_1231 = vector.shape_cast %get3A_1230 : vector<16xf32> to vector<16xf32>
        %add3A_1232 = arith.constant 32 : i32
        %add3A_1233 = vector.broadcast %add3A_1232 : i32 to vector<16xi32>
        %add3A_1234 = arith.addi %iota3A, %add3A_1233 : vector<16xi32>
        %eq3A_1235 = arith.cmpi eq, %add3A_1234, %gather3A_1186 : vector<16xi32>
        %add3A_1236 = arith.constant 1.000000e+00 : f32
        %add3A_1237 = vector.broadcast %add3A_1236 : f32 to vector<16xf32>
        %add3A_1238 = arith.addf %get3A_1231, %add3A_1237 : vector<16xf32>
        %select_n3A_1239 = arith.select %eq3A_1235, %add3A_1238, %get3A_1231 : vector<16xi1>, vector<16xf32>
        %swap3A_1240 = arith.index_cast %add3A_1228 : i32 to index
        %swap3A_1241 = tpu.vector_load %arg6[%swap3A_1240] {strides = array<i32>} : memref<16384xf32, #tpu.memory_space<vmem>>, vector<16xf32>,
        %swap3A_1242 = vector.shape_cast %swap3A_1241 : vector<16xf32> to vector<16xf32>
        %swap3A_1243 = vector.shape_cast %select_n3A_1239 : vector<16xf32> to vector<16xf32>
        tpu.vector_store %arg6[%swap3A_1240], %swap3A_1243 {strides = array<i32>} : memref<16384xf32, #tpu.memory_space<vmem>>, vector<16xf32>,
        %add3A_1244 = arith.constant 896 : i32
        %add3A_1245 = arith.addi %mul3A_32, %add3A_1244 : i32
        %add3A_1246 = arith.constant 48 : i32
        %add3A_1247 = arith.addi %add3A_1245, %add3A_1246 : i32
        %get3A_1248 = arith.index_cast %add3A_1247 : i32 to index
        %get3A_1249 = tpu.vector_load %arg6[%get3A_1248] {strides = array<i32>} : memref<16384xf32, #tpu.memory_space<vmem>>, vector<16xf32>,
        %get3A_1250 = vector.shape_cast %get3A_1249 : vector<16xf32> to vector<16xf32>
        %add3A_1251 = arith.constant 48 : i32
        %add3A_1252 = vector.broadcast %add3A_1251 : i32 to vector<16xi32>
        %add3A_1253 = arith.addi %iota3A, %add3A_1252 : vector<16xi32>
        %eq3A_1254 = arith.cmpi eq, %add3A_1253, %gather3A_1186 : vector<16xi32>
        %add3A_1255 = arith.constant 1.000000e+00 : f32
        %add3A_1256 = vector.broadcast %add3A_1255 : f32 to vector<16xf32>
        %add3A_1257 = arith.addf %get3A_1250, %add3A_1256 : vector<16xf32>
        %select_n3A_1258 = arith.select %eq3A_1254, %add3A_1257, %get3A_1250 : vector<16xi1>, vector<16xf32>
        %swap3A_1259 = arith.index_cast %add3A_1247 : i32 to index
        %swap3A_1260 = tpu.vector_load %arg6[%swap3A_1259] {strides = array<i32>} : memref<16384xf32, #tpu.memory_space<vmem>>, vector<16xf32>,
        %swap3A_1261 = vector.shape_cast %swap3A_1260 : vector<16xf32> to vector<16xf32>
        %swap3A_1262 = vector.shape_cast %select_n3A_1258 : vector<16xf32> to vector<16xf32>
        tpu.vector_store %arg6[%swap3A_1259], %swap3A_1262 {strides = array<i32>} : memref<16384xf32, #tpu.memory_space<vmem>>, vector<16xf32>,
        %add3A_1263 = arith.constant 896 : i32
        %add3A_1264 = arith.addi %mul3A_32, %add3A_1263 : i32
        %add3A_1265 = arith.constant 64 : i32
        %add3A_1266 = arith.addi %add3A_1264, %add3A_1265 : i32
        %get3A_1267 = arith.index_cast %add3A_1266 : i32 to index
        %get3A_1268 = tpu.vector_load %arg6[%get3A_1267] {strides = array<i32>} : memref<16384xf32, #tpu.memory_space<vmem>>, vector<16xf32>,
        %get3A_1269 = vector.shape_cast %get3A_1268 : vector<16xf32> to vector<16xf32>
        %add3A_1270 = arith.constant 64 : i32
        %add3A_1271 = vector.broadcast %add3A_1270 : i32 to vector<16xi32>
        %add3A_1272 = arith.addi %iota3A, %add3A_1271 : vector<16xi32>
        %eq3A_1273 = arith.cmpi eq, %add3A_1272, %gather3A_1186 : vector<16xi32>
        %add3A_1274 = arith.constant 1.000000e+00 : f32
        %add3A_1275 = vector.broadcast %add3A_1274 : f32 to vector<16xf32>
        %add3A_1276 = arith.addf %get3A_1269, %add3A_1275 : vector<16xf32>
        %select_n3A_1277 = arith.select %eq3A_1273, %add3A_1276, %get3A_1269 : vector<16xi1>, vector<16xf32>
        %swap3A_1278 = arith.index_cast %add3A_1266 : i32 to index
        %swap3A_1279 = tpu.vector_load %arg6[%swap3A_1278] {strides = array<i32>} : memref<16384xf32, #tpu.memory_space<vmem>>, vector<16xf32>,
        %swap3A_1280 = vector.shape_cast %swap3A_1279 : vector<16xf32> to vector<16xf32>
        %swap3A_1281 = vector.shape_cast %select_n3A_1277 : vector<16xf32> to vector<16xf32>
        tpu.vector_store %arg6[%swap3A_1278], %swap3A_1281 {strides = array<i32>} : memref<16384xf32, #tpu.memory_space<vmem>>, vector<16xf32>,
        %add3A_1282 = arith.constant 896 : i32
        %add3A_1283 = arith.addi %mul3A_32, %add3A_1282 : i32
        %add3A_1284 = arith.constant 80 : i32
        %add3A_1285 = arith.addi %add3A_1283, %add3A_1284 : i32
        %get3A_1286 = arith.index_cast %add3A_1285 : i32 to index
        %get3A_1287 = tpu.vector_load %arg6[%get3A_1286] {strides = array<i32>} : memref<16384xf32, #tpu.memory_space<vmem>>, vector<16xf32>,
        %get3A_1288 = vector.shape_cast %get3A_1287 : vector<16xf32> to vector<16xf32>
        %add3A_1289 = arith.constant 80 : i32
        %add3A_1290 = vector.broadcast %add3A_1289 : i32 to vector<16xi32>
        %add3A_1291 = arith.addi %iota3A, %add3A_1290 : vector<16xi32>
        %eq3A_1292 = arith.cmpi eq, %add3A_1291, %gather3A_1186 : vector<16xi32>
        %add3A_1293 = arith.constant 1.000000e+00 : f32
        %add3A_1294 = vector.broadcast %add3A_1293 : f32 to vector<16xf32>
        %add3A_1295 = arith.addf %get3A_1288, %add3A_1294 : vector<16xf32>
        %select_n3A_1296 = arith.select %eq3A_1292, %add3A_1295, %get3A_1288 : vector<16xi1>, vector<16xf32>
        %swap3A_1297 = arith.index_cast %add3A_1285 : i32 to index
        %swap3A_1298 = tpu.vector_load %arg6[%swap3A_1297] {strides = array<i32>} : memref<16384xf32, #tpu.memory_space<vmem>>, vector<16xf32>,
        %swap3A_1299 = vector.shape_cast %swap3A_1298 : vector<16xf32> to vector<16xf32>
        %swap3A_1300 = vector.shape_cast %select_n3A_1296 : vector<16xf32> to vector<16xf32>
        tpu.vector_store %arg6[%swap3A_1297], %swap3A_1300 {strides = array<i32>} : memref<16384xf32, #tpu.memory_space<vmem>>, vector<16xf32>,
        %add3A_1301 = arith.constant 896 : i32
        %add3A_1302 = arith.addi %mul3A_32, %add3A_1301 : i32
        %add3A_1303 = arith.constant 96 : i32
        %add3A_1304 = arith.addi %add3A_1302, %add3A_1303 : i32
        %get3A_1305 = arith.index_cast %add3A_1304 : i32 to index
        %get3A_1306 = tpu.vector_load %arg6[%get3A_1305] {strides = array<i32>} : memref<16384xf32, #tpu.memory_space<vmem>>, vector<16xf32>,
        %get3A_1307 = vector.shape_cast %get3A_1306 : vector<16xf32> to vector<16xf32>
        %add3A_1308 = arith.constant 96 : i32
        %add3A_1309 = vector.broadcast %add3A_1308 : i32 to vector<16xi32>
        %add3A_1310 = arith.addi %iota3A, %add3A_1309 : vector<16xi32>
        %eq3A_1311 = arith.cmpi eq, %add3A_1310, %gather3A_1186 : vector<16xi32>
        %add3A_1312 = arith.constant 1.000000e+00 : f32
        %add3A_1313 = vector.broadcast %add3A_1312 : f32 to vector<16xf32>
        %add3A_1314 = arith.addf %get3A_1307, %add3A_1313 : vector<16xf32>
        %select_n3A_1315 = arith.select %eq3A_1311, %add3A_1314, %get3A_1307 : vector<16xi1>, vector<16xf32>
        %swap3A_1316 = arith.index_cast %add3A_1304 : i32 to index
        %swap3A_1317 = tpu.vector_load %arg6[%swap3A_1316] {strides = array<i32>} : memref<16384xf32, #tpu.memory_space<vmem>>, vector<16xf32>,
        %swap3A_1318 = vector.shape_cast %swap3A_1317 : vector<16xf32> to vector<16xf32>
        %swap3A_1319 = vector.shape_cast %select_n3A_1315 : vector<16xf32> to vector<16xf32>
        tpu.vector_store %arg6[%swap3A_1316], %swap3A_1319 {strides = array<i32>} : memref<16384xf32, #tpu.memory_space<vmem>>, vector<16xf32>,
        %add3A_1320 = arith.constant 896 : i32
        %add3A_1321 = arith.addi %mul3A_32, %add3A_1320 : i32
        %add3A_1322 = arith.constant 112 : i32
        %add3A_1323 = arith.addi %add3A_1321, %add3A_1322 : i32
        %get3A_1324 = arith.index_cast %add3A_1323 : i32 to index
        %get3A_1325 = tpu.vector_load %arg6[%get3A_1324] {strides = array<i32>} : memref<16384xf32, #tpu.memory_space<vmem>>, vector<16xf32>,
        %get3A_1326 = vector.shape_cast %get3A_1325 : vector<16xf32> to vector<16xf32>
        %add3A_1327 = arith.constant 112 : i32
        %add3A_1328 = vector.broadcast %add3A_1327 : i32 to vector<16xi32>
        %add3A_1329 = arith.addi %iota3A, %add3A_1328 : vector<16xi32>
        %eq3A_1330 = arith.cmpi eq, %add3A_1329, %gather3A_1186 : vector<16xi32>
        %add3A_1331 = arith.constant 1.000000e+00 : f32
        %add3A_1332 = vector.broadcast %add3A_1331 : f32 to vector<16xf32>
        %add3A_1333 = arith.addf %get3A_1326, %add3A_1332 : vector<16xf32>
        %select_n3A_1334 = arith.select %eq3A_1330, %add3A_1333, %get3A_1326 : vector<16xi1>, vector<16xf32>
        %swap3A_1335 = arith.index_cast %add3A_1323 : i32 to index
        %swap3A_1336 = tpu.vector_load %arg6[%swap3A_1335] {strides = array<i32>} : memref<16384xf32, #tpu.memory_space<vmem>>, vector<16xf32>,
        %swap3A_1337 = vector.shape_cast %swap3A_1336 : vector<16xf32> to vector<16xf32>
        %swap3A_1338 = vector.shape_cast %select_n3A_1334 : vector<16xf32> to vector<16xf32>
        tpu.vector_store %arg6[%swap3A_1335], %swap3A_1338 {strides = array<i32>} : memref<16384xf32, #tpu.memory_space<vmem>>, vector<16xf32>,
        %broadcast_in_dim3A_1339 = arith.constant 8 : i32
        %broadcast_in_dim3A_1340 = vector.broadcast %broadcast_in_dim3A_1339 : i32 to vector<16xi32>
        %lt3A_1341 = arith.constant 0 : i32
        %lt3A_1342 = vector.broadcast %lt3A_1341 : i32 to vector<16xi32>
        %lt3A_1343 = arith.cmpi slt, %broadcast_in_dim3A_1340, %lt3A_1342 : vector<16xi32>
        %add3A_1344 = arith.constant 16 : i32
        %add3A_1345 = vector.broadcast %add3A_1344 : i32 to vector<16xi32>
        %add3A_1346 = arith.addi %broadcast_in_dim3A_1340, %add3A_1345 : vector<16xi32>
        %select_n3A_1347 = arith.select %lt3A_1343, %add3A_1346, %broadcast_in_dim3A_1340 : vector<16xi1>, vector<16xi32>
        %broadcast_in_dim3A_1348 = vector.shape_cast %select_n3A_1347 : vector<16xi32> to vector<16x1xi32>
        %gather3A_1349 = vector.shape_cast %broadcast_in_dim3A_1348 : vector<16x1xi32> to vector<16xi32>
        %gather3A_1350 = tpu.dynamic_gather %get3A_28[%gather3A_1349] in [0] : vector<16xi32>, vector<16xi32> -> vector<16xi32>
        %add3A_1351 = arith.constant 1024 : i32
        %add3A_1352 = arith.addi %mul3A_32, %add3A_1351 : i32
        %add3A_1353 = arith.constant 0 : i32
        %add3A_1354 = arith.addi %add3A_1352, %add3A_1353 : i32
        %get3A_1355 = arith.index_cast %add3A_1354 : i32 to index
        %get3A_1356 = tpu.vector_load %arg6[%get3A_1355] {strides = array<i32>} : memref<16384xf32, #tpu.memory_space<vmem>>, vector<16xf32>,
        %get3A_1357 = vector.shape_cast %get3A_1356 : vector<16xf32> to vector<16xf32>
        %add3A_1358 = arith.constant 0 : i32
        %add3A_1359 = vector.broadcast %add3A_1358 : i32 to vector<16xi32>
        %add3A_1360 = arith.addi %iota3A, %add3A_1359 : vector<16xi32>
        %eq3A_1361 = arith.cmpi eq, %add3A_1360, %gather3A_1350 : vector<16xi32>
        %add3A_1362 = arith.constant 1.000000e+00 : f32
        %add3A_1363 = vector.broadcast %add3A_1362 : f32 to vector<16xf32>
        %add3A_1364 = arith.addf %get3A_1357, %add3A_1363 : vector<16xf32>
        %select_n3A_1365 = arith.select %eq3A_1361, %add3A_1364, %get3A_1357 : vector<16xi1>, vector<16xf32>
        %swap3A_1366 = arith.index_cast %add3A_1354 : i32 to index
        %swap3A_1367 = tpu.vector_load %arg6[%swap3A_1366] {strides = array<i32>} : memref<16384xf32, #tpu.memory_space<vmem>>, vector<16xf32>,
        %swap3A_1368 = vector.shape_cast %swap3A_1367 : vector<16xf32> to vector<16xf32>
        %swap3A_1369 = vector.shape_cast %select_n3A_1365 : vector<16xf32> to vector<16xf32>
        tpu.vector_store %arg6[%swap3A_1366], %swap3A_1369 {strides = array<i32>} : memref<16384xf32, #tpu.memory_space<vmem>>, vector<16xf32>,
        %add3A_1370 = arith.constant 1024 : i32
        %add3A_1371 = arith.addi %mul3A_32, %add3A_1370 : i32
        %add3A_1372 = arith.constant 16 : i32
        %add3A_1373 = arith.addi %add3A_1371, %add3A_1372 : i32
        %get3A_1374 = arith.index_cast %add3A_1373 : i32 to index
        %get3A_1375 = tpu.vector_load %arg6[%get3A_1374] {strides = array<i32>} : memref<16384xf32, #tpu.memory_space<vmem>>, vector<16xf32>,
        %get3A_1376 = vector.shape_cast %get3A_1375 : vector<16xf32> to vector<16xf32>
        %add3A_1377 = arith.constant 16 : i32
        %add3A_1378 = vector.broadcast %add3A_1377 : i32 to vector<16xi32>
        %add3A_1379 = arith.addi %iota3A, %add3A_1378 : vector<16xi32>
        %eq3A_1380 = arith.cmpi eq, %add3A_1379, %gather3A_1350 : vector<16xi32>
        %add3A_1381 = arith.constant 1.000000e+00 : f32
        %add3A_1382 = vector.broadcast %add3A_1381 : f32 to vector<16xf32>
        %add3A_1383 = arith.addf %get3A_1376, %add3A_1382 : vector<16xf32>
        %select_n3A_1384 = arith.select %eq3A_1380, %add3A_1383, %get3A_1376 : vector<16xi1>, vector<16xf32>
        %swap3A_1385 = arith.index_cast %add3A_1373 : i32 to index
        %swap3A_1386 = tpu.vector_load %arg6[%swap3A_1385] {strides = array<i32>} : memref<16384xf32, #tpu.memory_space<vmem>>, vector<16xf32>,
        %swap3A_1387 = vector.shape_cast %swap3A_1386 : vector<16xf32> to vector<16xf32>
        %swap3A_1388 = vector.shape_cast %select_n3A_1384 : vector<16xf32> to vector<16xf32>
        tpu.vector_store %arg6[%swap3A_1385], %swap3A_1388 {strides = array<i32>} : memref<16384xf32, #tpu.memory_space<vmem>>, vector<16xf32>,
        %add3A_1389 = arith.constant 1024 : i32
        %add3A_1390 = arith.addi %mul3A_32, %add3A_1389 : i32
        %add3A_1391 = arith.constant 32 : i32
        %add3A_1392 = arith.addi %add3A_1390, %add3A_1391 : i32
        %get3A_1393 = arith.index_cast %add3A_1392 : i32 to index
        %get3A_1394 = tpu.vector_load %arg6[%get3A_1393] {strides = array<i32>} : memref<16384xf32, #tpu.memory_space<vmem>>, vector<16xf32>,
        %get3A_1395 = vector.shape_cast %get3A_1394 : vector<16xf32> to vector<16xf32>
        %add3A_1396 = arith.constant 32 : i32
        %add3A_1397 = vector.broadcast %add3A_1396 : i32 to vector<16xi32>
        %add3A_1398 = arith.addi %iota3A, %add3A_1397 : vector<16xi32>
        %eq3A_1399 = arith.cmpi eq, %add3A_1398, %gather3A_1350 : vector<16xi32>
        %add3A_1400 = arith.constant 1.000000e+00 : f32
        %add3A_1401 = vector.broadcast %add3A_1400 : f32 to vector<16xf32>
        %add3A_1402 = arith.addf %get3A_1395, %add3A_1401 : vector<16xf32>
        %select_n3A_1403 = arith.select %eq3A_1399, %add3A_1402, %get3A_1395 : vector<16xi1>, vector<16xf32>
        %swap3A_1404 = arith.index_cast %add3A_1392 : i32 to index
        %swap3A_1405 = tpu.vector_load %arg6[%swap3A_1404] {strides = array<i32>} : memref<16384xf32, #tpu.memory_space<vmem>>, vector<16xf32>,
        %swap3A_1406 = vector.shape_cast %swap3A_1405 : vector<16xf32> to vector<16xf32>
        %swap3A_1407 = vector.shape_cast %select_n3A_1403 : vector<16xf32> to vector<16xf32>
        tpu.vector_store %arg6[%swap3A_1404], %swap3A_1407 {strides = array<i32>} : memref<16384xf32, #tpu.memory_space<vmem>>, vector<16xf32>,
        %add3A_1408 = arith.constant 1024 : i32
        %add3A_1409 = arith.addi %mul3A_32, %add3A_1408 : i32
        %add3A_1410 = arith.constant 48 : i32
        %add3A_1411 = arith.addi %add3A_1409, %add3A_1410 : i32
        %get3A_1412 = arith.index_cast %add3A_1411 : i32 to index
        %get3A_1413 = tpu.vector_load %arg6[%get3A_1412] {strides = array<i32>} : memref<16384xf32, #tpu.memory_space<vmem>>, vector<16xf32>,
        %get3A_1414 = vector.shape_cast %get3A_1413 : vector<16xf32> to vector<16xf32>
        %add3A_1415 = arith.constant 48 : i32
        %add3A_1416 = vector.broadcast %add3A_1415 : i32 to vector<16xi32>
        %add3A_1417 = arith.addi %iota3A, %add3A_1416 : vector<16xi32>
        %eq3A_1418 = arith.cmpi eq, %add3A_1417, %gather3A_1350 : vector<16xi32>
        %add3A_1419 = arith.constant 1.000000e+00 : f32
        %add3A_1420 = vector.broadcast %add3A_1419 : f32 to vector<16xf32>
        %add3A_1421 = arith.addf %get3A_1414, %add3A_1420 : vector<16xf32>
        %select_n3A_1422 = arith.select %eq3A_1418, %add3A_1421, %get3A_1414 : vector<16xi1>, vector<16xf32>
        %swap3A_1423 = arith.index_cast %add3A_1411 : i32 to index
        %swap3A_1424 = tpu.vector_load %arg6[%swap3A_1423] {strides = array<i32>} : memref<16384xf32, #tpu.memory_space<vmem>>, vector<16xf32>,
        %swap3A_1425 = vector.shape_cast %swap3A_1424 : vector<16xf32> to vector<16xf32>
        %swap3A_1426 = vector.shape_cast %select_n3A_1422 : vector<16xf32> to vector<16xf32>
        tpu.vector_store %arg6[%swap3A_1423], %swap3A_1426 {strides = array<i32>} : memref<16384xf32, #tpu.memory_space<vmem>>, vector<16xf32>,
        %add3A_1427 = arith.constant 1024 : i32
        %add3A_1428 = arith.addi %mul3A_32, %add3A_1427 : i32
        %add3A_1429 = arith.constant 64 : i32
        %add3A_1430 = arith.addi %add3A_1428, %add3A_1429 : i32
        %get3A_1431 = arith.index_cast %add3A_1430 : i32 to index
        %get3A_1432 = tpu.vector_load %arg6[%get3A_1431] {strides = array<i32>} : memref<16384xf32, #tpu.memory_space<vmem>>, vector<16xf32>,
        %get3A_1433 = vector.shape_cast %get3A_1432 : vector<16xf32> to vector<16xf32>
        %add3A_1434 = arith.constant 64 : i32
        %add3A_1435 = vector.broadcast %add3A_1434 : i32 to vector<16xi32>
        %add3A_1436 = arith.addi %iota3A, %add3A_1435 : vector<16xi32>
        %eq3A_1437 = arith.cmpi eq, %add3A_1436, %gather3A_1350 : vector<16xi32>
        %add3A_1438 = arith.constant 1.000000e+00 : f32
        %add3A_1439 = vector.broadcast %add3A_1438 : f32 to vector<16xf32>
        %add3A_1440 = arith.addf %get3A_1433, %add3A_1439 : vector<16xf32>
        %select_n3A_1441 = arith.select %eq3A_1437, %add3A_1440, %get3A_1433 : vector<16xi1>, vector<16xf32>
        %swap3A_1442 = arith.index_cast %add3A_1430 : i32 to index
        %swap3A_1443 = tpu.vector_load %arg6[%swap3A_1442] {strides = array<i32>} : memref<16384xf32, #tpu.memory_space<vmem>>, vector<16xf32>,
        %swap3A_1444 = vector.shape_cast %swap3A_1443 : vector<16xf32> to vector<16xf32>
        %swap3A_1445 = vector.shape_cast %select_n3A_1441 : vector<16xf32> to vector<16xf32>
        tpu.vector_store %arg6[%swap3A_1442], %swap3A_1445 {strides = array<i32>} : memref<16384xf32, #tpu.memory_space<vmem>>, vector<16xf32>,
        %add3A_1446 = arith.constant 1024 : i32
        %add3A_1447 = arith.addi %mul3A_32, %add3A_1446 : i32
        %add3A_1448 = arith.constant 80 : i32
        %add3A_1449 = arith.addi %add3A_1447, %add3A_1448 : i32
        %get3A_1450 = arith.index_cast %add3A_1449 : i32 to index
        %get3A_1451 = tpu.vector_load %arg6[%get3A_1450] {strides = array<i32>} : memref<16384xf32, #tpu.memory_space<vmem>>, vector<16xf32>,
        %get3A_1452 = vector.shape_cast %get3A_1451 : vector<16xf32> to vector<16xf32>
        %add3A_1453 = arith.constant 80 : i32
        %add3A_1454 = vector.broadcast %add3A_1453 : i32 to vector<16xi32>
        %add3A_1455 = arith.addi %iota3A, %add3A_1454 : vector<16xi32>
        %eq3A_1456 = arith.cmpi eq, %add3A_1455, %gather3A_1350 : vector<16xi32>
        %add3A_1457 = arith.constant 1.000000e+00 : f32
        %add3A_1458 = vector.broadcast %add3A_1457 : f32 to vector<16xf32>
        %add3A_1459 = arith.addf %get3A_1452, %add3A_1458 : vector<16xf32>
        %select_n3A_1460 = arith.select %eq3A_1456, %add3A_1459, %get3A_1452 : vector<16xi1>, vector<16xf32>
        %swap3A_1461 = arith.index_cast %add3A_1449 : i32 to index
        %swap3A_1462 = tpu.vector_load %arg6[%swap3A_1461] {strides = array<i32>} : memref<16384xf32, #tpu.memory_space<vmem>>, vector<16xf32>,
        %swap3A_1463 = vector.shape_cast %swap3A_1462 : vector<16xf32> to vector<16xf32>
        %swap3A_1464 = vector.shape_cast %select_n3A_1460 : vector<16xf32> to vector<16xf32>
        tpu.vector_store %arg6[%swap3A_1461], %swap3A_1464 {strides = array<i32>} : memref<16384xf32, #tpu.memory_space<vmem>>, vector<16xf32>,
        %add3A_1465 = arith.constant 1024 : i32
        %add3A_1466 = arith.addi %mul3A_32, %add3A_1465 : i32
        %add3A_1467 = arith.constant 96 : i32
        %add3A_1468 = arith.addi %add3A_1466, %add3A_1467 : i32
        %get3A_1469 = arith.index_cast %add3A_1468 : i32 to index
        %get3A_1470 = tpu.vector_load %arg6[%get3A_1469] {strides = array<i32>} : memref<16384xf32, #tpu.memory_space<vmem>>, vector<16xf32>,
        %get3A_1471 = vector.shape_cast %get3A_1470 : vector<16xf32> to vector<16xf32>
        %add3A_1472 = arith.constant 96 : i32
        %add3A_1473 = vector.broadcast %add3A_1472 : i32 to vector<16xi32>
        %add3A_1474 = arith.addi %iota3A, %add3A_1473 : vector<16xi32>
        %eq3A_1475 = arith.cmpi eq, %add3A_1474, %gather3A_1350 : vector<16xi32>
        %add3A_1476 = arith.constant 1.000000e+00 : f32
        %add3A_1477 = vector.broadcast %add3A_1476 : f32 to vector<16xf32>
        %add3A_1478 = arith.addf %get3A_1471, %add3A_1477 : vector<16xf32>
        %select_n3A_1479 = arith.select %eq3A_1475, %add3A_1478, %get3A_1471 : vector<16xi1>, vector<16xf32>
        %swap3A_1480 = arith.index_cast %add3A_1468 : i32 to index
        %swap3A_1481 = tpu.vector_load %arg6[%swap3A_1480] {strides = array<i32>} : memref<16384xf32, #tpu.memory_space<vmem>>, vector<16xf32>,
        %swap3A_1482 = vector.shape_cast %swap3A_1481 : vector<16xf32> to vector<16xf32>
        %swap3A_1483 = vector.shape_cast %select_n3A_1479 : vector<16xf32> to vector<16xf32>
        tpu.vector_store %arg6[%swap3A_1480], %swap3A_1483 {strides = array<i32>} : memref<16384xf32, #tpu.memory_space<vmem>>, vector<16xf32>,
        %add3A_1484 = arith.constant 1024 : i32
        %add3A_1485 = arith.addi %mul3A_32, %add3A_1484 : i32
        %add3A_1486 = arith.constant 112 : i32
        %add3A_1487 = arith.addi %add3A_1485, %add3A_1486 : i32
        %get3A_1488 = arith.index_cast %add3A_1487 : i32 to index
        %get3A_1489 = tpu.vector_load %arg6[%get3A_1488] {strides = array<i32>} : memref<16384xf32, #tpu.memory_space<vmem>>, vector<16xf32>,
        %get3A_1490 = vector.shape_cast %get3A_1489 : vector<16xf32> to vector<16xf32>
        %add3A_1491 = arith.constant 112 : i32
        %add3A_1492 = vector.broadcast %add3A_1491 : i32 to vector<16xi32>
        %add3A_1493 = arith.addi %iota3A, %add3A_1492 : vector<16xi32>
        %eq3A_1494 = arith.cmpi eq, %add3A_1493, %gather3A_1350 : vector<16xi32>
        %add3A_1495 = arith.constant 1.000000e+00 : f32
        %add3A_1496 = vector.broadcast %add3A_1495 : f32 to vector<16xf32>
        %add3A_1497 = arith.addf %get3A_1490, %add3A_1496 : vector<16xf32>
        %select_n3A_1498 = arith.select %eq3A_1494, %add3A_1497, %get3A_1490 : vector<16xi1>, vector<16xf32>
        %swap3A_1499 = arith.index_cast %add3A_1487 : i32 to index
        %swap3A_1500 = tpu.vector_load %arg6[%swap3A_1499] {strides = array<i32>} : memref<16384xf32, #tpu.memory_space<vmem>>, vector<16xf32>,
        %swap3A_1501 = vector.shape_cast %swap3A_1500 : vector<16xf32> to vector<16xf32>
        %swap3A_1502 = vector.shape_cast %select_n3A_1498 : vector<16xf32> to vector<16xf32>
        tpu.vector_store %arg6[%swap3A_1499], %swap3A_1502 {strides = array<i32>} : memref<16384xf32, #tpu.memory_space<vmem>>, vector<16xf32>,
        %broadcast_in_dim3A_1503 = arith.constant 9 : i32
        %broadcast_in_dim3A_1504 = vector.broadcast %broadcast_in_dim3A_1503 : i32 to vector<16xi32>
        %lt3A_1505 = arith.constant 0 : i32
        %lt3A_1506 = vector.broadcast %lt3A_1505 : i32 to vector<16xi32>
        %lt3A_1507 = arith.cmpi slt, %broadcast_in_dim3A_1504, %lt3A_1506 : vector<16xi32>
        %add3A_1508 = arith.constant 16 : i32
        %add3A_1509 = vector.broadcast %add3A_1508 : i32 to vector<16xi32>
        %add3A_1510 = arith.addi %broadcast_in_dim3A_1504, %add3A_1509 : vector<16xi32>
        %select_n3A_1511 = arith.select %lt3A_1507, %add3A_1510, %broadcast_in_dim3A_1504 : vector<16xi1>, vector<16xi32>
        %broadcast_in_dim3A_1512 = vector.shape_cast %select_n3A_1511 : vector<16xi32> to vector<16x1xi32>
        %gather3A_1513 = vector.shape_cast %broadcast_in_dim3A_1512 : vector<16x1xi32> to vector<16xi32>
        %gather3A_1514 = tpu.dynamic_gather %get3A_28[%gather3A_1513] in [0] : vector<16xi32>, vector<16xi32> -> vector<16xi32>
        %add3A_1515 = arith.constant 1152 : i32
        %add3A_1516 = arith.addi %mul3A_32, %add3A_1515 : i32
        %add3A_1517 = arith.constant 0 : i32
        %add3A_1518 = arith.addi %add3A_1516, %add3A_1517 : i32
        %get3A_1519 = arith.index_cast %add3A_1518 : i32 to index
        %get3A_1520 = tpu.vector_load %arg6[%get3A_1519] {strides = array<i32>} : memref<16384xf32, #tpu.memory_space<vmem>>, vector<16xf32>,
        %get3A_1521 = vector.shape_cast %get3A_1520 : vector<16xf32> to vector<16xf32>
        %add3A_1522 = arith.constant 0 : i32
        %add3A_1523 = vector.broadcast %add3A_1522 : i32 to vector<16xi32>
        %add3A_1524 = arith.addi %iota3A, %add3A_1523 : vector<16xi32>
        %eq3A_1525 = arith.cmpi eq, %add3A_1524, %gather3A_1514 : vector<16xi32>
        %add3A_1526 = arith.constant 1.000000e+00 : f32
        %add3A_1527 = vector.broadcast %add3A_1526 : f32 to vector<16xf32>
        %add3A_1528 = arith.addf %get3A_1521, %add3A_1527 : vector<16xf32>
        %select_n3A_1529 = arith.select %eq3A_1525, %add3A_1528, %get3A_1521 : vector<16xi1>, vector<16xf32>
        %swap3A_1530 = arith.index_cast %add3A_1518 : i32 to index
        %swap3A_1531 = tpu.vector_load %arg6[%swap3A_1530] {strides = array<i32>} : memref<16384xf32, #tpu.memory_space<vmem>>, vector<16xf32>,
        %swap3A_1532 = vector.shape_cast %swap3A_1531 : vector<16xf32> to vector<16xf32>
        %swap3A_1533 = vector.shape_cast %select_n3A_1529 : vector<16xf32> to vector<16xf32>
        tpu.vector_store %arg6[%swap3A_1530], %swap3A_1533 {strides = array<i32>} : memref<16384xf32, #tpu.memory_space<vmem>>, vector<16xf32>,
        %add3A_1534 = arith.constant 1152 : i32
        %add3A_1535 = arith.addi %mul3A_32, %add3A_1534 : i32
        %add3A_1536 = arith.constant 16 : i32
        %add3A_1537 = arith.addi %add3A_1535, %add3A_1536 : i32
        %get3A_1538 = arith.index_cast %add3A_1537 : i32 to index
        %get3A_1539 = tpu.vector_load %arg6[%get3A_1538] {strides = array<i32>} : memref<16384xf32, #tpu.memory_space<vmem>>, vector<16xf32>,
        %get3A_1540 = vector.shape_cast %get3A_1539 : vector<16xf32> to vector<16xf32>
        %add3A_1541 = arith.constant 16 : i32
        %add3A_1542 = vector.broadcast %add3A_1541 : i32 to vector<16xi32>
        %add3A_1543 = arith.addi %iota3A, %add3A_1542 : vector<16xi32>
        %eq3A_1544 = arith.cmpi eq, %add3A_1543, %gather3A_1514 : vector<16xi32>
        %add3A_1545 = arith.constant 1.000000e+00 : f32
        %add3A_1546 = vector.broadcast %add3A_1545 : f32 to vector<16xf32>
        %add3A_1547 = arith.addf %get3A_1540, %add3A_1546 : vector<16xf32>
        %select_n3A_1548 = arith.select %eq3A_1544, %add3A_1547, %get3A_1540 : vector<16xi1>, vector<16xf32>
        %swap3A_1549 = arith.index_cast %add3A_1537 : i32 to index
        %swap3A_1550 = tpu.vector_load %arg6[%swap3A_1549] {strides = array<i32>} : memref<16384xf32, #tpu.memory_space<vmem>>, vector<16xf32>,
        %swap3A_1551 = vector.shape_cast %swap3A_1550 : vector<16xf32> to vector<16xf32>
        %swap3A_1552 = vector.shape_cast %select_n3A_1548 : vector<16xf32> to vector<16xf32>
        tpu.vector_store %arg6[%swap3A_1549], %swap3A_1552 {strides = array<i32>} : memref<16384xf32, #tpu.memory_space<vmem>>, vector<16xf32>,
        %add3A_1553 = arith.constant 1152 : i32
        %add3A_1554 = arith.addi %mul3A_32, %add3A_1553 : i32
        %add3A_1555 = arith.constant 32 : i32
        %add3A_1556 = arith.addi %add3A_1554, %add3A_1555 : i32
        %get3A_1557 = arith.index_cast %add3A_1556 : i32 to index
        %get3A_1558 = tpu.vector_load %arg6[%get3A_1557] {strides = array<i32>} : memref<16384xf32, #tpu.memory_space<vmem>>, vector<16xf32>,
        %get3A_1559 = vector.shape_cast %get3A_1558 : vector<16xf32> to vector<16xf32>
        %add3A_1560 = arith.constant 32 : i32
        %add3A_1561 = vector.broadcast %add3A_1560 : i32 to vector<16xi32>
        %add3A_1562 = arith.addi %iota3A, %add3A_1561 : vector<16xi32>
        %eq3A_1563 = arith.cmpi eq, %add3A_1562, %gather3A_1514 : vector<16xi32>
        %add3A_1564 = arith.constant 1.000000e+00 : f32
        %add3A_1565 = vector.broadcast %add3A_1564 : f32 to vector<16xf32>
        %add3A_1566 = arith.addf %get3A_1559, %add3A_1565 : vector<16xf32>
        %select_n3A_1567 = arith.select %eq3A_1563, %add3A_1566, %get3A_1559 : vector<16xi1>, vector<16xf32>
        %swap3A_1568 = arith.index_cast %add3A_1556 : i32 to index
        %swap3A_1569 = tpu.vector_load %arg6[%swap3A_1568] {strides = array<i32>} : memref<16384xf32, #tpu.memory_space<vmem>>, vector<16xf32>,
        %swap3A_1570 = vector.shape_cast %swap3A_1569 : vector<16xf32> to vector<16xf32>
        %swap3A_1571 = vector.shape_cast %select_n3A_1567 : vector<16xf32> to vector<16xf32>
        tpu.vector_store %arg6[%swap3A_1568], %swap3A_1571 {strides = array<i32>} : memref<16384xf32, #tpu.memory_space<vmem>>, vector<16xf32>,
        %add3A_1572 = arith.constant 1152 : i32
        %add3A_1573 = arith.addi %mul3A_32, %add3A_1572 : i32
        %add3A_1574 = arith.constant 48 : i32
        %add3A_1575 = arith.addi %add3A_1573, %add3A_1574 : i32
        %get3A_1576 = arith.index_cast %add3A_1575 : i32 to index
        %get3A_1577 = tpu.vector_load %arg6[%get3A_1576] {strides = array<i32>} : memref<16384xf32, #tpu.memory_space<vmem>>, vector<16xf32>,
        %get3A_1578 = vector.shape_cast %get3A_1577 : vector<16xf32> to vector<16xf32>
        %add3A_1579 = arith.constant 48 : i32
        %add3A_1580 = vector.broadcast %add3A_1579 : i32 to vector<16xi32>
        %add3A_1581 = arith.addi %iota3A, %add3A_1580 : vector<16xi32>
        %eq3A_1582 = arith.cmpi eq, %add3A_1581, %gather3A_1514 : vector<16xi32>
        %add3A_1583 = arith.constant 1.000000e+00 : f32
        %add3A_1584 = vector.broadcast %add3A_1583 : f32 to vector<16xf32>
        %add3A_1585 = arith.addf %get3A_1578, %add3A_1584 : vector<16xf32>
        %select_n3A_1586 = arith.select %eq3A_1582, %add3A_1585, %get3A_1578 : vector<16xi1>, vector<16xf32>
        %swap3A_1587 = arith.index_cast %add3A_1575 : i32 to index
        %swap3A_1588 = tpu.vector_load %arg6[%swap3A_1587] {strides = array<i32>} : memref<16384xf32, #tpu.memory_space<vmem>>, vector<16xf32>,
        %swap3A_1589 = vector.shape_cast %swap3A_1588 : vector<16xf32> to vector<16xf32>
        %swap3A_1590 = vector.shape_cast %select_n3A_1586 : vector<16xf32> to vector<16xf32>
        tpu.vector_store %arg6[%swap3A_1587], %swap3A_1590 {strides = array<i32>} : memref<16384xf32, #tpu.memory_space<vmem>>, vector<16xf32>,
        %add3A_1591 = arith.constant 1152 : i32
        %add3A_1592 = arith.addi %mul3A_32, %add3A_1591 : i32
        %add3A_1593 = arith.constant 64 : i32
        %add3A_1594 = arith.addi %add3A_1592, %add3A_1593 : i32
        %get3A_1595 = arith.index_cast %add3A_1594 : i32 to index
        %get3A_1596 = tpu.vector_load %arg6[%get3A_1595] {strides = array<i32>} : memref<16384xf32, #tpu.memory_space<vmem>>, vector<16xf32>,
        %get3A_1597 = vector.shape_cast %get3A_1596 : vector<16xf32> to vector<16xf32>
        %add3A_1598 = arith.constant 64 : i32
        %add3A_1599 = vector.broadcast %add3A_1598 : i32 to vector<16xi32>
        %add3A_1600 = arith.addi %iota3A, %add3A_1599 : vector<16xi32>
        %eq3A_1601 = arith.cmpi eq, %add3A_1600, %gather3A_1514 : vector<16xi32>
        %add3A_1602 = arith.constant 1.000000e+00 : f32
        %add3A_1603 = vector.broadcast %add3A_1602 : f32 to vector<16xf32>
        %add3A_1604 = arith.addf %get3A_1597, %add3A_1603 : vector<16xf32>
        %select_n3A_1605 = arith.select %eq3A_1601, %add3A_1604, %get3A_1597 : vector<16xi1>, vector<16xf32>
        %swap3A_1606 = arith.index_cast %add3A_1594 : i32 to index
        %swap3A_1607 = tpu.vector_load %arg6[%swap3A_1606] {strides = array<i32>} : memref<16384xf32, #tpu.memory_space<vmem>>, vector<16xf32>,
        %swap3A_1608 = vector.shape_cast %swap3A_1607 : vector<16xf32> to vector<16xf32>
        %swap3A_1609 = vector.shape_cast %select_n3A_1605 : vector<16xf32> to vector<16xf32>
        tpu.vector_store %arg6[%swap3A_1606], %swap3A_1609 {strides = array<i32>} : memref<16384xf32, #tpu.memory_space<vmem>>, vector<16xf32>,
        %add3A_1610 = arith.constant 1152 : i32
        %add3A_1611 = arith.addi %mul3A_32, %add3A_1610 : i32
        %add3A_1612 = arith.constant 80 : i32
        %add3A_1613 = arith.addi %add3A_1611, %add3A_1612 : i32
        %get3A_1614 = arith.index_cast %add3A_1613 : i32 to index
        %get3A_1615 = tpu.vector_load %arg6[%get3A_1614] {strides = array<i32>} : memref<16384xf32, #tpu.memory_space<vmem>>, vector<16xf32>,
        %get3A_1616 = vector.shape_cast %get3A_1615 : vector<16xf32> to vector<16xf32>
        %add3A_1617 = arith.constant 80 : i32
        %add3A_1618 = vector.broadcast %add3A_1617 : i32 to vector<16xi32>
        %add3A_1619 = arith.addi %iota3A, %add3A_1618 : vector<16xi32>
        %eq3A_1620 = arith.cmpi eq, %add3A_1619, %gather3A_1514 : vector<16xi32>
        %add3A_1621 = arith.constant 1.000000e+00 : f32
        %add3A_1622 = vector.broadcast %add3A_1621 : f32 to vector<16xf32>
        %add3A_1623 = arith.addf %get3A_1616, %add3A_1622 : vector<16xf32>
        %select_n3A_1624 = arith.select %eq3A_1620, %add3A_1623, %get3A_1616 : vector<16xi1>, vector<16xf32>
        %swap3A_1625 = arith.index_cast %add3A_1613 : i32 to index
        %swap3A_1626 = tpu.vector_load %arg6[%swap3A_1625] {strides = array<i32>} : memref<16384xf32, #tpu.memory_space<vmem>>, vector<16xf32>,
        %swap3A_1627 = vector.shape_cast %swap3A_1626 : vector<16xf32> to vector<16xf32>
        %swap3A_1628 = vector.shape_cast %select_n3A_1624 : vector<16xf32> to vector<16xf32>
        tpu.vector_store %arg6[%swap3A_1625], %swap3A_1628 {strides = array<i32>} : memref<16384xf32, #tpu.memory_space<vmem>>, vector<16xf32>,
        %add3A_1629 = arith.constant 1152 : i32
        %add3A_1630 = arith.addi %mul3A_32, %add3A_1629 : i32
        %add3A_1631 = arith.constant 96 : i32
        %add3A_1632 = arith.addi %add3A_1630, %add3A_1631 : i32
        %get3A_1633 = arith.index_cast %add3A_1632 : i32 to index
        %get3A_1634 = tpu.vector_load %arg6[%get3A_1633] {strides = array<i32>} : memref<16384xf32, #tpu.memory_space<vmem>>, vector<16xf32>,
        %get3A_1635 = vector.shape_cast %get3A_1634 : vector<16xf32> to vector<16xf32>
        %add3A_1636 = arith.constant 96 : i32
        %add3A_1637 = vector.broadcast %add3A_1636 : i32 to vector<16xi32>
        %add3A_1638 = arith.addi %iota3A, %add3A_1637 : vector<16xi32>
        %eq3A_1639 = arith.cmpi eq, %add3A_1638, %gather3A_1514 : vector<16xi32>
        %add3A_1640 = arith.constant 1.000000e+00 : f32
        %add3A_1641 = vector.broadcast %add3A_1640 : f32 to vector<16xf32>
        %add3A_1642 = arith.addf %get3A_1635, %add3A_1641 : vector<16xf32>
        %select_n3A_1643 = arith.select %eq3A_1639, %add3A_1642, %get3A_1635 : vector<16xi1>, vector<16xf32>
        %swap3A_1644 = arith.index_cast %add3A_1632 : i32 to index
        %swap3A_1645 = tpu.vector_load %arg6[%swap3A_1644] {strides = array<i32>} : memref<16384xf32, #tpu.memory_space<vmem>>, vector<16xf32>,
        %swap3A_1646 = vector.shape_cast %swap3A_1645 : vector<16xf32> to vector<16xf32>
        %swap3A_1647 = vector.shape_cast %select_n3A_1643 : vector<16xf32> to vector<16xf32>
        tpu.vector_store %arg6[%swap3A_1644], %swap3A_1647 {strides = array<i32>} : memref<16384xf32, #tpu.memory_space<vmem>>, vector<16xf32>,
        %add3A_1648 = arith.constant 1152 : i32
        %add3A_1649 = arith.addi %mul3A_32, %add3A_1648 : i32
        %add3A_1650 = arith.constant 112 : i32
        %add3A_1651 = arith.addi %add3A_1649, %add3A_1650 : i32
        %get3A_1652 = arith.index_cast %add3A_1651 : i32 to index
        %get3A_1653 = tpu.vector_load %arg6[%get3A_1652] {strides = array<i32>} : memref<16384xf32, #tpu.memory_space<vmem>>, vector<16xf32>,
        %get3A_1654 = vector.shape_cast %get3A_1653 : vector<16xf32> to vector<16xf32>
        %add3A_1655 = arith.constant 112 : i32
        %add3A_1656 = vector.broadcast %add3A_1655 : i32 to vector<16xi32>
        %add3A_1657 = arith.addi %iota3A, %add3A_1656 : vector<16xi32>
        %eq3A_1658 = arith.cmpi eq, %add3A_1657, %gather3A_1514 : vector<16xi32>
        %add3A_1659 = arith.constant 1.000000e+00 : f32
        %add3A_1660 = vector.broadcast %add3A_1659 : f32 to vector<16xf32>
        %add3A_1661 = arith.addf %get3A_1654, %add3A_1660 : vector<16xf32>
        %select_n3A_1662 = arith.select %eq3A_1658, %add3A_1661, %get3A_1654 : vector<16xi1>, vector<16xf32>
        %swap3A_1663 = arith.index_cast %add3A_1651 : i32 to index
        %swap3A_1664 = tpu.vector_load %arg6[%swap3A_1663] {strides = array<i32>} : memref<16384xf32, #tpu.memory_space<vmem>>, vector<16xf32>,
        %swap3A_1665 = vector.shape_cast %swap3A_1664 : vector<16xf32> to vector<16xf32>
        %swap3A_1666 = vector.shape_cast %select_n3A_1662 : vector<16xf32> to vector<16xf32>
        tpu.vector_store %arg6[%swap3A_1663], %swap3A_1666 {strides = array<i32>} : memref<16384xf32, #tpu.memory_space<vmem>>, vector<16xf32>,
        %broadcast_in_dim3A_1667 = arith.constant 10 : i32
        %broadcast_in_dim3A_1668 = vector.broadcast %broadcast_in_dim3A_1667 : i32 to vector<16xi32>
        %lt3A_1669 = arith.constant 0 : i32
        %lt3A_1670 = vector.broadcast %lt3A_1669 : i32 to vector<16xi32>
        %lt3A_1671 = arith.cmpi slt, %broadcast_in_dim3A_1668, %lt3A_1670 : vector<16xi32>
        %add3A_1672 = arith.constant 16 : i32
        %add3A_1673 = vector.broadcast %add3A_1672 : i32 to vector<16xi32>
        %add3A_1674 = arith.addi %broadcast_in_dim3A_1668, %add3A_1673 : vector<16xi32>
        %select_n3A_1675 = arith.select %lt3A_1671, %add3A_1674, %broadcast_in_dim3A_1668 : vector<16xi1>, vector<16xi32>
        %broadcast_in_dim3A_1676 = vector.shape_cast %select_n3A_1675 : vector<16xi32> to vector<16x1xi32>
        %gather3A_1677 = vector.shape_cast %broadcast_in_dim3A_1676 : vector<16x1xi32> to vector<16xi32>
        %gather3A_1678 = tpu.dynamic_gather %get3A_28[%gather3A_1677] in [0] : vector<16xi32>, vector<16xi32> -> vector<16xi32>
        %add3A_1679 = arith.constant 1280 : i32
        %add3A_1680 = arith.addi %mul3A_32, %add3A_1679 : i32
        %add3A_1681 = arith.constant 0 : i32
        %add3A_1682 = arith.addi %add3A_1680, %add3A_1681 : i32
        %get3A_1683 = arith.index_cast %add3A_1682 : i32 to index
        %get3A_1684 = tpu.vector_load %arg6[%get3A_1683] {strides = array<i32>} : memref<16384xf32, #tpu.memory_space<vmem>>, vector<16xf32>,
        %get3A_1685 = vector.shape_cast %get3A_1684 : vector<16xf32> to vector<16xf32>
        %add3A_1686 = arith.constant 0 : i32
        %add3A_1687 = vector.broadcast %add3A_1686 : i32 to vector<16xi32>
        %add3A_1688 = arith.addi %iota3A, %add3A_1687 : vector<16xi32>
        %eq3A_1689 = arith.cmpi eq, %add3A_1688, %gather3A_1678 : vector<16xi32>
        %add3A_1690 = arith.constant 1.000000e+00 : f32
        %add3A_1691 = vector.broadcast %add3A_1690 : f32 to vector<16xf32>
        %add3A_1692 = arith.addf %get3A_1685, %add3A_1691 : vector<16xf32>
        %select_n3A_1693 = arith.select %eq3A_1689, %add3A_1692, %get3A_1685 : vector<16xi1>, vector<16xf32>
        %swap3A_1694 = arith.index_cast %add3A_1682 : i32 to index
        %swap3A_1695 = tpu.vector_load %arg6[%swap3A_1694] {strides = array<i32>} : memref<16384xf32, #tpu.memory_space<vmem>>, vector<16xf32>,
        %swap3A_1696 = vector.shape_cast %swap3A_1695 : vector<16xf32> to vector<16xf32>
        %swap3A_1697 = vector.shape_cast %select_n3A_1693 : vector<16xf32> to vector<16xf32>
        tpu.vector_store %arg6[%swap3A_1694], %swap3A_1697 {strides = array<i32>} : memref<16384xf32, #tpu.memory_space<vmem>>, vector<16xf32>,
        %add3A_1698 = arith.constant 1280 : i32
        %add3A_1699 = arith.addi %mul3A_32, %add3A_1698 : i32
        %add3A_1700 = arith.constant 16 : i32
        %add3A_1701 = arith.addi %add3A_1699, %add3A_1700 : i32
        %get3A_1702 = arith.index_cast %add3A_1701 : i32 to index
        %get3A_1703 = tpu.vector_load %arg6[%get3A_1702] {strides = array<i32>} : memref<16384xf32, #tpu.memory_space<vmem>>, vector<16xf32>,
        %get3A_1704 = vector.shape_cast %get3A_1703 : vector<16xf32> to vector<16xf32>
        %add3A_1705 = arith.constant 16 : i32
        %add3A_1706 = vector.broadcast %add3A_1705 : i32 to vector<16xi32>
        %add3A_1707 = arith.addi %iota3A, %add3A_1706 : vector<16xi32>
        %eq3A_1708 = arith.cmpi eq, %add3A_1707, %gather3A_1678 : vector<16xi32>
        %add3A_1709 = arith.constant 1.000000e+00 : f32
        %add3A_1710 = vector.broadcast %add3A_1709 : f32 to vector<16xf32>
        %add3A_1711 = arith.addf %get3A_1704, %add3A_1710 : vector<16xf32>
        %select_n3A_1712 = arith.select %eq3A_1708, %add3A_1711, %get3A_1704 : vector<16xi1>, vector<16xf32>
        %swap3A_1713 = arith.index_cast %add3A_1701 : i32 to index
        %swap3A_1714 = tpu.vector_load %arg6[%swap3A_1713] {strides = array<i32>} : memref<16384xf32, #tpu.memory_space<vmem>>, vector<16xf32>,
        %swap3A_1715 = vector.shape_cast %swap3A_1714 : vector<16xf32> to vector<16xf32>
        %swap3A_1716 = vector.shape_cast %select_n3A_1712 : vector<16xf32> to vector<16xf32>
        tpu.vector_store %arg6[%swap3A_1713], %swap3A_1716 {strides = array<i32>} : memref<16384xf32, #tpu.memory_space<vmem>>, vector<16xf32>,
        %add3A_1717 = arith.constant 1280 : i32
        %add3A_1718 = arith.addi %mul3A_32, %add3A_1717 : i32
        %add3A_1719 = arith.constant 32 : i32
        %add3A_1720 = arith.addi %add3A_1718, %add3A_1719 : i32
        %get3A_1721 = arith.index_cast %add3A_1720 : i32 to index
        %get3A_1722 = tpu.vector_load %arg6[%get3A_1721] {strides = array<i32>} : memref<16384xf32, #tpu.memory_space<vmem>>, vector<16xf32>,
        %get3A_1723 = vector.shape_cast %get3A_1722 : vector<16xf32> to vector<16xf32>
        %add3A_1724 = arith.constant 32 : i32
        %add3A_1725 = vector.broadcast %add3A_1724 : i32 to vector<16xi32>
        %add3A_1726 = arith.addi %iota3A, %add3A_1725 : vector<16xi32>
        %eq3A_1727 = arith.cmpi eq, %add3A_1726, %gather3A_1678 : vector<16xi32>
        %add3A_1728 = arith.constant 1.000000e+00 : f32
        %add3A_1729 = vector.broadcast %add3A_1728 : f32 to vector<16xf32>
        %add3A_1730 = arith.addf %get3A_1723, %add3A_1729 : vector<16xf32>
        %select_n3A_1731 = arith.select %eq3A_1727, %add3A_1730, %get3A_1723 : vector<16xi1>, vector<16xf32>
        %swap3A_1732 = arith.index_cast %add3A_1720 : i32 to index
        %swap3A_1733 = tpu.vector_load %arg6[%swap3A_1732] {strides = array<i32>} : memref<16384xf32, #tpu.memory_space<vmem>>, vector<16xf32>,
        %swap3A_1734 = vector.shape_cast %swap3A_1733 : vector<16xf32> to vector<16xf32>
        %swap3A_1735 = vector.shape_cast %select_n3A_1731 : vector<16xf32> to vector<16xf32>
        tpu.vector_store %arg6[%swap3A_1732], %swap3A_1735 {strides = array<i32>} : memref<16384xf32, #tpu.memory_space<vmem>>, vector<16xf32>,
        %add3A_1736 = arith.constant 1280 : i32
        %add3A_1737 = arith.addi %mul3A_32, %add3A_1736 : i32
        %add3A_1738 = arith.constant 48 : i32
        %add3A_1739 = arith.addi %add3A_1737, %add3A_1738 : i32
        %get3A_1740 = arith.index_cast %add3A_1739 : i32 to index
        %get3A_1741 = tpu.vector_load %arg6[%get3A_1740] {strides = array<i32>} : memref<16384xf32, #tpu.memory_space<vmem>>, vector<16xf32>,
        %get3A_1742 = vector.shape_cast %get3A_1741 : vector<16xf32> to vector<16xf32>
        %add3A_1743 = arith.constant 48 : i32
        %add3A_1744 = vector.broadcast %add3A_1743 : i32 to vector<16xi32>
        %add3A_1745 = arith.addi %iota3A, %add3A_1744 : vector<16xi32>
        %eq3A_1746 = arith.cmpi eq, %add3A_1745, %gather3A_1678 : vector<16xi32>
        %add3A_1747 = arith.constant 1.000000e+00 : f32
        %add3A_1748 = vector.broadcast %add3A_1747 : f32 to vector<16xf32>
        %add3A_1749 = arith.addf %get3A_1742, %add3A_1748 : vector<16xf32>
        %select_n3A_1750 = arith.select %eq3A_1746, %add3A_1749, %get3A_1742 : vector<16xi1>, vector<16xf32>
        %swap3A_1751 = arith.index_cast %add3A_1739 : i32 to index
        %swap3A_1752 = tpu.vector_load %arg6[%swap3A_1751] {strides = array<i32>} : memref<16384xf32, #tpu.memory_space<vmem>>, vector<16xf32>,
        %swap3A_1753 = vector.shape_cast %swap3A_1752 : vector<16xf32> to vector<16xf32>
        %swap3A_1754 = vector.shape_cast %select_n3A_1750 : vector<16xf32> to vector<16xf32>
        tpu.vector_store %arg6[%swap3A_1751], %swap3A_1754 {strides = array<i32>} : memref<16384xf32, #tpu.memory_space<vmem>>, vector<16xf32>,
        %add3A_1755 = arith.constant 1280 : i32
        %add3A_1756 = arith.addi %mul3A_32, %add3A_1755 : i32
        %add3A_1757 = arith.constant 64 : i32
        %add3A_1758 = arith.addi %add3A_1756, %add3A_1757 : i32
        %get3A_1759 = arith.index_cast %add3A_1758 : i32 to index
        %get3A_1760 = tpu.vector_load %arg6[%get3A_1759] {strides = array<i32>} : memref<16384xf32, #tpu.memory_space<vmem>>, vector<16xf32>,
        %get3A_1761 = vector.shape_cast %get3A_1760 : vector<16xf32> to vector<16xf32>
        %add3A_1762 = arith.constant 64 : i32
        %add3A_1763 = vector.broadcast %add3A_1762 : i32 to vector<16xi32>
        %add3A_1764 = arith.addi %iota3A, %add3A_1763 : vector<16xi32>
        %eq3A_1765 = arith.cmpi eq, %add3A_1764, %gather3A_1678 : vector<16xi32>
        %add3A_1766 = arith.constant 1.000000e+00 : f32
        %add3A_1767 = vector.broadcast %add3A_1766 : f32 to vector<16xf32>
        %add3A_1768 = arith.addf %get3A_1761, %add3A_1767 : vector<16xf32>
        %select_n3A_1769 = arith.select %eq3A_1765, %add3A_1768, %get3A_1761 : vector<16xi1>, vector<16xf32>
        %swap3A_1770 = arith.index_cast %add3A_1758 : i32 to index
        %swap3A_1771 = tpu.vector_load %arg6[%swap3A_1770] {strides = array<i32>} : memref<16384xf32, #tpu.memory_space<vmem>>, vector<16xf32>,
        %swap3A_1772 = vector.shape_cast %swap3A_1771 : vector<16xf32> to vector<16xf32>
        %swap3A_1773 = vector.shape_cast %select_n3A_1769 : vector<16xf32> to vector<16xf32>
        tpu.vector_store %arg6[%swap3A_1770], %swap3A_1773 {strides = array<i32>} : memref<16384xf32, #tpu.memory_space<vmem>>, vector<16xf32>,
        %add3A_1774 = arith.constant 1280 : i32
        %add3A_1775 = arith.addi %mul3A_32, %add3A_1774 : i32
        %add3A_1776 = arith.constant 80 : i32
        %add3A_1777 = arith.addi %add3A_1775, %add3A_1776 : i32
        %get3A_1778 = arith.index_cast %add3A_1777 : i32 to index
        %get3A_1779 = tpu.vector_load %arg6[%get3A_1778] {strides = array<i32>} : memref<16384xf32, #tpu.memory_space<vmem>>, vector<16xf32>,
        %get3A_1780 = vector.shape_cast %get3A_1779 : vector<16xf32> to vector<16xf32>
        %add3A_1781 = arith.constant 80 : i32
        %add3A_1782 = vector.broadcast %add3A_1781 : i32 to vector<16xi32>
        %add3A_1783 = arith.addi %iota3A, %add3A_1782 : vector<16xi32>
        %eq3A_1784 = arith.cmpi eq, %add3A_1783, %gather3A_1678 : vector<16xi32>
        %add3A_1785 = arith.constant 1.000000e+00 : f32
        %add3A_1786 = vector.broadcast %add3A_1785 : f32 to vector<16xf32>
        %add3A_1787 = arith.addf %get3A_1780, %add3A_1786 : vector<16xf32>
        %select_n3A_1788 = arith.select %eq3A_1784, %add3A_1787, %get3A_1780 : vector<16xi1>, vector<16xf32>
        %swap3A_1789 = arith.index_cast %add3A_1777 : i32 to index
        %swap3A_1790 = tpu.vector_load %arg6[%swap3A_1789] {strides = array<i32>} : memref<16384xf32, #tpu.memory_space<vmem>>, vector<16xf32>,
        %swap3A_1791 = vector.shape_cast %swap3A_1790 : vector<16xf32> to vector<16xf32>
        %swap3A_1792 = vector.shape_cast %select_n3A_1788 : vector<16xf32> to vector<16xf32>
        tpu.vector_store %arg6[%swap3A_1789], %swap3A_1792 {strides = array<i32>} : memref<16384xf32, #tpu.memory_space<vmem>>, vector<16xf32>,
        %add3A_1793 = arith.constant 1280 : i32
        %add3A_1794 = arith.addi %mul3A_32, %add3A_1793 : i32
        %add3A_1795 = arith.constant 96 : i32
        %add3A_1796 = arith.addi %add3A_1794, %add3A_1795 : i32
        %get3A_1797 = arith.index_cast %add3A_1796 : i32 to index
        %get3A_1798 = tpu.vector_load %arg6[%get3A_1797] {strides = array<i32>} : memref<16384xf32, #tpu.memory_space<vmem>>, vector<16xf32>,
        %get3A_1799 = vector.shape_cast %get3A_1798 : vector<16xf32> to vector<16xf32>
        %add3A_1800 = arith.constant 96 : i32
        %add3A_1801 = vector.broadcast %add3A_1800 : i32 to vector<16xi32>
        %add3A_1802 = arith.addi %iota3A, %add3A_1801 : vector<16xi32>
        %eq3A_1803 = arith.cmpi eq, %add3A_1802, %gather3A_1678 : vector<16xi32>
        %add3A_1804 = arith.constant 1.000000e+00 : f32
        %add3A_1805 = vector.broadcast %add3A_1804 : f32 to vector<16xf32>
        %add3A_1806 = arith.addf %get3A_1799, %add3A_1805 : vector<16xf32>
        %select_n3A_1807 = arith.select %eq3A_1803, %add3A_1806, %get3A_1799 : vector<16xi1>, vector<16xf32>
        %swap3A_1808 = arith.index_cast %add3A_1796 : i32 to index
        %swap3A_1809 = tpu.vector_load %arg6[%swap3A_1808] {strides = array<i32>} : memref<16384xf32, #tpu.memory_space<vmem>>, vector<16xf32>,
        %swap3A_1810 = vector.shape_cast %swap3A_1809 : vector<16xf32> to vector<16xf32>
        %swap3A_1811 = vector.shape_cast %select_n3A_1807 : vector<16xf32> to vector<16xf32>
        tpu.vector_store %arg6[%swap3A_1808], %swap3A_1811 {strides = array<i32>} : memref<16384xf32, #tpu.memory_space<vmem>>, vector<16xf32>,
        %add3A_1812 = arith.constant 1280 : i32
        %add3A_1813 = arith.addi %mul3A_32, %add3A_1812 : i32
        %add3A_1814 = arith.constant 112 : i32
        %add3A_1815 = arith.addi %add3A_1813, %add3A_1814 : i32
        %get3A_1816 = arith.index_cast %add3A_1815 : i32 to index
        %get3A_1817 = tpu.vector_load %arg6[%get3A_1816] {strides = array<i32>} : memref<16384xf32, #tpu.memory_space<vmem>>, vector<16xf32>,
        %get3A_1818 = vector.shape_cast %get3A_1817 : vector<16xf32> to vector<16xf32>
        %add3A_1819 = arith.constant 112 : i32
        %add3A_1820 = vector.broadcast %add3A_1819 : i32 to vector<16xi32>
        %add3A_1821 = arith.addi %iota3A, %add3A_1820 : vector<16xi32>
        %eq3A_1822 = arith.cmpi eq, %add3A_1821, %gather3A_1678 : vector<16xi32>
        %add3A_1823 = arith.constant 1.000000e+00 : f32
        %add3A_1824 = vector.broadcast %add3A_1823 : f32 to vector<16xf32>
        %add3A_1825 = arith.addf %get3A_1818, %add3A_1824 : vector<16xf32>
        %select_n3A_1826 = arith.select %eq3A_1822, %add3A_1825, %get3A_1818 : vector<16xi1>, vector<16xf32>
        %swap3A_1827 = arith.index_cast %add3A_1815 : i32 to index
        %swap3A_1828 = tpu.vector_load %arg6[%swap3A_1827] {strides = array<i32>} : memref<16384xf32, #tpu.memory_space<vmem>>, vector<16xf32>,
        %swap3A_1829 = vector.shape_cast %swap3A_1828 : vector<16xf32> to vector<16xf32>
        %swap3A_1830 = vector.shape_cast %select_n3A_1826 : vector<16xf32> to vector<16xf32>
        tpu.vector_store %arg6[%swap3A_1827], %swap3A_1830 {strides = array<i32>} : memref<16384xf32, #tpu.memory_space<vmem>>, vector<16xf32>,
        %broadcast_in_dim3A_1831 = arith.constant 11 : i32
        %broadcast_in_dim3A_1832 = vector.broadcast %broadcast_in_dim3A_1831 : i32 to vector<16xi32>
        %lt3A_1833 = arith.constant 0 : i32
        %lt3A_1834 = vector.broadcast %lt3A_1833 : i32 to vector<16xi32>
        %lt3A_1835 = arith.cmpi slt, %broadcast_in_dim3A_1832, %lt3A_1834 : vector<16xi32>
        %add3A_1836 = arith.constant 16 : i32
        %add3A_1837 = vector.broadcast %add3A_1836 : i32 to vector<16xi32>
        %add3A_1838 = arith.addi %broadcast_in_dim3A_1832, %add3A_1837 : vector<16xi32>
        %select_n3A_1839 = arith.select %lt3A_1835, %add3A_1838, %broadcast_in_dim3A_1832 : vector<16xi1>, vector<16xi32>
        %broadcast_in_dim3A_1840 = vector.shape_cast %select_n3A_1839 : vector<16xi32> to vector<16x1xi32>
        %gather3A_1841 = vector.shape_cast %broadcast_in_dim3A_1840 : vector<16x1xi32> to vector<16xi32>
        %gather3A_1842 = tpu.dynamic_gather %get3A_28[%gather3A_1841] in [0] : vector<16xi32>, vector<16xi32> -> vector<16xi32>
        %add3A_1843 = arith.constant 1408 : i32
        %add3A_1844 = arith.addi %mul3A_32, %add3A_1843 : i32
        %add3A_1845 = arith.constant 0 : i32
        %add3A_1846 = arith.addi %add3A_1844, %add3A_1845 : i32
        %get3A_1847 = arith.index_cast %add3A_1846 : i32 to index
        %get3A_1848 = tpu.vector_load %arg6[%get3A_1847] {strides = array<i32>} : memref<16384xf32, #tpu.memory_space<vmem>>, vector<16xf32>,
        %get3A_1849 = vector.shape_cast %get3A_1848 : vector<16xf32> to vector<16xf32>
        %add3A_1850 = arith.constant 0 : i32
        %add3A_1851 = vector.broadcast %add3A_1850 : i32 to vector<16xi32>
        %add3A_1852 = arith.addi %iota3A, %add3A_1851 : vector<16xi32>
        %eq3A_1853 = arith.cmpi eq, %add3A_1852, %gather3A_1842 : vector<16xi32>
        %add3A_1854 = arith.constant 1.000000e+00 : f32
        %add3A_1855 = vector.broadcast %add3A_1854 : f32 to vector<16xf32>
        %add3A_1856 = arith.addf %get3A_1849, %add3A_1855 : vector<16xf32>
        %select_n3A_1857 = arith.select %eq3A_1853, %add3A_1856, %get3A_1849 : vector<16xi1>, vector<16xf32>
        %swap3A_1858 = arith.index_cast %add3A_1846 : i32 to index
        %swap3A_1859 = tpu.vector_load %arg6[%swap3A_1858] {strides = array<i32>} : memref<16384xf32, #tpu.memory_space<vmem>>, vector<16xf32>,
        %swap3A_1860 = vector.shape_cast %swap3A_1859 : vector<16xf32> to vector<16xf32>
        %swap3A_1861 = vector.shape_cast %select_n3A_1857 : vector<16xf32> to vector<16xf32>
        tpu.vector_store %arg6[%swap3A_1858], %swap3A_1861 {strides = array<i32>} : memref<16384xf32, #tpu.memory_space<vmem>>, vector<16xf32>,
        %add3A_1862 = arith.constant 1408 : i32
        %add3A_1863 = arith.addi %mul3A_32, %add3A_1862 : i32
        %add3A_1864 = arith.constant 16 : i32
        %add3A_1865 = arith.addi %add3A_1863, %add3A_1864 : i32
        %get3A_1866 = arith.index_cast %add3A_1865 : i32 to index
        %get3A_1867 = tpu.vector_load %arg6[%get3A_1866] {strides = array<i32>} : memref<16384xf32, #tpu.memory_space<vmem>>, vector<16xf32>,
        %get3A_1868 = vector.shape_cast %get3A_1867 : vector<16xf32> to vector<16xf32>
        %add3A_1869 = arith.constant 16 : i32
        %add3A_1870 = vector.broadcast %add3A_1869 : i32 to vector<16xi32>
        %add3A_1871 = arith.addi %iota3A, %add3A_1870 : vector<16xi32>
        %eq3A_1872 = arith.cmpi eq, %add3A_1871, %gather3A_1842 : vector<16xi32>
        %add3A_1873 = arith.constant 1.000000e+00 : f32
        %add3A_1874 = vector.broadcast %add3A_1873 : f32 to vector<16xf32>
        %add3A_1875 = arith.addf %get3A_1868, %add3A_1874 : vector<16xf32>
        %select_n3A_1876 = arith.select %eq3A_1872, %add3A_1875, %get3A_1868 : vector<16xi1>, vector<16xf32>
        %swap3A_1877 = arith.index_cast %add3A_1865 : i32 to index
        %swap3A_1878 = tpu.vector_load %arg6[%swap3A_1877] {strides = array<i32>} : memref<16384xf32, #tpu.memory_space<vmem>>, vector<16xf32>,
        %swap3A_1879 = vector.shape_cast %swap3A_1878 : vector<16xf32> to vector<16xf32>
        %swap3A_1880 = vector.shape_cast %select_n3A_1876 : vector<16xf32> to vector<16xf32>
        tpu.vector_store %arg6[%swap3A_1877], %swap3A_1880 {strides = array<i32>} : memref<16384xf32, #tpu.memory_space<vmem>>, vector<16xf32>,
        %add3A_1881 = arith.constant 1408 : i32
        %add3A_1882 = arith.addi %mul3A_32, %add3A_1881 : i32
        %add3A_1883 = arith.constant 32 : i32
        %add3A_1884 = arith.addi %add3A_1882, %add3A_1883 : i32
        %get3A_1885 = arith.index_cast %add3A_1884 : i32 to index
        %get3A_1886 = tpu.vector_load %arg6[%get3A_1885] {strides = array<i32>} : memref<16384xf32, #tpu.memory_space<vmem>>, vector<16xf32>,
        %get3A_1887 = vector.shape_cast %get3A_1886 : vector<16xf32> to vector<16xf32>
        %add3A_1888 = arith.constant 32 : i32
        %add3A_1889 = vector.broadcast %add3A_1888 : i32 to vector<16xi32>
        %add3A_1890 = arith.addi %iota3A, %add3A_1889 : vector<16xi32>
        %eq3A_1891 = arith.cmpi eq, %add3A_1890, %gather3A_1842 : vector<16xi32>
        %add3A_1892 = arith.constant 1.000000e+00 : f32
        %add3A_1893 = vector.broadcast %add3A_1892 : f32 to vector<16xf32>
        %add3A_1894 = arith.addf %get3A_1887, %add3A_1893 : vector<16xf32>
        %select_n3A_1895 = arith.select %eq3A_1891, %add3A_1894, %get3A_1887 : vector<16xi1>, vector<16xf32>
        %swap3A_1896 = arith.index_cast %add3A_1884 : i32 to index
        %swap3A_1897 = tpu.vector_load %arg6[%swap3A_1896] {strides = array<i32>} : memref<16384xf32, #tpu.memory_space<vmem>>, vector<16xf32>,
        %swap3A_1898 = vector.shape_cast %swap3A_1897 : vector<16xf32> to vector<16xf32>
        %swap3A_1899 = vector.shape_cast %select_n3A_1895 : vector<16xf32> to vector<16xf32>
        tpu.vector_store %arg6[%swap3A_1896], %swap3A_1899 {strides = array<i32>} : memref<16384xf32, #tpu.memory_space<vmem>>, vector<16xf32>,
        %add3A_1900 = arith.constant 1408 : i32
        %add3A_1901 = arith.addi %mul3A_32, %add3A_1900 : i32
        %add3A_1902 = arith.constant 48 : i32
        %add3A_1903 = arith.addi %add3A_1901, %add3A_1902 : i32
        %get3A_1904 = arith.index_cast %add3A_1903 : i32 to index
        %get3A_1905 = tpu.vector_load %arg6[%get3A_1904] {strides = array<i32>} : memref<16384xf32, #tpu.memory_space<vmem>>, vector<16xf32>,
        %get3A_1906 = vector.shape_cast %get3A_1905 : vector<16xf32> to vector<16xf32>
        %add3A_1907 = arith.constant 48 : i32
        %add3A_1908 = vector.broadcast %add3A_1907 : i32 to vector<16xi32>
        %add3A_1909 = arith.addi %iota3A, %add3A_1908 : vector<16xi32>
        %eq3A_1910 = arith.cmpi eq, %add3A_1909, %gather3A_1842 : vector<16xi32>
        %add3A_1911 = arith.constant 1.000000e+00 : f32
        %add3A_1912 = vector.broadcast %add3A_1911 : f32 to vector<16xf32>
        %add3A_1913 = arith.addf %get3A_1906, %add3A_1912 : vector<16xf32>
        %select_n3A_1914 = arith.select %eq3A_1910, %add3A_1913, %get3A_1906 : vector<16xi1>, vector<16xf32>
        %swap3A_1915 = arith.index_cast %add3A_1903 : i32 to index
        %swap3A_1916 = tpu.vector_load %arg6[%swap3A_1915] {strides = array<i32>} : memref<16384xf32, #tpu.memory_space<vmem>>, vector<16xf32>,
        %swap3A_1917 = vector.shape_cast %swap3A_1916 : vector<16xf32> to vector<16xf32>
        %swap3A_1918 = vector.shape_cast %select_n3A_1914 : vector<16xf32> to vector<16xf32>
        tpu.vector_store %arg6[%swap3A_1915], %swap3A_1918 {strides = array<i32>} : memref<16384xf32, #tpu.memory_space<vmem>>, vector<16xf32>,
        %add3A_1919 = arith.constant 1408 : i32
        %add3A_1920 = arith.addi %mul3A_32, %add3A_1919 : i32
        %add3A_1921 = arith.constant 64 : i32
        %add3A_1922 = arith.addi %add3A_1920, %add3A_1921 : i32
        %get3A_1923 = arith.index_cast %add3A_1922 : i32 to index
        %get3A_1924 = tpu.vector_load %arg6[%get3A_1923] {strides = array<i32>} : memref<16384xf32, #tpu.memory_space<vmem>>, vector<16xf32>,
        %get3A_1925 = vector.shape_cast %get3A_1924 : vector<16xf32> to vector<16xf32>
        %add3A_1926 = arith.constant 64 : i32
        %add3A_1927 = vector.broadcast %add3A_1926 : i32 to vector<16xi32>
        %add3A_1928 = arith.addi %iota3A, %add3A_1927 : vector<16xi32>
        %eq3A_1929 = arith.cmpi eq, %add3A_1928, %gather3A_1842 : vector<16xi32>
        %add3A_1930 = arith.constant 1.000000e+00 : f32
        %add3A_1931 = vector.broadcast %add3A_1930 : f32 to vector<16xf32>
        %add3A_1932 = arith.addf %get3A_1925, %add3A_1931 : vector<16xf32>
        %select_n3A_1933 = arith.select %eq3A_1929, %add3A_1932, %get3A_1925 : vector<16xi1>, vector<16xf32>
        %swap3A_1934 = arith.index_cast %add3A_1922 : i32 to index
        %swap3A_1935 = tpu.vector_load %arg6[%swap3A_1934] {strides = array<i32>} : memref<16384xf32, #tpu.memory_space<vmem>>, vector<16xf32>,
        %swap3A_1936 = vector.shape_cast %swap3A_1935 : vector<16xf32> to vector<16xf32>
        %swap3A_1937 = vector.shape_cast %select_n3A_1933 : vector<16xf32> to vector<16xf32>
        tpu.vector_store %arg6[%swap3A_1934], %swap3A_1937 {strides = array<i32>} : memref<16384xf32, #tpu.memory_space<vmem>>, vector<16xf32>,
        %add3A_1938 = arith.constant 1408 : i32
        %add3A_1939 = arith.addi %mul3A_32, %add3A_1938 : i32
        %add3A_1940 = arith.constant 80 : i32
        %add3A_1941 = arith.addi %add3A_1939, %add3A_1940 : i32
        %get3A_1942 = arith.index_cast %add3A_1941 : i32 to index
        %get3A_1943 = tpu.vector_load %arg6[%get3A_1942] {strides = array<i32>} : memref<16384xf32, #tpu.memory_space<vmem>>, vector<16xf32>,
        %get3A_1944 = vector.shape_cast %get3A_1943 : vector<16xf32> to vector<16xf32>
        %add3A_1945 = arith.constant 80 : i32
        %add3A_1946 = vector.broadcast %add3A_1945 : i32 to vector<16xi32>
        %add3A_1947 = arith.addi %iota3A, %add3A_1946 : vector<16xi32>
        %eq3A_1948 = arith.cmpi eq, %add3A_1947, %gather3A_1842 : vector<16xi32>
        %add3A_1949 = arith.constant 1.000000e+00 : f32
        %add3A_1950 = vector.broadcast %add3A_1949 : f32 to vector<16xf32>
        %add3A_1951 = arith.addf %get3A_1944, %add3A_1950 : vector<16xf32>
        %select_n3A_1952 = arith.select %eq3A_1948, %add3A_1951, %get3A_1944 : vector<16xi1>, vector<16xf32>
        %swap3A_1953 = arith.index_cast %add3A_1941 : i32 to index
        %swap3A_1954 = tpu.vector_load %arg6[%swap3A_1953] {strides = array<i32>} : memref<16384xf32, #tpu.memory_space<vmem>>, vector<16xf32>,
        %swap3A_1955 = vector.shape_cast %swap3A_1954 : vector<16xf32> to vector<16xf32>
        %swap3A_1956 = vector.shape_cast %select_n3A_1952 : vector<16xf32> to vector<16xf32>
        tpu.vector_store %arg6[%swap3A_1953], %swap3A_1956 {strides = array<i32>} : memref<16384xf32, #tpu.memory_space<vmem>>, vector<16xf32>,
        %add3A_1957 = arith.constant 1408 : i32
        %add3A_1958 = arith.addi %mul3A_32, %add3A_1957 : i32
        %add3A_1959 = arith.constant 96 : i32
        %add3A_1960 = arith.addi %add3A_1958, %add3A_1959 : i32
        %get3A_1961 = arith.index_cast %add3A_1960 : i32 to index
        %get3A_1962 = tpu.vector_load %arg6[%get3A_1961] {strides = array<i32>} : memref<16384xf32, #tpu.memory_space<vmem>>, vector<16xf32>,
        %get3A_1963 = vector.shape_cast %get3A_1962 : vector<16xf32> to vector<16xf32>
        %add3A_1964 = arith.constant 96 : i32
        %add3A_1965 = vector.broadcast %add3A_1964 : i32 to vector<16xi32>
        %add3A_1966 = arith.addi %iota3A, %add3A_1965 : vector<16xi32>
        %eq3A_1967 = arith.cmpi eq, %add3A_1966, %gather3A_1842 : vector<16xi32>
        %add3A_1968 = arith.constant 1.000000e+00 : f32
        %add3A_1969 = vector.broadcast %add3A_1968 : f32 to vector<16xf32>
        %add3A_1970 = arith.addf %get3A_1963, %add3A_1969 : vector<16xf32>
        %select_n3A_1971 = arith.select %eq3A_1967, %add3A_1970, %get3A_1963 : vector<16xi1>, vector<16xf32>
        %swap3A_1972 = arith.index_cast %add3A_1960 : i32 to index
        %swap3A_1973 = tpu.vector_load %arg6[%swap3A_1972] {strides = array<i32>} : memref<16384xf32, #tpu.memory_space<vmem>>, vector<16xf32>,
        %swap3A_1974 = vector.shape_cast %swap3A_1973 : vector<16xf32> to vector<16xf32>
        %swap3A_1975 = vector.shape_cast %select_n3A_1971 : vector<16xf32> to vector<16xf32>
        tpu.vector_store %arg6[%swap3A_1972], %swap3A_1975 {strides = array<i32>} : memref<16384xf32, #tpu.memory_space<vmem>>, vector<16xf32>,
        %add3A_1976 = arith.constant 1408 : i32
        %add3A_1977 = arith.addi %mul3A_32, %add3A_1976 : i32
        %add3A_1978 = arith.constant 112 : i32
        %add3A_1979 = arith.addi %add3A_1977, %add3A_1978 : i32
        %get3A_1980 = arith.index_cast %add3A_1979 : i32 to index
        %get3A_1981 = tpu.vector_load %arg6[%get3A_1980] {strides = array<i32>} : memref<16384xf32, #tpu.memory_space<vmem>>, vector<16xf32>,
        %get3A_1982 = vector.shape_cast %get3A_1981 : vector<16xf32> to vector<16xf32>
        %add3A_1983 = arith.constant 112 : i32
        %add3A_1984 = vector.broadcast %add3A_1983 : i32 to vector<16xi32>
        %add3A_1985 = arith.addi %iota3A, %add3A_1984 : vector<16xi32>
        %eq3A_1986 = arith.cmpi eq, %add3A_1985, %gather3A_1842 : vector<16xi32>
        %add3A_1987 = arith.constant 1.000000e+00 : f32
        %add3A_1988 = vector.broadcast %add3A_1987 : f32 to vector<16xf32>
        %add3A_1989 = arith.addf %get3A_1982, %add3A_1988 : vector<16xf32>
        %select_n3A_1990 = arith.select %eq3A_1986, %add3A_1989, %get3A_1982 : vector<16xi1>, vector<16xf32>
        %swap3A_1991 = arith.index_cast %add3A_1979 : i32 to index
        %swap3A_1992 = tpu.vector_load %arg6[%swap3A_1991] {strides = array<i32>} : memref<16384xf32, #tpu.memory_space<vmem>>, vector<16xf32>,
        %swap3A_1993 = vector.shape_cast %swap3A_1992 : vector<16xf32> to vector<16xf32>
        %swap3A_1994 = vector.shape_cast %select_n3A_1990 : vector<16xf32> to vector<16xf32>
        tpu.vector_store %arg6[%swap3A_1991], %swap3A_1994 {strides = array<i32>} : memref<16384xf32, #tpu.memory_space<vmem>>, vector<16xf32>,
        %broadcast_in_dim3A_1995 = arith.constant 12 : i32
        %broadcast_in_dim3A_1996 = vector.broadcast %broadcast_in_dim3A_1995 : i32 to vector<16xi32>
        %lt3A_1997 = arith.constant 0 : i32
        %lt3A_1998 = vector.broadcast %lt3A_1997 : i32 to vector<16xi32>
        %lt3A_1999 = arith.cmpi slt, %broadcast_in_dim3A_1996, %lt3A_1998 : vector<16xi32>
        %add3A_2000 = arith.constant 16 : i32
        %add3A_2001 = vector.broadcast %add3A_2000 : i32 to vector<16xi32>
        %add3A_2002 = arith.addi %broadcast_in_dim3A_1996, %add3A_2001 : vector<16xi32>
        %select_n3A_2003 = arith.select %lt3A_1999, %add3A_2002, %broadcast_in_dim3A_1996 : vector<16xi1>, vector<16xi32>
        %broadcast_in_dim3A_2004 = vector.shape_cast %select_n3A_2003 : vector<16xi32> to vector<16x1xi32>
        %gather3A_2005 = vector.shape_cast %broadcast_in_dim3A_2004 : vector<16x1xi32> to vector<16xi32>
        %gather3A_2006 = tpu.dynamic_gather %get3A_28[%gather3A_2005] in [0] : vector<16xi32>, vector<16xi32> -> vector<16xi32>
        %add3A_2007 = arith.constant 1536 : i32
        %add3A_2008 = arith.addi %mul3A_32, %add3A_2007 : i32
        %add3A_2009 = arith.constant 0 : i32
        %add3A_2010 = arith.addi %add3A_2008, %add3A_2009 : i32
        %get3A_2011 = arith.index_cast %add3A_2010 : i32 to index
        %get3A_2012 = tpu.vector_load %arg6[%get3A_2011] {strides = array<i32>} : memref<16384xf32, #tpu.memory_space<vmem>>, vector<16xf32>,
        %get3A_2013 = vector.shape_cast %get3A_2012 : vector<16xf32> to vector<16xf32>
        %add3A_2014 = arith.constant 0 : i32
        %add3A_2015 = vector.broadcast %add3A_2014 : i32 to vector<16xi32>
        %add3A_2016 = arith.addi %iota3A, %add3A_2015 : vector<16xi32>
        %eq3A_2017 = arith.cmpi eq, %add3A_2016, %gather3A_2006 : vector<16xi32>
        %add3A_2018 = arith.constant 1.000000e+00 : f32
        %add3A_2019 = vector.broadcast %add3A_2018 : f32 to vector<16xf32>
        %add3A_2020 = arith.addf %get3A_2013, %add3A_2019 : vector<16xf32>
        %select_n3A_2021 = arith.select %eq3A_2017, %add3A_2020, %get3A_2013 : vector<16xi1>, vector<16xf32>
        %swap3A_2022 = arith.index_cast %add3A_2010 : i32 to index
        %swap3A_2023 = tpu.vector_load %arg6[%swap3A_2022] {strides = array<i32>} : memref<16384xf32, #tpu.memory_space<vmem>>, vector<16xf32>,
        %swap3A_2024 = vector.shape_cast %swap3A_2023 : vector<16xf32> to vector<16xf32>
        %swap3A_2025 = vector.shape_cast %select_n3A_2021 : vector<16xf32> to vector<16xf32>
        tpu.vector_store %arg6[%swap3A_2022], %swap3A_2025 {strides = array<i32>} : memref<16384xf32, #tpu.memory_space<vmem>>, vector<16xf32>,
        %add3A_2026 = arith.constant 1536 : i32
        %add3A_2027 = arith.addi %mul3A_32, %add3A_2026 : i32
        %add3A_2028 = arith.constant 16 : i32
        %add3A_2029 = arith.addi %add3A_2027, %add3A_2028 : i32
        %get3A_2030 = arith.index_cast %add3A_2029 : i32 to index
        %get3A_2031 = tpu.vector_load %arg6[%get3A_2030] {strides = array<i32>} : memref<16384xf32, #tpu.memory_space<vmem>>, vector<16xf32>,
        %get3A_2032 = vector.shape_cast %get3A_2031 : vector<16xf32> to vector<16xf32>
        %add3A_2033 = arith.constant 16 : i32
        %add3A_2034 = vector.broadcast %add3A_2033 : i32 to vector<16xi32>
        %add3A_2035 = arith.addi %iota3A, %add3A_2034 : vector<16xi32>
        %eq3A_2036 = arith.cmpi eq, %add3A_2035, %gather3A_2006 : vector<16xi32>
        %add3A_2037 = arith.constant 1.000000e+00 : f32
        %add3A_2038 = vector.broadcast %add3A_2037 : f32 to vector<16xf32>
        %add3A_2039 = arith.addf %get3A_2032, %add3A_2038 : vector<16xf32>
        %select_n3A_2040 = arith.select %eq3A_2036, %add3A_2039, %get3A_2032 : vector<16xi1>, vector<16xf32>
        %swap3A_2041 = arith.index_cast %add3A_2029 : i32 to index
        %swap3A_2042 = tpu.vector_load %arg6[%swap3A_2041] {strides = array<i32>} : memref<16384xf32, #tpu.memory_space<vmem>>, vector<16xf32>,
        %swap3A_2043 = vector.shape_cast %swap3A_2042 : vector<16xf32> to vector<16xf32>
        %swap3A_2044 = vector.shape_cast %select_n3A_2040 : vector<16xf32> to vector<16xf32>
        tpu.vector_store %arg6[%swap3A_2041], %swap3A_2044 {strides = array<i32>} : memref<16384xf32, #tpu.memory_space<vmem>>, vector<16xf32>,
        %add3A_2045 = arith.constant 1536 : i32
        %add3A_2046 = arith.addi %mul3A_32, %add3A_2045 : i32
        %add3A_2047 = arith.constant 32 : i32
        %add3A_2048 = arith.addi %add3A_2046, %add3A_2047 : i32
        %get3A_2049 = arith.index_cast %add3A_2048 : i32 to index
        %get3A_2050 = tpu.vector_load %arg6[%get3A_2049] {strides = array<i32>} : memref<16384xf32, #tpu.memory_space<vmem>>, vector<16xf32>,
        %get3A_2051 = vector.shape_cast %get3A_2050 : vector<16xf32> to vector<16xf32>
        %add3A_2052 = arith.constant 32 : i32
        %add3A_2053 = vector.broadcast %add3A_2052 : i32 to vector<16xi32>
        %add3A_2054 = arith.addi %iota3A, %add3A_2053 : vector<16xi32>
        %eq3A_2055 = arith.cmpi eq, %add3A_2054, %gather3A_2006 : vector<16xi32>
        %add3A_2056 = arith.constant 1.000000e+00 : f32
        %add3A_2057 = vector.broadcast %add3A_2056 : f32 to vector<16xf32>
        %add3A_2058 = arith.addf %get3A_2051, %add3A_2057 : vector<16xf32>
        %select_n3A_2059 = arith.select %eq3A_2055, %add3A_2058, %get3A_2051 : vector<16xi1>, vector<16xf32>
        %swap3A_2060 = arith.index_cast %add3A_2048 : i32 to index
        %swap3A_2061 = tpu.vector_load %arg6[%swap3A_2060] {strides = array<i32>} : memref<16384xf32, #tpu.memory_space<vmem>>, vector<16xf32>,
        %swap3A_2062 = vector.shape_cast %swap3A_2061 : vector<16xf32> to vector<16xf32>
        %swap3A_2063 = vector.shape_cast %select_n3A_2059 : vector<16xf32> to vector<16xf32>
        tpu.vector_store %arg6[%swap3A_2060], %swap3A_2063 {strides = array<i32>} : memref<16384xf32, #tpu.memory_space<vmem>>, vector<16xf32>,
        %add3A_2064 = arith.constant 1536 : i32
        %add3A_2065 = arith.addi %mul3A_32, %add3A_2064 : i32
        %add3A_2066 = arith.constant 48 : i32
        %add3A_2067 = arith.addi %add3A_2065, %add3A_2066 : i32
        %get3A_2068 = arith.index_cast %add3A_2067 : i32 to index
        %get3A_2069 = tpu.vector_load %arg6[%get3A_2068] {strides = array<i32>} : memref<16384xf32, #tpu.memory_space<vmem>>, vector<16xf32>,
        %get3A_2070 = vector.shape_cast %get3A_2069 : vector<16xf32> to vector<16xf32>
        %add3A_2071 = arith.constant 48 : i32
        %add3A_2072 = vector.broadcast %add3A_2071 : i32 to vector<16xi32>
        %add3A_2073 = arith.addi %iota3A, %add3A_2072 : vector<16xi32>
        %eq3A_2074 = arith.cmpi eq, %add3A_2073, %gather3A_2006 : vector<16xi32>
        %add3A_2075 = arith.constant 1.000000e+00 : f32
        %add3A_2076 = vector.broadcast %add3A_2075 : f32 to vector<16xf32>
        %add3A_2077 = arith.addf %get3A_2070, %add3A_2076 : vector<16xf32>
        %select_n3A_2078 = arith.select %eq3A_2074, %add3A_2077, %get3A_2070 : vector<16xi1>, vector<16xf32>
        %swap3A_2079 = arith.index_cast %add3A_2067 : i32 to index
        %swap3A_2080 = tpu.vector_load %arg6[%swap3A_2079] {strides = array<i32>} : memref<16384xf32, #tpu.memory_space<vmem>>, vector<16xf32>,
        %swap3A_2081 = vector.shape_cast %swap3A_2080 : vector<16xf32> to vector<16xf32>
        %swap3A_2082 = vector.shape_cast %select_n3A_2078 : vector<16xf32> to vector<16xf32>
        tpu.vector_store %arg6[%swap3A_2079], %swap3A_2082 {strides = array<i32>} : memref<16384xf32, #tpu.memory_space<vmem>>, vector<16xf32>,
        %add3A_2083 = arith.constant 1536 : i32
        %add3A_2084 = arith.addi %mul3A_32, %add3A_2083 : i32
        %add3A_2085 = arith.constant 64 : i32
        %add3A_2086 = arith.addi %add3A_2084, %add3A_2085 : i32
        %get3A_2087 = arith.index_cast %add3A_2086 : i32 to index
        %get3A_2088 = tpu.vector_load %arg6[%get3A_2087] {strides = array<i32>} : memref<16384xf32, #tpu.memory_space<vmem>>, vector<16xf32>,
        %get3A_2089 = vector.shape_cast %get3A_2088 : vector<16xf32> to vector<16xf32>
        %add3A_2090 = arith.constant 64 : i32
        %add3A_2091 = vector.broadcast %add3A_2090 : i32 to vector<16xi32>
        %add3A_2092 = arith.addi %iota3A, %add3A_2091 : vector<16xi32>
        %eq3A_2093 = arith.cmpi eq, %add3A_2092, %gather3A_2006 : vector<16xi32>
        %add3A_2094 = arith.constant 1.000000e+00 : f32
        %add3A_2095 = vector.broadcast %add3A_2094 : f32 to vector<16xf32>
        %add3A_2096 = arith.addf %get3A_2089, %add3A_2095 : vector<16xf32>
        %select_n3A_2097 = arith.select %eq3A_2093, %add3A_2096, %get3A_2089 : vector<16xi1>, vector<16xf32>
        %swap3A_2098 = arith.index_cast %add3A_2086 : i32 to index
        %swap3A_2099 = tpu.vector_load %arg6[%swap3A_2098] {strides = array<i32>} : memref<16384xf32, #tpu.memory_space<vmem>>, vector<16xf32>,
        %swap3A_2100 = vector.shape_cast %swap3A_2099 : vector<16xf32> to vector<16xf32>
        %swap3A_2101 = vector.shape_cast %select_n3A_2097 : vector<16xf32> to vector<16xf32>
        tpu.vector_store %arg6[%swap3A_2098], %swap3A_2101 {strides = array<i32>} : memref<16384xf32, #tpu.memory_space<vmem>>, vector<16xf32>,
        %add3A_2102 = arith.constant 1536 : i32
        %add3A_2103 = arith.addi %mul3A_32, %add3A_2102 : i32
        %add3A_2104 = arith.constant 80 : i32
        %add3A_2105 = arith.addi %add3A_2103, %add3A_2104 : i32
        %get3A_2106 = arith.index_cast %add3A_2105 : i32 to index
        %get3A_2107 = tpu.vector_load %arg6[%get3A_2106] {strides = array<i32>} : memref<16384xf32, #tpu.memory_space<vmem>>, vector<16xf32>,
        %get3A_2108 = vector.shape_cast %get3A_2107 : vector<16xf32> to vector<16xf32>
        %add3A_2109 = arith.constant 80 : i32
        %add3A_2110 = vector.broadcast %add3A_2109 : i32 to vector<16xi32>
        %add3A_2111 = arith.addi %iota3A, %add3A_2110 : vector<16xi32>
        %eq3A_2112 = arith.cmpi eq, %add3A_2111, %gather3A_2006 : vector<16xi32>
        %add3A_2113 = arith.constant 1.000000e+00 : f32
        %add3A_2114 = vector.broadcast %add3A_2113 : f32 to vector<16xf32>
        %add3A_2115 = arith.addf %get3A_2108, %add3A_2114 : vector<16xf32>
        %select_n3A_2116 = arith.select %eq3A_2112, %add3A_2115, %get3A_2108 : vector<16xi1>, vector<16xf32>
        %swap3A_2117 = arith.index_cast %add3A_2105 : i32 to index
        %swap3A_2118 = tpu.vector_load %arg6[%swap3A_2117] {strides = array<i32>} : memref<16384xf32, #tpu.memory_space<vmem>>, vector<16xf32>,
        %swap3A_2119 = vector.shape_cast %swap3A_2118 : vector<16xf32> to vector<16xf32>
        %swap3A_2120 = vector.shape_cast %select_n3A_2116 : vector<16xf32> to vector<16xf32>
        tpu.vector_store %arg6[%swap3A_2117], %swap3A_2120 {strides = array<i32>} : memref<16384xf32, #tpu.memory_space<vmem>>, vector<16xf32>,
        %add3A_2121 = arith.constant 1536 : i32
        %add3A_2122 = arith.addi %mul3A_32, %add3A_2121 : i32
        %add3A_2123 = arith.constant 96 : i32
        %add3A_2124 = arith.addi %add3A_2122, %add3A_2123 : i32
        %get3A_2125 = arith.index_cast %add3A_2124 : i32 to index
        %get3A_2126 = tpu.vector_load %arg6[%get3A_2125] {strides = array<i32>} : memref<16384xf32, #tpu.memory_space<vmem>>, vector<16xf32>,
        %get3A_2127 = vector.shape_cast %get3A_2126 : vector<16xf32> to vector<16xf32>
        %add3A_2128 = arith.constant 96 : i32
        %add3A_2129 = vector.broadcast %add3A_2128 : i32 to vector<16xi32>
        %add3A_2130 = arith.addi %iota3A, %add3A_2129 : vector<16xi32>
        %eq3A_2131 = arith.cmpi eq, %add3A_2130, %gather3A_2006 : vector<16xi32>
        %add3A_2132 = arith.constant 1.000000e+00 : f32
        %add3A_2133 = vector.broadcast %add3A_2132 : f32 to vector<16xf32>
        %add3A_2134 = arith.addf %get3A_2127, %add3A_2133 : vector<16xf32>
        %select_n3A_2135 = arith.select %eq3A_2131, %add3A_2134, %get3A_2127 : vector<16xi1>, vector<16xf32>
        %swap3A_2136 = arith.index_cast %add3A_2124 : i32 to index
        %swap3A_2137 = tpu.vector_load %arg6[%swap3A_2136] {strides = array<i32>} : memref<16384xf32, #tpu.memory_space<vmem>>, vector<16xf32>,
        %swap3A_2138 = vector.shape_cast %swap3A_2137 : vector<16xf32> to vector<16xf32>
        %swap3A_2139 = vector.shape_cast %select_n3A_2135 : vector<16xf32> to vector<16xf32>
        tpu.vector_store %arg6[%swap3A_2136], %swap3A_2139 {strides = array<i32>} : memref<16384xf32, #tpu.memory_space<vmem>>, vector<16xf32>,
        %add3A_2140 = arith.constant 1536 : i32
        %add3A_2141 = arith.addi %mul3A_32, %add3A_2140 : i32
        %add3A_2142 = arith.constant 112 : i32
        %add3A_2143 = arith.addi %add3A_2141, %add3A_2142 : i32
        %get3A_2144 = arith.index_cast %add3A_2143 : i32 to index
        %get3A_2145 = tpu.vector_load %arg6[%get3A_2144] {strides = array<i32>} : memref<16384xf32, #tpu.memory_space<vmem>>, vector<16xf32>,
        %get3A_2146 = vector.shape_cast %get3A_2145 : vector<16xf32> to vector<16xf32>
        %add3A_2147 = arith.constant 112 : i32
        %add3A_2148 = vector.broadcast %add3A_2147 : i32 to vector<16xi32>
        %add3A_2149 = arith.addi %iota3A, %add3A_2148 : vector<16xi32>
        %eq3A_2150 = arith.cmpi eq, %add3A_2149, %gather3A_2006 : vector<16xi32>
        %add3A_2151 = arith.constant 1.000000e+00 : f32
        %add3A_2152 = vector.broadcast %add3A_2151 : f32 to vector<16xf32>
        %add3A_2153 = arith.addf %get3A_2146, %add3A_2152 : vector<16xf32>
        %select_n3A_2154 = arith.select %eq3A_2150, %add3A_2153, %get3A_2146 : vector<16xi1>, vector<16xf32>
        %swap3A_2155 = arith.index_cast %add3A_2143 : i32 to index
        %swap3A_2156 = tpu.vector_load %arg6[%swap3A_2155] {strides = array<i32>} : memref<16384xf32, #tpu.memory_space<vmem>>, vector<16xf32>,
        %swap3A_2157 = vector.shape_cast %swap3A_2156 : vector<16xf32> to vector<16xf32>
        %swap3A_2158 = vector.shape_cast %select_n3A_2154 : vector<16xf32> to vector<16xf32>
        tpu.vector_store %arg6[%swap3A_2155], %swap3A_2158 {strides = array<i32>} : memref<16384xf32, #tpu.memory_space<vmem>>, vector<16xf32>,
        %broadcast_in_dim3A_2159 = arith.constant 13 : i32
        %broadcast_in_dim3A_2160 = vector.broadcast %broadcast_in_dim3A_2159 : i32 to vector<16xi32>
        %lt3A_2161 = arith.constant 0 : i32
        %lt3A_2162 = vector.broadcast %lt3A_2161 : i32 to vector<16xi32>
        %lt3A_2163 = arith.cmpi slt, %broadcast_in_dim3A_2160, %lt3A_2162 : vector<16xi32>
        %add3A_2164 = arith.constant 16 : i32
        %add3A_2165 = vector.broadcast %add3A_2164 : i32 to vector<16xi32>
        %add3A_2166 = arith.addi %broadcast_in_dim3A_2160, %add3A_2165 : vector<16xi32>
        %select_n3A_2167 = arith.select %lt3A_2163, %add3A_2166, %broadcast_in_dim3A_2160 : vector<16xi1>, vector<16xi32>
        %broadcast_in_dim3A_2168 = vector.shape_cast %select_n3A_2167 : vector<16xi32> to vector<16x1xi32>
        %gather3A_2169 = vector.shape_cast %broadcast_in_dim3A_2168 : vector<16x1xi32> to vector<16xi32>
        %gather3A_2170 = tpu.dynamic_gather %get3A_28[%gather3A_2169] in [0] : vector<16xi32>, vector<16xi32> -> vector<16xi32>
        %add3A_2171 = arith.constant 1664 : i32
        %add3A_2172 = arith.addi %mul3A_32, %add3A_2171 : i32
        %add3A_2173 = arith.constant 0 : i32
        %add3A_2174 = arith.addi %add3A_2172, %add3A_2173 : i32
        %get3A_2175 = arith.index_cast %add3A_2174 : i32 to index
        %get3A_2176 = tpu.vector_load %arg6[%get3A_2175] {strides = array<i32>} : memref<16384xf32, #tpu.memory_space<vmem>>, vector<16xf32>,
        %get3A_2177 = vector.shape_cast %get3A_2176 : vector<16xf32> to vector<16xf32>
        %add3A_2178 = arith.constant 0 : i32
        %add3A_2179 = vector.broadcast %add3A_2178 : i32 to vector<16xi32>
        %add3A_2180 = arith.addi %iota3A, %add3A_2179 : vector<16xi32>
        %eq3A_2181 = arith.cmpi eq, %add3A_2180, %gather3A_2170 : vector<16xi32>
        %add3A_2182 = arith.constant 1.000000e+00 : f32
        %add3A_2183 = vector.broadcast %add3A_2182 : f32 to vector<16xf32>
        %add3A_2184 = arith.addf %get3A_2177, %add3A_2183 : vector<16xf32>
        %select_n3A_2185 = arith.select %eq3A_2181, %add3A_2184, %get3A_2177 : vector<16xi1>, vector<16xf32>
        %swap3A_2186 = arith.index_cast %add3A_2174 : i32 to index
        %swap3A_2187 = tpu.vector_load %arg6[%swap3A_2186] {strides = array<i32>} : memref<16384xf32, #tpu.memory_space<vmem>>, vector<16xf32>,
        %swap3A_2188 = vector.shape_cast %swap3A_2187 : vector<16xf32> to vector<16xf32>
        %swap3A_2189 = vector.shape_cast %select_n3A_2185 : vector<16xf32> to vector<16xf32>
        tpu.vector_store %arg6[%swap3A_2186], %swap3A_2189 {strides = array<i32>} : memref<16384xf32, #tpu.memory_space<vmem>>, vector<16xf32>,
        %add3A_2190 = arith.constant 1664 : i32
        %add3A_2191 = arith.addi %mul3A_32, %add3A_2190 : i32
        %add3A_2192 = arith.constant 16 : i32
        %add3A_2193 = arith.addi %add3A_2191, %add3A_2192 : i32
        %get3A_2194 = arith.index_cast %add3A_2193 : i32 to index
        %get3A_2195 = tpu.vector_load %arg6[%get3A_2194] {strides = array<i32>} : memref<16384xf32, #tpu.memory_space<vmem>>, vector<16xf32>,
        %get3A_2196 = vector.shape_cast %get3A_2195 : vector<16xf32> to vector<16xf32>
        %add3A_2197 = arith.constant 16 : i32
        %add3A_2198 = vector.broadcast %add3A_2197 : i32 to vector<16xi32>
        %add3A_2199 = arith.addi %iota3A, %add3A_2198 : vector<16xi32>
        %eq3A_2200 = arith.cmpi eq, %add3A_2199, %gather3A_2170 : vector<16xi32>
        %add3A_2201 = arith.constant 1.000000e+00 : f32
        %add3A_2202 = vector.broadcast %add3A_2201 : f32 to vector<16xf32>
        %add3A_2203 = arith.addf %get3A_2196, %add3A_2202 : vector<16xf32>
        %select_n3A_2204 = arith.select %eq3A_2200, %add3A_2203, %get3A_2196 : vector<16xi1>, vector<16xf32>
        %swap3A_2205 = arith.index_cast %add3A_2193 : i32 to index
        %swap3A_2206 = tpu.vector_load %arg6[%swap3A_2205] {strides = array<i32>} : memref<16384xf32, #tpu.memory_space<vmem>>, vector<16xf32>,
        %swap3A_2207 = vector.shape_cast %swap3A_2206 : vector<16xf32> to vector<16xf32>
        %swap3A_2208 = vector.shape_cast %select_n3A_2204 : vector<16xf32> to vector<16xf32>
        tpu.vector_store %arg6[%swap3A_2205], %swap3A_2208 {strides = array<i32>} : memref<16384xf32, #tpu.memory_space<vmem>>, vector<16xf32>,
        %add3A_2209 = arith.constant 1664 : i32
        %add3A_2210 = arith.addi %mul3A_32, %add3A_2209 : i32
        %add3A_2211 = arith.constant 32 : i32
        %add3A_2212 = arith.addi %add3A_2210, %add3A_2211 : i32
        %get3A_2213 = arith.index_cast %add3A_2212 : i32 to index
        %get3A_2214 = tpu.vector_load %arg6[%get3A_2213] {strides = array<i32>} : memref<16384xf32, #tpu.memory_space<vmem>>, vector<16xf32>,
        %get3A_2215 = vector.shape_cast %get3A_2214 : vector<16xf32> to vector<16xf32>
        %add3A_2216 = arith.constant 32 : i32
        %add3A_2217 = vector.broadcast %add3A_2216 : i32 to vector<16xi32>
        %add3A_2218 = arith.addi %iota3A, %add3A_2217 : vector<16xi32>
        %eq3A_2219 = arith.cmpi eq, %add3A_2218, %gather3A_2170 : vector<16xi32>
        %add3A_2220 = arith.constant 1.000000e+00 : f32
        %add3A_2221 = vector.broadcast %add3A_2220 : f32 to vector<16xf32>
        %add3A_2222 = arith.addf %get3A_2215, %add3A_2221 : vector<16xf32>
        %select_n3A_2223 = arith.select %eq3A_2219, %add3A_2222, %get3A_2215 : vector<16xi1>, vector<16xf32>
        %swap3A_2224 = arith.index_cast %add3A_2212 : i32 to index
        %swap3A_2225 = tpu.vector_load %arg6[%swap3A_2224] {strides = array<i32>} : memref<16384xf32, #tpu.memory_space<vmem>>, vector<16xf32>,
        %swap3A_2226 = vector.shape_cast %swap3A_2225 : vector<16xf32> to vector<16xf32>
        %swap3A_2227 = vector.shape_cast %select_n3A_2223 : vector<16xf32> to vector<16xf32>
        tpu.vector_store %arg6[%swap3A_2224], %swap3A_2227 {strides = array<i32>} : memref<16384xf32, #tpu.memory_space<vmem>>, vector<16xf32>,
        %add3A_2228 = arith.constant 1664 : i32
        %add3A_2229 = arith.addi %mul3A_32, %add3A_2228 : i32
        %add3A_2230 = arith.constant 48 : i32
        %add3A_2231 = arith.addi %add3A_2229, %add3A_2230 : i32
        %get3A_2232 = arith.index_cast %add3A_2231 : i32 to index
        %get3A_2233 = tpu.vector_load %arg6[%get3A_2232] {strides = array<i32>} : memref<16384xf32, #tpu.memory_space<vmem>>, vector<16xf32>,
        %get3A_2234 = vector.shape_cast %get3A_2233 : vector<16xf32> to vector<16xf32>
        %add3A_2235 = arith.constant 48 : i32
        %add3A_2236 = vector.broadcast %add3A_2235 : i32 to vector<16xi32>
        %add3A_2237 = arith.addi %iota3A, %add3A_2236 : vector<16xi32>
        %eq3A_2238 = arith.cmpi eq, %add3A_2237, %gather3A_2170 : vector<16xi32>
        %add3A_2239 = arith.constant 1.000000e+00 : f32
        %add3A_2240 = vector.broadcast %add3A_2239 : f32 to vector<16xf32>
        %add3A_2241 = arith.addf %get3A_2234, %add3A_2240 : vector<16xf32>
        %select_n3A_2242 = arith.select %eq3A_2238, %add3A_2241, %get3A_2234 : vector<16xi1>, vector<16xf32>
        %swap3A_2243 = arith.index_cast %add3A_2231 : i32 to index
        %swap3A_2244 = tpu.vector_load %arg6[%swap3A_2243] {strides = array<i32>} : memref<16384xf32, #tpu.memory_space<vmem>>, vector<16xf32>,
        %swap3A_2245 = vector.shape_cast %swap3A_2244 : vector<16xf32> to vector<16xf32>
        %swap3A_2246 = vector.shape_cast %select_n3A_2242 : vector<16xf32> to vector<16xf32>
        tpu.vector_store %arg6[%swap3A_2243], %swap3A_2246 {strides = array<i32>} : memref<16384xf32, #tpu.memory_space<vmem>>, vector<16xf32>,
        %add3A_2247 = arith.constant 1664 : i32
        %add3A_2248 = arith.addi %mul3A_32, %add3A_2247 : i32
        %add3A_2249 = arith.constant 64 : i32
        %add3A_2250 = arith.addi %add3A_2248, %add3A_2249 : i32
        %get3A_2251 = arith.index_cast %add3A_2250 : i32 to index
        %get3A_2252 = tpu.vector_load %arg6[%get3A_2251] {strides = array<i32>} : memref<16384xf32, #tpu.memory_space<vmem>>, vector<16xf32>,
        %get3A_2253 = vector.shape_cast %get3A_2252 : vector<16xf32> to vector<16xf32>
        %add3A_2254 = arith.constant 64 : i32
        %add3A_2255 = vector.broadcast %add3A_2254 : i32 to vector<16xi32>
        %add3A_2256 = arith.addi %iota3A, %add3A_2255 : vector<16xi32>
        %eq3A_2257 = arith.cmpi eq, %add3A_2256, %gather3A_2170 : vector<16xi32>
        %add3A_2258 = arith.constant 1.000000e+00 : f32
        %add3A_2259 = vector.broadcast %add3A_2258 : f32 to vector<16xf32>
        %add3A_2260 = arith.addf %get3A_2253, %add3A_2259 : vector<16xf32>
        %select_n3A_2261 = arith.select %eq3A_2257, %add3A_2260, %get3A_2253 : vector<16xi1>, vector<16xf32>
        %swap3A_2262 = arith.index_cast %add3A_2250 : i32 to index
        %swap3A_2263 = tpu.vector_load %arg6[%swap3A_2262] {strides = array<i32>} : memref<16384xf32, #tpu.memory_space<vmem>>, vector<16xf32>,
        %swap3A_2264 = vector.shape_cast %swap3A_2263 : vector<16xf32> to vector<16xf32>
        %swap3A_2265 = vector.shape_cast %select_n3A_2261 : vector<16xf32> to vector<16xf32>
        tpu.vector_store %arg6[%swap3A_2262], %swap3A_2265 {strides = array<i32>} : memref<16384xf32, #tpu.memory_space<vmem>>, vector<16xf32>,
        %add3A_2266 = arith.constant 1664 : i32
        %add3A_2267 = arith.addi %mul3A_32, %add3A_2266 : i32
        %add3A_2268 = arith.constant 80 : i32
        %add3A_2269 = arith.addi %add3A_2267, %add3A_2268 : i32
        %get3A_2270 = arith.index_cast %add3A_2269 : i32 to index
        %get3A_2271 = tpu.vector_load %arg6[%get3A_2270] {strides = array<i32>} : memref<16384xf32, #tpu.memory_space<vmem>>, vector<16xf32>,
        %get3A_2272 = vector.shape_cast %get3A_2271 : vector<16xf32> to vector<16xf32>
        %add3A_2273 = arith.constant 80 : i32
        %add3A_2274 = vector.broadcast %add3A_2273 : i32 to vector<16xi32>
        %add3A_2275 = arith.addi %iota3A, %add3A_2274 : vector<16xi32>
        %eq3A_2276 = arith.cmpi eq, %add3A_2275, %gather3A_2170 : vector<16xi32>
        %add3A_2277 = arith.constant 1.000000e+00 : f32
        %add3A_2278 = vector.broadcast %add3A_2277 : f32 to vector<16xf32>
        %add3A_2279 = arith.addf %get3A_2272, %add3A_2278 : vector<16xf32>
        %select_n3A_2280 = arith.select %eq3A_2276, %add3A_2279, %get3A_2272 : vector<16xi1>, vector<16xf32>
        %swap3A_2281 = arith.index_cast %add3A_2269 : i32 to index
        %swap3A_2282 = tpu.vector_load %arg6[%swap3A_2281] {strides = array<i32>} : memref<16384xf32, #tpu.memory_space<vmem>>, vector<16xf32>,
        %swap3A_2283 = vector.shape_cast %swap3A_2282 : vector<16xf32> to vector<16xf32>
        %swap3A_2284 = vector.shape_cast %select_n3A_2280 : vector<16xf32> to vector<16xf32>
        tpu.vector_store %arg6[%swap3A_2281], %swap3A_2284 {strides = array<i32>} : memref<16384xf32, #tpu.memory_space<vmem>>, vector<16xf32>,
        %add3A_2285 = arith.constant 1664 : i32
        %add3A_2286 = arith.addi %mul3A_32, %add3A_2285 : i32
        %add3A_2287 = arith.constant 96 : i32
        %add3A_2288 = arith.addi %add3A_2286, %add3A_2287 : i32
        %get3A_2289 = arith.index_cast %add3A_2288 : i32 to index
        %get3A_2290 = tpu.vector_load %arg6[%get3A_2289] {strides = array<i32>} : memref<16384xf32, #tpu.memory_space<vmem>>, vector<16xf32>,
        %get3A_2291 = vector.shape_cast %get3A_2290 : vector<16xf32> to vector<16xf32>
        %add3A_2292 = arith.constant 96 : i32
        %add3A_2293 = vector.broadcast %add3A_2292 : i32 to vector<16xi32>
        %add3A_2294 = arith.addi %iota3A, %add3A_2293 : vector<16xi32>
        %eq3A_2295 = arith.cmpi eq, %add3A_2294, %gather3A_2170 : vector<16xi32>
        %add3A_2296 = arith.constant 1.000000e+00 : f32
        %add3A_2297 = vector.broadcast %add3A_2296 : f32 to vector<16xf32>
        %add3A_2298 = arith.addf %get3A_2291, %add3A_2297 : vector<16xf32>
        %select_n3A_2299 = arith.select %eq3A_2295, %add3A_2298, %get3A_2291 : vector<16xi1>, vector<16xf32>
        %swap3A_2300 = arith.index_cast %add3A_2288 : i32 to index
        %swap3A_2301 = tpu.vector_load %arg6[%swap3A_2300] {strides = array<i32>} : memref<16384xf32, #tpu.memory_space<vmem>>, vector<16xf32>,
        %swap3A_2302 = vector.shape_cast %swap3A_2301 : vector<16xf32> to vector<16xf32>
        %swap3A_2303 = vector.shape_cast %select_n3A_2299 : vector<16xf32> to vector<16xf32>
        tpu.vector_store %arg6[%swap3A_2300], %swap3A_2303 {strides = array<i32>} : memref<16384xf32, #tpu.memory_space<vmem>>, vector<16xf32>,
        %add3A_2304 = arith.constant 1664 : i32
        %add3A_2305 = arith.addi %mul3A_32, %add3A_2304 : i32
        %add3A_2306 = arith.constant 112 : i32
        %add3A_2307 = arith.addi %add3A_2305, %add3A_2306 : i32
        %get3A_2308 = arith.index_cast %add3A_2307 : i32 to index
        %get3A_2309 = tpu.vector_load %arg6[%get3A_2308] {strides = array<i32>} : memref<16384xf32, #tpu.memory_space<vmem>>, vector<16xf32>,
        %get3A_2310 = vector.shape_cast %get3A_2309 : vector<16xf32> to vector<16xf32>
        %add3A_2311 = arith.constant 112 : i32
        %add3A_2312 = vector.broadcast %add3A_2311 : i32 to vector<16xi32>
        %add3A_2313 = arith.addi %iota3A, %add3A_2312 : vector<16xi32>
        %eq3A_2314 = arith.cmpi eq, %add3A_2313, %gather3A_2170 : vector<16xi32>
        %add3A_2315 = arith.constant 1.000000e+00 : f32
        %add3A_2316 = vector.broadcast %add3A_2315 : f32 to vector<16xf32>
        %add3A_2317 = arith.addf %get3A_2310, %add3A_2316 : vector<16xf32>
        %select_n3A_2318 = arith.select %eq3A_2314, %add3A_2317, %get3A_2310 : vector<16xi1>, vector<16xf32>
        %swap3A_2319 = arith.index_cast %add3A_2307 : i32 to index
        %swap3A_2320 = tpu.vector_load %arg6[%swap3A_2319] {strides = array<i32>} : memref<16384xf32, #tpu.memory_space<vmem>>, vector<16xf32>,
        %swap3A_2321 = vector.shape_cast %swap3A_2320 : vector<16xf32> to vector<16xf32>
        %swap3A_2322 = vector.shape_cast %select_n3A_2318 : vector<16xf32> to vector<16xf32>
        tpu.vector_store %arg6[%swap3A_2319], %swap3A_2322 {strides = array<i32>} : memref<16384xf32, #tpu.memory_space<vmem>>, vector<16xf32>,
        %broadcast_in_dim3A_2323 = arith.constant 14 : i32
        %broadcast_in_dim3A_2324 = vector.broadcast %broadcast_in_dim3A_2323 : i32 to vector<16xi32>
        %lt3A_2325 = arith.constant 0 : i32
        %lt3A_2326 = vector.broadcast %lt3A_2325 : i32 to vector<16xi32>
        %lt3A_2327 = arith.cmpi slt, %broadcast_in_dim3A_2324, %lt3A_2326 : vector<16xi32>
        %add3A_2328 = arith.constant 16 : i32
        %add3A_2329 = vector.broadcast %add3A_2328 : i32 to vector<16xi32>
        %add3A_2330 = arith.addi %broadcast_in_dim3A_2324, %add3A_2329 : vector<16xi32>
        %select_n3A_2331 = arith.select %lt3A_2327, %add3A_2330, %broadcast_in_dim3A_2324 : vector<16xi1>, vector<16xi32>
        %broadcast_in_dim3A_2332 = vector.shape_cast %select_n3A_2331 : vector<16xi32> to vector<16x1xi32>
        %gather3A_2333 = vector.shape_cast %broadcast_in_dim3A_2332 : vector<16x1xi32> to vector<16xi32>
        %gather3A_2334 = tpu.dynamic_gather %get3A_28[%gather3A_2333] in [0] : vector<16xi32>, vector<16xi32> -> vector<16xi32>
        %add3A_2335 = arith.constant 1792 : i32
        %add3A_2336 = arith.addi %mul3A_32, %add3A_2335 : i32
        %add3A_2337 = arith.constant 0 : i32
        %add3A_2338 = arith.addi %add3A_2336, %add3A_2337 : i32
        %get3A_2339 = arith.index_cast %add3A_2338 : i32 to index
        %get3A_2340 = tpu.vector_load %arg6[%get3A_2339] {strides = array<i32>} : memref<16384xf32, #tpu.memory_space<vmem>>, vector<16xf32>,
        %get3A_2341 = vector.shape_cast %get3A_2340 : vector<16xf32> to vector<16xf32>
        %add3A_2342 = arith.constant 0 : i32
        %add3A_2343 = vector.broadcast %add3A_2342 : i32 to vector<16xi32>
        %add3A_2344 = arith.addi %iota3A, %add3A_2343 : vector<16xi32>
        %eq3A_2345 = arith.cmpi eq, %add3A_2344, %gather3A_2334 : vector<16xi32>
        %add3A_2346 = arith.constant 1.000000e+00 : f32
        %add3A_2347 = vector.broadcast %add3A_2346 : f32 to vector<16xf32>
        %add3A_2348 = arith.addf %get3A_2341, %add3A_2347 : vector<16xf32>
        %select_n3A_2349 = arith.select %eq3A_2345, %add3A_2348, %get3A_2341 : vector<16xi1>, vector<16xf32>
        %swap3A_2350 = arith.index_cast %add3A_2338 : i32 to index
        %swap3A_2351 = tpu.vector_load %arg6[%swap3A_2350] {strides = array<i32>} : memref<16384xf32, #tpu.memory_space<vmem>>, vector<16xf32>,
        %swap3A_2352 = vector.shape_cast %swap3A_2351 : vector<16xf32> to vector<16xf32>
        %swap3A_2353 = vector.shape_cast %select_n3A_2349 : vector<16xf32> to vector<16xf32>
        tpu.vector_store %arg6[%swap3A_2350], %swap3A_2353 {strides = array<i32>} : memref<16384xf32, #tpu.memory_space<vmem>>, vector<16xf32>,
        %add3A_2354 = arith.constant 1792 : i32
        %add3A_2355 = arith.addi %mul3A_32, %add3A_2354 : i32
        %add3A_2356 = arith.constant 16 : i32
        %add3A_2357 = arith.addi %add3A_2355, %add3A_2356 : i32
        %get3A_2358 = arith.index_cast %add3A_2357 : i32 to index
        %get3A_2359 = tpu.vector_load %arg6[%get3A_2358] {strides = array<i32>} : memref<16384xf32, #tpu.memory_space<vmem>>, vector<16xf32>,
        %get3A_2360 = vector.shape_cast %get3A_2359 : vector<16xf32> to vector<16xf32>
        %add3A_2361 = arith.constant 16 : i32
        %add3A_2362 = vector.broadcast %add3A_2361 : i32 to vector<16xi32>
        %add3A_2363 = arith.addi %iota3A, %add3A_2362 : vector<16xi32>
        %eq3A_2364 = arith.cmpi eq, %add3A_2363, %gather3A_2334 : vector<16xi32>
        %add3A_2365 = arith.constant 1.000000e+00 : f32
        %add3A_2366 = vector.broadcast %add3A_2365 : f32 to vector<16xf32>
        %add3A_2367 = arith.addf %get3A_2360, %add3A_2366 : vector<16xf32>
        %select_n3A_2368 = arith.select %eq3A_2364, %add3A_2367, %get3A_2360 : vector<16xi1>, vector<16xf32>
        %swap3A_2369 = arith.index_cast %add3A_2357 : i32 to index
        %swap3A_2370 = tpu.vector_load %arg6[%swap3A_2369] {strides = array<i32>} : memref<16384xf32, #tpu.memory_space<vmem>>, vector<16xf32>,
        %swap3A_2371 = vector.shape_cast %swap3A_2370 : vector<16xf32> to vector<16xf32>
        %swap3A_2372 = vector.shape_cast %select_n3A_2368 : vector<16xf32> to vector<16xf32>
        tpu.vector_store %arg6[%swap3A_2369], %swap3A_2372 {strides = array<i32>} : memref<16384xf32, #tpu.memory_space<vmem>>, vector<16xf32>,
        %add3A_2373 = arith.constant 1792 : i32
        %add3A_2374 = arith.addi %mul3A_32, %add3A_2373 : i32
        %add3A_2375 = arith.constant 32 : i32
        %add3A_2376 = arith.addi %add3A_2374, %add3A_2375 : i32
        %get3A_2377 = arith.index_cast %add3A_2376 : i32 to index
        %get3A_2378 = tpu.vector_load %arg6[%get3A_2377] {strides = array<i32>} : memref<16384xf32, #tpu.memory_space<vmem>>, vector<16xf32>,
        %get3A_2379 = vector.shape_cast %get3A_2378 : vector<16xf32> to vector<16xf32>
        %add3A_2380 = arith.constant 32 : i32
        %add3A_2381 = vector.broadcast %add3A_2380 : i32 to vector<16xi32>
        %add3A_2382 = arith.addi %iota3A, %add3A_2381 : vector<16xi32>
        %eq3A_2383 = arith.cmpi eq, %add3A_2382, %gather3A_2334 : vector<16xi32>
        %add3A_2384 = arith.constant 1.000000e+00 : f32
        %add3A_2385 = vector.broadcast %add3A_2384 : f32 to vector<16xf32>
        %add3A_2386 = arith.addf %get3A_2379, %add3A_2385 : vector<16xf32>
        %select_n3A_2387 = arith.select %eq3A_2383, %add3A_2386, %get3A_2379 : vector<16xi1>, vector<16xf32>
        %swap3A_2388 = arith.index_cast %add3A_2376 : i32 to index
        %swap3A_2389 = tpu.vector_load %arg6[%swap3A_2388] {strides = array<i32>} : memref<16384xf32, #tpu.memory_space<vmem>>, vector<16xf32>,
        %swap3A_2390 = vector.shape_cast %swap3A_2389 : vector<16xf32> to vector<16xf32>
        %swap3A_2391 = vector.shape_cast %select_n3A_2387 : vector<16xf32> to vector<16xf32>
        tpu.vector_store %arg6[%swap3A_2388], %swap3A_2391 {strides = array<i32>} : memref<16384xf32, #tpu.memory_space<vmem>>, vector<16xf32>,
        %add3A_2392 = arith.constant 1792 : i32
        %add3A_2393 = arith.addi %mul3A_32, %add3A_2392 : i32
        %add3A_2394 = arith.constant 48 : i32
        %add3A_2395 = arith.addi %add3A_2393, %add3A_2394 : i32
        %get3A_2396 = arith.index_cast %add3A_2395 : i32 to index
        %get3A_2397 = tpu.vector_load %arg6[%get3A_2396] {strides = array<i32>} : memref<16384xf32, #tpu.memory_space<vmem>>, vector<16xf32>,
        %get3A_2398 = vector.shape_cast %get3A_2397 : vector<16xf32> to vector<16xf32>
        %add3A_2399 = arith.constant 48 : i32
        %add3A_2400 = vector.broadcast %add3A_2399 : i32 to vector<16xi32>
        %add3A_2401 = arith.addi %iota3A, %add3A_2400 : vector<16xi32>
        %eq3A_2402 = arith.cmpi eq, %add3A_2401, %gather3A_2334 : vector<16xi32>
        %add3A_2403 = arith.constant 1.000000e+00 : f32
        %add3A_2404 = vector.broadcast %add3A_2403 : f32 to vector<16xf32>
        %add3A_2405 = arith.addf %get3A_2398, %add3A_2404 : vector<16xf32>
        %select_n3A_2406 = arith.select %eq3A_2402, %add3A_2405, %get3A_2398 : vector<16xi1>, vector<16xf32>
        %swap3A_2407 = arith.index_cast %add3A_2395 : i32 to index
        %swap3A_2408 = tpu.vector_load %arg6[%swap3A_2407] {strides = array<i32>} : memref<16384xf32, #tpu.memory_space<vmem>>, vector<16xf32>,
        %swap3A_2409 = vector.shape_cast %swap3A_2408 : vector<16xf32> to vector<16xf32>
        %swap3A_2410 = vector.shape_cast %select_n3A_2406 : vector<16xf32> to vector<16xf32>
        tpu.vector_store %arg6[%swap3A_2407], %swap3A_2410 {strides = array<i32>} : memref<16384xf32, #tpu.memory_space<vmem>>, vector<16xf32>,
        %add3A_2411 = arith.constant 1792 : i32
        %add3A_2412 = arith.addi %mul3A_32, %add3A_2411 : i32
        %add3A_2413 = arith.constant 64 : i32
        %add3A_2414 = arith.addi %add3A_2412, %add3A_2413 : i32
        %get3A_2415 = arith.index_cast %add3A_2414 : i32 to index
        %get3A_2416 = tpu.vector_load %arg6[%get3A_2415] {strides = array<i32>} : memref<16384xf32, #tpu.memory_space<vmem>>, vector<16xf32>,
        %get3A_2417 = vector.shape_cast %get3A_2416 : vector<16xf32> to vector<16xf32>
        %add3A_2418 = arith.constant 64 : i32
        %add3A_2419 = vector.broadcast %add3A_2418 : i32 to vector<16xi32>
        %add3A_2420 = arith.addi %iota3A, %add3A_2419 : vector<16xi32>
        %eq3A_2421 = arith.cmpi eq, %add3A_2420, %gather3A_2334 : vector<16xi32>
        %add3A_2422 = arith.constant 1.000000e+00 : f32
        %add3A_2423 = vector.broadcast %add3A_2422 : f32 to vector<16xf32>
        %add3A_2424 = arith.addf %get3A_2417, %add3A_2423 : vector<16xf32>
        %select_n3A_2425 = arith.select %eq3A_2421, %add3A_2424, %get3A_2417 : vector<16xi1>, vector<16xf32>
        %swap3A_2426 = arith.index_cast %add3A_2414 : i32 to index
        %swap3A_2427 = tpu.vector_load %arg6[%swap3A_2426] {strides = array<i32>} : memref<16384xf32, #tpu.memory_space<vmem>>, vector<16xf32>,
        %swap3A_2428 = vector.shape_cast %swap3A_2427 : vector<16xf32> to vector<16xf32>
        %swap3A_2429 = vector.shape_cast %select_n3A_2425 : vector<16xf32> to vector<16xf32>
        tpu.vector_store %arg6[%swap3A_2426], %swap3A_2429 {strides = array<i32>} : memref<16384xf32, #tpu.memory_space<vmem>>, vector<16xf32>,
        %add3A_2430 = arith.constant 1792 : i32
        %add3A_2431 = arith.addi %mul3A_32, %add3A_2430 : i32
        %add3A_2432 = arith.constant 80 : i32
        %add3A_2433 = arith.addi %add3A_2431, %add3A_2432 : i32
        %get3A_2434 = arith.index_cast %add3A_2433 : i32 to index
        %get3A_2435 = tpu.vector_load %arg6[%get3A_2434] {strides = array<i32>} : memref<16384xf32, #tpu.memory_space<vmem>>, vector<16xf32>,
        %get3A_2436 = vector.shape_cast %get3A_2435 : vector<16xf32> to vector<16xf32>
        %add3A_2437 = arith.constant 80 : i32
        %add3A_2438 = vector.broadcast %add3A_2437 : i32 to vector<16xi32>
        %add3A_2439 = arith.addi %iota3A, %add3A_2438 : vector<16xi32>
        %eq3A_2440 = arith.cmpi eq, %add3A_2439, %gather3A_2334 : vector<16xi32>
        %add3A_2441 = arith.constant 1.000000e+00 : f32
        %add3A_2442 = vector.broadcast %add3A_2441 : f32 to vector<16xf32>
        %add3A_2443 = arith.addf %get3A_2436, %add3A_2442 : vector<16xf32>
        %select_n3A_2444 = arith.select %eq3A_2440, %add3A_2443, %get3A_2436 : vector<16xi1>, vector<16xf32>
        %swap3A_2445 = arith.index_cast %add3A_2433 : i32 to index
        %swap3A_2446 = tpu.vector_load %arg6[%swap3A_2445] {strides = array<i32>} : memref<16384xf32, #tpu.memory_space<vmem>>, vector<16xf32>,
        %swap3A_2447 = vector.shape_cast %swap3A_2446 : vector<16xf32> to vector<16xf32>
        %swap3A_2448 = vector.shape_cast %select_n3A_2444 : vector<16xf32> to vector<16xf32>
        tpu.vector_store %arg6[%swap3A_2445], %swap3A_2448 {strides = array<i32>} : memref<16384xf32, #tpu.memory_space<vmem>>, vector<16xf32>,
        %add3A_2449 = arith.constant 1792 : i32
        %add3A_2450 = arith.addi %mul3A_32, %add3A_2449 : i32
        %add3A_2451 = arith.constant 96 : i32
        %add3A_2452 = arith.addi %add3A_2450, %add3A_2451 : i32
        %get3A_2453 = arith.index_cast %add3A_2452 : i32 to index
        %get3A_2454 = tpu.vector_load %arg6[%get3A_2453] {strides = array<i32>} : memref<16384xf32, #tpu.memory_space<vmem>>, vector<16xf32>,
        %get3A_2455 = vector.shape_cast %get3A_2454 : vector<16xf32> to vector<16xf32>
        %add3A_2456 = arith.constant 96 : i32
        %add3A_2457 = vector.broadcast %add3A_2456 : i32 to vector<16xi32>
        %add3A_2458 = arith.addi %iota3A, %add3A_2457 : vector<16xi32>
        %eq3A_2459 = arith.cmpi eq, %add3A_2458, %gather3A_2334 : vector<16xi32>
        %add3A_2460 = arith.constant 1.000000e+00 : f32
        %add3A_2461 = vector.broadcast %add3A_2460 : f32 to vector<16xf32>
        %add3A_2462 = arith.addf %get3A_2455, %add3A_2461 : vector<16xf32>
        %select_n3A_2463 = arith.select %eq3A_2459, %add3A_2462, %get3A_2455 : vector<16xi1>, vector<16xf32>
        %swap3A_2464 = arith.index_cast %add3A_2452 : i32 to index
        %swap3A_2465 = tpu.vector_load %arg6[%swap3A_2464] {strides = array<i32>} : memref<16384xf32, #tpu.memory_space<vmem>>, vector<16xf32>,
        %swap3A_2466 = vector.shape_cast %swap3A_2465 : vector<16xf32> to vector<16xf32>
        %swap3A_2467 = vector.shape_cast %select_n3A_2463 : vector<16xf32> to vector<16xf32>
        tpu.vector_store %arg6[%swap3A_2464], %swap3A_2467 {strides = array<i32>} : memref<16384xf32, #tpu.memory_space<vmem>>, vector<16xf32>,
        %add3A_2468 = arith.constant 1792 : i32
        %add3A_2469 = arith.addi %mul3A_32, %add3A_2468 : i32
        %add3A_2470 = arith.constant 112 : i32
        %add3A_2471 = arith.addi %add3A_2469, %add3A_2470 : i32
        %get3A_2472 = arith.index_cast %add3A_2471 : i32 to index
        %get3A_2473 = tpu.vector_load %arg6[%get3A_2472] {strides = array<i32>} : memref<16384xf32, #tpu.memory_space<vmem>>, vector<16xf32>,
        %get3A_2474 = vector.shape_cast %get3A_2473 : vector<16xf32> to vector<16xf32>
        %add3A_2475 = arith.constant 112 : i32
        %add3A_2476 = vector.broadcast %add3A_2475 : i32 to vector<16xi32>
        %add3A_2477 = arith.addi %iota3A, %add3A_2476 : vector<16xi32>
        %eq3A_2478 = arith.cmpi eq, %add3A_2477, %gather3A_2334 : vector<16xi32>
        %add3A_2479 = arith.constant 1.000000e+00 : f32
        %add3A_2480 = vector.broadcast %add3A_2479 : f32 to vector<16xf32>
        %add3A_2481 = arith.addf %get3A_2474, %add3A_2480 : vector<16xf32>
        %select_n3A_2482 = arith.select %eq3A_2478, %add3A_2481, %get3A_2474 : vector<16xi1>, vector<16xf32>
        %swap3A_2483 = arith.index_cast %add3A_2471 : i32 to index
        %swap3A_2484 = tpu.vector_load %arg6[%swap3A_2483] {strides = array<i32>} : memref<16384xf32, #tpu.memory_space<vmem>>, vector<16xf32>,
        %swap3A_2485 = vector.shape_cast %swap3A_2484 : vector<16xf32> to vector<16xf32>
        %swap3A_2486 = vector.shape_cast %select_n3A_2482 : vector<16xf32> to vector<16xf32>
        tpu.vector_store %arg6[%swap3A_2483], %swap3A_2486 {strides = array<i32>} : memref<16384xf32, #tpu.memory_space<vmem>>, vector<16xf32>,
        %broadcast_in_dim3A_2487 = arith.constant 15 : i32
        %broadcast_in_dim3A_2488 = vector.broadcast %broadcast_in_dim3A_2487 : i32 to vector<16xi32>
        %lt3A_2489 = arith.constant 0 : i32
        %lt3A_2490 = vector.broadcast %lt3A_2489 : i32 to vector<16xi32>
        %lt3A_2491 = arith.cmpi slt, %broadcast_in_dim3A_2488, %lt3A_2490 : vector<16xi32>
        %add3A_2492 = arith.constant 16 : i32
        %add3A_2493 = vector.broadcast %add3A_2492 : i32 to vector<16xi32>
        %add3A_2494 = arith.addi %broadcast_in_dim3A_2488, %add3A_2493 : vector<16xi32>
        %select_n3A_2495 = arith.select %lt3A_2491, %add3A_2494, %broadcast_in_dim3A_2488 : vector<16xi1>, vector<16xi32>
        %broadcast_in_dim3A_2496 = vector.shape_cast %select_n3A_2495 : vector<16xi32> to vector<16x1xi32>
        %gather3A_2497 = vector.shape_cast %broadcast_in_dim3A_2496 : vector<16x1xi32> to vector<16xi32>
        %gather3A_2498 = tpu.dynamic_gather %get3A_28[%gather3A_2497] in [0] : vector<16xi32>, vector<16xi32> -> vector<16xi32>
        %add3A_2499 = arith.constant 1920 : i32
        %add3A_2500 = arith.addi %mul3A_32, %add3A_2499 : i32
        %add3A_2501 = arith.constant 0 : i32
        %add3A_2502 = arith.addi %add3A_2500, %add3A_2501 : i32
        %get3A_2503 = arith.index_cast %add3A_2502 : i32 to index
        %get3A_2504 = tpu.vector_load %arg6[%get3A_2503] {strides = array<i32>} : memref<16384xf32, #tpu.memory_space<vmem>>, vector<16xf32>,
        %get3A_2505 = vector.shape_cast %get3A_2504 : vector<16xf32> to vector<16xf32>
        %add3A_2506 = arith.constant 0 : i32
        %add3A_2507 = vector.broadcast %add3A_2506 : i32 to vector<16xi32>
        %add3A_2508 = arith.addi %iota3A, %add3A_2507 : vector<16xi32>
        %eq3A_2509 = arith.cmpi eq, %add3A_2508, %gather3A_2498 : vector<16xi32>
        %add3A_2510 = arith.constant 1.000000e+00 : f32
        %add3A_2511 = vector.broadcast %add3A_2510 : f32 to vector<16xf32>
        %add3A_2512 = arith.addf %get3A_2505, %add3A_2511 : vector<16xf32>
        %select_n3A_2513 = arith.select %eq3A_2509, %add3A_2512, %get3A_2505 : vector<16xi1>, vector<16xf32>
        %swap3A_2514 = arith.index_cast %add3A_2502 : i32 to index
        %swap3A_2515 = tpu.vector_load %arg6[%swap3A_2514] {strides = array<i32>} : memref<16384xf32, #tpu.memory_space<vmem>>, vector<16xf32>,
        %swap3A_2516 = vector.shape_cast %swap3A_2515 : vector<16xf32> to vector<16xf32>
        %swap3A_2517 = vector.shape_cast %select_n3A_2513 : vector<16xf32> to vector<16xf32>
        tpu.vector_store %arg6[%swap3A_2514], %swap3A_2517 {strides = array<i32>} : memref<16384xf32, #tpu.memory_space<vmem>>, vector<16xf32>,
        %add3A_2518 = arith.constant 1920 : i32
        %add3A_2519 = arith.addi %mul3A_32, %add3A_2518 : i32
        %add3A_2520 = arith.constant 16 : i32
        %add3A_2521 = arith.addi %add3A_2519, %add3A_2520 : i32
        %get3A_2522 = arith.index_cast %add3A_2521 : i32 to index
        %get3A_2523 = tpu.vector_load %arg6[%get3A_2522] {strides = array<i32>} : memref<16384xf32, #tpu.memory_space<vmem>>, vector<16xf32>,
        %get3A_2524 = vector.shape_cast %get3A_2523 : vector<16xf32> to vector<16xf32>
        %add3A_2525 = arith.constant 16 : i32
        %add3A_2526 = vector.broadcast %add3A_2525 : i32 to vector<16xi32>
        %add3A_2527 = arith.addi %iota3A, %add3A_2526 : vector<16xi32>
        %eq3A_2528 = arith.cmpi eq, %add3A_2527, %gather3A_2498 : vector<16xi32>
        %add3A_2529 = arith.constant 1.000000e+00 : f32
        %add3A_2530 = vector.broadcast %add3A_2529 : f32 to vector<16xf32>
        %add3A_2531 = arith.addf %get3A_2524, %add3A_2530 : vector<16xf32>
        %select_n3A_2532 = arith.select %eq3A_2528, %add3A_2531, %get3A_2524 : vector<16xi1>, vector<16xf32>
        %swap3A_2533 = arith.index_cast %add3A_2521 : i32 to index
        %swap3A_2534 = tpu.vector_load %arg6[%swap3A_2533] {strides = array<i32>} : memref<16384xf32, #tpu.memory_space<vmem>>, vector<16xf32>,
        %swap3A_2535 = vector.shape_cast %swap3A_2534 : vector<16xf32> to vector<16xf32>
        %swap3A_2536 = vector.shape_cast %select_n3A_2532 : vector<16xf32> to vector<16xf32>
        tpu.vector_store %arg6[%swap3A_2533], %swap3A_2536 {strides = array<i32>} : memref<16384xf32, #tpu.memory_space<vmem>>, vector<16xf32>,
        %add3A_2537 = arith.constant 1920 : i32
        %add3A_2538 = arith.addi %mul3A_32, %add3A_2537 : i32
        %add3A_2539 = arith.constant 32 : i32
        %add3A_2540 = arith.addi %add3A_2538, %add3A_2539 : i32
        %get3A_2541 = arith.index_cast %add3A_2540 : i32 to index
        %get3A_2542 = tpu.vector_load %arg6[%get3A_2541] {strides = array<i32>} : memref<16384xf32, #tpu.memory_space<vmem>>, vector<16xf32>,
        %get3A_2543 = vector.shape_cast %get3A_2542 : vector<16xf32> to vector<16xf32>
        %add3A_2544 = arith.constant 32 : i32
        %add3A_2545 = vector.broadcast %add3A_2544 : i32 to vector<16xi32>
        %add3A_2546 = arith.addi %iota3A, %add3A_2545 : vector<16xi32>
        %eq3A_2547 = arith.cmpi eq, %add3A_2546, %gather3A_2498 : vector<16xi32>
        %add3A_2548 = arith.constant 1.000000e+00 : f32
        %add3A_2549 = vector.broadcast %add3A_2548 : f32 to vector<16xf32>
        %add3A_2550 = arith.addf %get3A_2543, %add3A_2549 : vector<16xf32>
        %select_n3A_2551 = arith.select %eq3A_2547, %add3A_2550, %get3A_2543 : vector<16xi1>, vector<16xf32>
        %swap3A_2552 = arith.index_cast %add3A_2540 : i32 to index
        %swap3A_2553 = tpu.vector_load %arg6[%swap3A_2552] {strides = array<i32>} : memref<16384xf32, #tpu.memory_space<vmem>>, vector<16xf32>,
        %swap3A_2554 = vector.shape_cast %swap3A_2553 : vector<16xf32> to vector<16xf32>
        %swap3A_2555 = vector.shape_cast %select_n3A_2551 : vector<16xf32> to vector<16xf32>
        tpu.vector_store %arg6[%swap3A_2552], %swap3A_2555 {strides = array<i32>} : memref<16384xf32, #tpu.memory_space<vmem>>, vector<16xf32>,
        %add3A_2556 = arith.constant 1920 : i32
        %add3A_2557 = arith.addi %mul3A_32, %add3A_2556 : i32
        %add3A_2558 = arith.constant 48 : i32
        %add3A_2559 = arith.addi %add3A_2557, %add3A_2558 : i32
        %get3A_2560 = arith.index_cast %add3A_2559 : i32 to index
        %get3A_2561 = tpu.vector_load %arg6[%get3A_2560] {strides = array<i32>} : memref<16384xf32, #tpu.memory_space<vmem>>, vector<16xf32>,
        %get3A_2562 = vector.shape_cast %get3A_2561 : vector<16xf32> to vector<16xf32>
        %add3A_2563 = arith.constant 48 : i32
        %add3A_2564 = vector.broadcast %add3A_2563 : i32 to vector<16xi32>
        %add3A_2565 = arith.addi %iota3A, %add3A_2564 : vector<16xi32>
        %eq3A_2566 = arith.cmpi eq, %add3A_2565, %gather3A_2498 : vector<16xi32>
        %add3A_2567 = arith.constant 1.000000e+00 : f32
        %add3A_2568 = vector.broadcast %add3A_2567 : f32 to vector<16xf32>
        %add3A_2569 = arith.addf %get3A_2562, %add3A_2568 : vector<16xf32>
        %select_n3A_2570 = arith.select %eq3A_2566, %add3A_2569, %get3A_2562 : vector<16xi1>, vector<16xf32>
        %swap3A_2571 = arith.index_cast %add3A_2559 : i32 to index
        %swap3A_2572 = tpu.vector_load %arg6[%swap3A_2571] {strides = array<i32>} : memref<16384xf32, #tpu.memory_space<vmem>>, vector<16xf32>,
        %swap3A_2573 = vector.shape_cast %swap3A_2572 : vector<16xf32> to vector<16xf32>
        %swap3A_2574 = vector.shape_cast %select_n3A_2570 : vector<16xf32> to vector<16xf32>
        tpu.vector_store %arg6[%swap3A_2571], %swap3A_2574 {strides = array<i32>} : memref<16384xf32, #tpu.memory_space<vmem>>, vector<16xf32>,
        %add3A_2575 = arith.constant 1920 : i32
        %add3A_2576 = arith.addi %mul3A_32, %add3A_2575 : i32
        %add3A_2577 = arith.constant 64 : i32
        %add3A_2578 = arith.addi %add3A_2576, %add3A_2577 : i32
        %get3A_2579 = arith.index_cast %add3A_2578 : i32 to index
        %get3A_2580 = tpu.vector_load %arg6[%get3A_2579] {strides = array<i32>} : memref<16384xf32, #tpu.memory_space<vmem>>, vector<16xf32>,
        %get3A_2581 = vector.shape_cast %get3A_2580 : vector<16xf32> to vector<16xf32>
        %add3A_2582 = arith.constant 64 : i32
        %add3A_2583 = vector.broadcast %add3A_2582 : i32 to vector<16xi32>
        %add3A_2584 = arith.addi %iota3A, %add3A_2583 : vector<16xi32>
        %eq3A_2585 = arith.cmpi eq, %add3A_2584, %gather3A_2498 : vector<16xi32>
        %add3A_2586 = arith.constant 1.000000e+00 : f32
        %add3A_2587 = vector.broadcast %add3A_2586 : f32 to vector<16xf32>
        %add3A_2588 = arith.addf %get3A_2581, %add3A_2587 : vector<16xf32>
        %select_n3A_2589 = arith.select %eq3A_2585, %add3A_2588, %get3A_2581 : vector<16xi1>, vector<16xf32>
        %swap3A_2590 = arith.index_cast %add3A_2578 : i32 to index
        %swap3A_2591 = tpu.vector_load %arg6[%swap3A_2590] {strides = array<i32>} : memref<16384xf32, #tpu.memory_space<vmem>>, vector<16xf32>,
        %swap3A_2592 = vector.shape_cast %swap3A_2591 : vector<16xf32> to vector<16xf32>
        %swap3A_2593 = vector.shape_cast %select_n3A_2589 : vector<16xf32> to vector<16xf32>
        tpu.vector_store %arg6[%swap3A_2590], %swap3A_2593 {strides = array<i32>} : memref<16384xf32, #tpu.memory_space<vmem>>, vector<16xf32>,
        %add3A_2594 = arith.constant 1920 : i32
        %add3A_2595 = arith.addi %mul3A_32, %add3A_2594 : i32
        %add3A_2596 = arith.constant 80 : i32
        %add3A_2597 = arith.addi %add3A_2595, %add3A_2596 : i32
        %get3A_2598 = arith.index_cast %add3A_2597 : i32 to index
        %get3A_2599 = tpu.vector_load %arg6[%get3A_2598] {strides = array<i32>} : memref<16384xf32, #tpu.memory_space<vmem>>, vector<16xf32>,
        %get3A_2600 = vector.shape_cast %get3A_2599 : vector<16xf32> to vector<16xf32>
        %add3A_2601 = arith.constant 80 : i32
        %add3A_2602 = vector.broadcast %add3A_2601 : i32 to vector<16xi32>
        %add3A_2603 = arith.addi %iota3A, %add3A_2602 : vector<16xi32>
        %eq3A_2604 = arith.cmpi eq, %add3A_2603, %gather3A_2498 : vector<16xi32>
        %add3A_2605 = arith.constant 1.000000e+00 : f32
        %add3A_2606 = vector.broadcast %add3A_2605 : f32 to vector<16xf32>
        %add3A_2607 = arith.addf %get3A_2600, %add3A_2606 : vector<16xf32>
        %select_n3A_2608 = arith.select %eq3A_2604, %add3A_2607, %get3A_2600 : vector<16xi1>, vector<16xf32>
        %swap3A_2609 = arith.index_cast %add3A_2597 : i32 to index
        %swap3A_2610 = tpu.vector_load %arg6[%swap3A_2609] {strides = array<i32>} : memref<16384xf32, #tpu.memory_space<vmem>>, vector<16xf32>,
        %swap3A_2611 = vector.shape_cast %swap3A_2610 : vector<16xf32> to vector<16xf32>
        %swap3A_2612 = vector.shape_cast %select_n3A_2608 : vector<16xf32> to vector<16xf32>
        tpu.vector_store %arg6[%swap3A_2609], %swap3A_2612 {strides = array<i32>} : memref<16384xf32, #tpu.memory_space<vmem>>, vector<16xf32>,
        %add3A_2613 = arith.constant 1920 : i32
        %add3A_2614 = arith.addi %mul3A_32, %add3A_2613 : i32
        %add3A_2615 = arith.constant 96 : i32
        %add3A_2616 = arith.addi %add3A_2614, %add3A_2615 : i32
        %get3A_2617 = arith.index_cast %add3A_2616 : i32 to index
        %get3A_2618 = tpu.vector_load %arg6[%get3A_2617] {strides = array<i32>} : memref<16384xf32, #tpu.memory_space<vmem>>, vector<16xf32>,
        %get3A_2619 = vector.shape_cast %get3A_2618 : vector<16xf32> to vector<16xf32>
        %add3A_2620 = arith.constant 96 : i32
        %add3A_2621 = vector.broadcast %add3A_2620 : i32 to vector<16xi32>
        %add3A_2622 = arith.addi %iota3A, %add3A_2621 : vector<16xi32>
        %eq3A_2623 = arith.cmpi eq, %add3A_2622, %gather3A_2498 : vector<16xi32>
        %add3A_2624 = arith.constant 1.000000e+00 : f32
        %add3A_2625 = vector.broadcast %add3A_2624 : f32 to vector<16xf32>
        %add3A_2626 = arith.addf %get3A_2619, %add3A_2625 : vector<16xf32>
        %select_n3A_2627 = arith.select %eq3A_2623, %add3A_2626, %get3A_2619 : vector<16xi1>, vector<16xf32>
        %swap3A_2628 = arith.index_cast %add3A_2616 : i32 to index
        %swap3A_2629 = tpu.vector_load %arg6[%swap3A_2628] {strides = array<i32>} : memref<16384xf32, #tpu.memory_space<vmem>>, vector<16xf32>,
        %swap3A_2630 = vector.shape_cast %swap3A_2629 : vector<16xf32> to vector<16xf32>
        %swap3A_2631 = vector.shape_cast %select_n3A_2627 : vector<16xf32> to vector<16xf32>
        tpu.vector_store %arg6[%swap3A_2628], %swap3A_2631 {strides = array<i32>} : memref<16384xf32, #tpu.memory_space<vmem>>, vector<16xf32>,
        %add3A_2632 = arith.constant 1920 : i32
        %add3A_2633 = arith.addi %mul3A_32, %add3A_2632 : i32
        %add3A_2634 = arith.constant 112 : i32
        %add3A_2635 = arith.addi %add3A_2633, %add3A_2634 : i32
        %get3A_2636 = arith.index_cast %add3A_2635 : i32 to index
        %get3A_2637 = tpu.vector_load %arg6[%get3A_2636] {strides = array<i32>} : memref<16384xf32, #tpu.memory_space<vmem>>, vector<16xf32>,
        %get3A_2638 = vector.shape_cast %get3A_2637 : vector<16xf32> to vector<16xf32>
        %add3A_2639 = arith.constant 112 : i32
        %add3A_2640 = vector.broadcast %add3A_2639 : i32 to vector<16xi32>
        %add3A_2641 = arith.addi %iota3A, %add3A_2640 : vector<16xi32>
        %eq3A_2642 = arith.cmpi eq, %add3A_2641, %gather3A_2498 : vector<16xi32>
        %add3A_2643 = arith.constant 1.000000e+00 : f32
        %add3A_2644 = vector.broadcast %add3A_2643 : f32 to vector<16xf32>
        %add3A_2645 = arith.addf %get3A_2638, %add3A_2644 : vector<16xf32>
        %select_n3A_2646 = arith.select %eq3A_2642, %add3A_2645, %get3A_2638 : vector<16xi1>, vector<16xf32>
        %swap3A_2647 = arith.index_cast %add3A_2635 : i32 to index
        %swap3A_2648 = tpu.vector_load %arg6[%swap3A_2647] {strides = array<i32>} : memref<16384xf32, #tpu.memory_space<vmem>>, vector<16xf32>,
        %swap3A_2649 = vector.shape_cast %swap3A_2648 : vector<16xf32> to vector<16xf32>
        %swap3A_2650 = vector.shape_cast %select_n3A_2646 : vector<16xf32> to vector<16xf32>
        tpu.vector_store %arg6[%swap3A_2647], %swap3A_2650 {strides = array<i32>} : memref<16384xf32, #tpu.memory_space<vmem>>, vector<16xf32>,
      }
      %scan3A_21 = arith.constant 8 : i32
      %mul3A_22 = arith.constant 128 : i32
      %mul3A_23 = arith.muli %add3A_13, %mul3A_22 : i32
      "tpu.region"() ({
        %run_scoped3A = tpu.sem_alloc : memref<!tpu.dma_semaphore, #tpu.memory_space<semaphore_mem>>
        %dma_start3A = tpu.memref_slice %arg4[%mul3A_23] : memref<54525952xf32, #tpu.memory_space<hbm>> -> memref<16384xf32, #tpu.memory_space<hbm>>
        %dma_start3A_24 = tpu.memref_slice %arg4[%mul3A_23] : memref<54525952xf32, #tpu.memory_space<hbm>> -> memref<16384xf32, #tpu.memory_space<hbm>>
        tpu.enqueue_dma source(%arg6 : memref<16384xf32, #tpu.memory_space<vmem>>) target(%dma_start3A_24 : memref<16384xf32, #tpu.memory_space<hbm>>) target_semaphore(%run_scoped3A : memref<!tpu.dma_semaphore, #tpu.memory_space<semaphore_mem>>)
        %dma_wait3A = tpu.memref_slice %arg4[%mul3A_23] : memref<54525952xf32, #tpu.memory_space<hbm>> -> memref<16384xf32, #tpu.memory_space<hbm>>
        %dma_wait3A_25 = tpu.memref_slice %arg4[%mul3A_23] : memref<54525952xf32, #tpu.memory_space<hbm>> -> memref<16384xf32, #tpu.memory_space<hbm>>
        tpu.wait_dma2 semaphore(%run_scoped3A : memref<!tpu.dma_semaphore, #tpu.memory_space<semaphore_mem>>) src(%arg6 : memref<16384xf32, #tpu.memory_space<vmem>>) dst(%dma_wait3A_25 : memref<16384xf32, #tpu.memory_space<hbm>>)
        tpu.yield
      }) : () -> ()
    }
    %scan3A_9 = arith.constant 8 : i32
    return
  }
}

module attributes {stable_mosaic.version = 14 : i64} {
  func.func @_tc_kernel(%arg0: i32, %arg1: memref<24x512xi32, #tpu.memory_space<vmem>>, %arg2: memref<24x512x128xf32, #tpu.memory_space<vmem>>, %arg3: memref<26x16384x128xf32, #tpu.memory_space<any>>, %arg4: memref<24x512x128xf32, #tpu.memory_space<vmem>>) attributes {dimension_semantics = [#tpu.dimension_semantics<arbitrary>], iteration_bounds = array<i64: 32>, scalar_prefetch = 0 : i64, scratch_operands = 0 : i64, tpu.core_type = #tpu.core_type<tc>, window_params = [{transform_indices = @transform_0, window_bounds = array<i64: 24, 512>}, {transform_indices = @transform_1, window_bounds = array<i64: 24, 512, 128>}, {}, {transform_indices = @transform_3, window_bounds = array<i64: 24, 512, 128>}]} {
    %get3A = arith.constant 0 : index
    %get3A_0 = arith.constant 0 : index
    %get3A_1 = vector.load %arg1[%get3A, %get3A_0] : memref<24x512xi32, #tpu.memory_space<vmem>>, vector<24x512xi32>
    %iota3A = tpu.iota {dimensions = array<i32: 2>} : vector<24x512x128xi32>
    %broadcast_in_dim3A = vector.shape_cast %get3A_1 : vector<24x512xi32> to vector<24x512x1xi32>
    %eq3A = vector.broadcast %broadcast_in_dim3A : vector<24x512x1xi32> to vector<24x512x128xi32>
    %eq3A_2 = arith.cmpi eq, %eq3A, %iota3A : vector<24x512x128xi32>
    %convert_element_type3A = arith.extui %eq3A_2 : vector<24x512x128xi1> to vector<24x512x128xi32>
    %convert_element_type3A_3 = arith.sitofp %convert_element_type3A : vector<24x512x128xi32> to vector<24x512x128xf32>
    %get3A_4 = arith.constant 0 : index
    %get3A_5 = arith.constant 0 : index
    %get3A_6 = arith.constant 0 : index
    %get3A_7 = vector.load %arg2[%get3A_4, %get3A_5, %get3A_6] : memref<24x512x128xf32, #tpu.memory_space<vmem>>, vector<24x512x128xf32>
    %add3A = arith.addf %get3A_7, %convert_element_type3A_3 : vector<24x512x128xf32>
    %swap3A = arith.constant 0 : index
    %swap3A_8 = arith.constant 0 : index
    %swap3A_9 = arith.constant 0 : index
    %swap3A_10 = vector.load %arg4[%swap3A, %swap3A_8, %swap3A_9] : memref<24x512x128xf32, #tpu.memory_space<vmem>>, vector<24x512x128xf32>
    tpu.vector_store %arg4[%swap3A, %swap3A_8, %swap3A_9], %add3A {strides = array<i32>} : memref<24x512x128xf32, #tpu.memory_space<vmem>>, vector<24x512x128xf32>,
    return
  }
  func.func @transform_0(%arg0: i32) -> (i32, i32) {
    %c0_i32 = arith.constant 0 : i32
    %c0_i32_0 = arith.constant 0 : i32
    return %c0_i32, %arg0 : i32, i32
  }
  func.func @transform_1(%arg0: i32) -> (i32, i32, i32) {
    %c0_i32 = arith.constant 0 : i32
    %c0_i32_0 = arith.constant 0 : i32
    %c0_i32_1 = arith.constant 0 : i32
    return %c0_i32, %arg0, %c0_i32_0 : i32, i32, i32
  }
  func.func @transform_3(%arg0: i32) -> (i32, i32, i32) {
    %c0_i32 = arith.constant 0 : i32
    %c0_i32_0 = arith.constant 0 : i32
    %c0_i32_1 = arith.constant 0 : i32
    return %c0_i32, %arg0, %c0_i32_0 : i32, i32, i32
  }
}

</mosaic_0001>

<sc_bundles>
// kernel: kernel.4.cloned.1.call-start
scs
__scs_entry_jumppad:
0x0: {  	(pc) =	sbr.rel $0x88, $3  }
0x1: {  	(tag) =	ssettag $0x0;
	lr =	simm.s32 $0x1  }
0x2: {  	[smem:$0x3F9F] =	sst lr;
	_ =	strace $0xD0000000  }
0x3: {  	_ = 	snop  }
0x4: {  	_ = 	snop  }
0x5: {  	_ = 	snop  }
0x6: {  	_ = 	snop  }
0x7: {  	_ = 	snop  }
__scs_overlays_trampoline_lowered:
0x8: {  	[smem:$0x3FAE] =	sst s0  }
0x9: {  	[smem:$0x3FAF] =	sst s1  }
0xa: {  	[smem:$0x3FB0] =	sst s2  }
0xb: {  	[smem:$0x3FB1] =	sst s3  }
0xc: {  	[smem:$0x3FB2] =	sst s4  }
0xd: {  	[smem:$0x3FB3] =	sst s5  }
0xe: {  	[smem:$0x3FB4] =	sst s6  }
0xf: {  	[smem:$0x3FB5] =	sst s7  }
0x10: {  	[smem:$0x3FB6] =	sst s8  }
0x11: {  	[smem:$0x3FB7] =	sst s9;
	s0 =	simm.s32 @!p0 $0x0  }
0x12: {  	s1 =	sld [smem:$0x3F9D];
	s0 =	simm.s32 @p0 $0x1  }
0x13: {  	[smem:$0x3FB8] =	sst s0;
	s0 =	simm.s32 @!p1 $0x0  }
0x14: {  	s2 =	sld [smem:$0x3F9C];
	s0 =	simm.s32 @p1 $0x1  }
0x15: {  	[smem:$0x3FB9] =	sst s0;
	s0 =	simm.s32 @!p2 $0x0  }
0x16: {  	s3 =	sld [smem:$0x3FDB];
	s0 =	simm.s32 @p2 $0x1  }
0x17: {  	s4 =	simm.s32 $0x1BF5;
	[smem:$0x3FBB] =	sst s0  }
0x18: {  	s0 =	sld [smem:$0x3F9E];
	_ =	swait.ge [sflag:s4], $0x0  }
0x19: {  	s7 =	sld [smem:$0x3F9F]  }
0x1a: {  	s8 =	sadd.s32 $0xFFFFE003, lr  }
0x1b: {  	s9 =	sadd.s32 $0xFFFFFEF7, lr;
	s5 =	simm.s32 $0xFFFFFFFF;
	p2 =	slt.u32 s8, $0xFFFFF086  }
0x1c: {  	p1 =	slt.u32 s9, $0xF7A;
	s5 =	simm.s32 @!p2 $0x0  }
0x1d: {  	s5 =	simm.s32 @p1 $0x1;
	p0 =	seq.s32 s7, s2  }
0x1e: {  	s7 =	smul.u32 @!p0 $0xF7A, s2;
	p2 =	seq.s32 @!p0 s5, $0x0  }
0x1f: {  	s9 =	smul.u32 $0xF7A, s1;
	s8 =	simm.s32 @!p0 $0x1BF5;
	p2 =	por !p2, p0  }
0x20: {  	[sflag:s8] =	ssyncset.s32 @!p0 $0xFFFFF086;
	s6 =	sadd.s32 @!p0 s3, s7;
	s7 =	simm.s32 @!p0 $0x108  }
0x21: {  	s3 =	sadd.s32 s3, s9;
	s6 =	sadd.s32 @!p0 $0x88, s6;
	s7 =	simm.s32 @p2 $0x1082  }
0x22: {  	[simem:s7], [sflag:s8] =	dma.local @!p0 [hbm:s6], $0xF7A  }
0x23: {  	s9 =	sor.u32 $0xD0000000, s2;
	s6 =	simm.s32 $0x108;
	_ =	swait.ge @!p0 [sflag:s8], $0x0  }
0x24: {  	s3 =	sadd.s32 $0x88, s3;
	s6 =	simm.s32 @!p1 $0x1082;
	[sflag:s4] =	ssyncset.s32 $0xFFFFF086  }
0x25: {  	[simem:s6], [sflag:s4] =	dma.local [hbm:s3], $0xF7A  }
0x26: {  	[smem:$0x3F9F] =	sst s1;
	(tag) =	ssettag s2;
	_ =	strace s9  }
0x27: {  	s1 =	sld [smem:$0x3FAF]  }
0x28: {  	s2 =	sld [smem:$0x3FB0]  }
0x29: {  	s4 =	sld [smem:$0x3FB2]  }
0x2a: {  	p0 =	seq.s32 s5, $0x0;
	s5 =	sld [smem:$0x3FB3]  }
0x2b: {  	s6 =	sld [smem:$0x3FB4]  }
0x2c: {  	s7 =	sld [smem:$0x3FB5]  }
0x2d: {  	s3 =	simm.s32 $0x108;
	s8 =	sld [smem:$0x3FB6]  }
0x2e: {  	s3 =	simm.s32 @!p0 $0x1082;
	s9 =	sld [smem:$0x3FB7]  }
0x2f: {  	lr =	sadd.s32 s0, s3;
	s0 =	sld [smem:$0x3FAE]  }
0x30: {  	s3 =	sld [smem:$0x3FB1]  }
0x31: {  	[smem:$0x3FBA] =	sst s10  }
0x32: {  	s10 =	sld [smem:$0x3FB8];
	_ =	sdelay $0x3  }
0x33: {  	p0 =	seq.s32 s10, $0x1;
	s10 =	sld [smem:$0x3FBA];
	_ =	sdelay $0x3  }
0x34: {  	[smem:$0x3FBA] =	sst s10  }
0x35: {  	s10 =	sld [smem:$0x3FB9];
	_ =	sdelay $0x3  }
0x36: {  	p1 =	seq.s32 s10, $0x1;
	s10 =	sld [smem:$0x3FBA];
	_ =	sdelay $0x3  }
0x37: {  	[smem:$0x3FBA] =	sst s10  }
0x38: {  	s10 =	sld [smem:$0x3FBB]  }
0x39: {  	_ = 	snop;
	(pc) =	sbr.ind lr, $3  }
0x3a: {  	_ = 	snop  }
0x3b: {  	_ = 	snop  }
0x3c: {  	p2 =	seq.s32 s10, $0x1;
	s10 =	sld [smem:$0x3FBA]  }
0x3d: {  	_ =	shalt  }
0x3e: {  	_ =	shalt  }
0x3f: {  	_ =	shalt  }
0x40: {  	_ =	shalt  }
0x41: {  	_ =	shalt  }
0x42: {  	_ =	shalt  }
0x43: {  	_ =	shalt  }
0x44: {  	_ =	shalt  }
0x45: {  	_ =	shalt  }
0x46: {  	_ =	shalt  }
0x47: {  	_ =	shalt  }
0x48: {  	_ =	shalt  }
0x49: {  	_ =	shalt  }
0x4a: {  	_ =	shalt  }
0x4b: {  	_ =	shalt  }
0x4c: {  	_ =	shalt  }
0x4d: {  	_ =	shalt  }
0x4e: {  	_ =	shalt  }
0x4f: {  	_ =	shalt  }
0x50: {  	_ =	shalt  }
0x51: {  	_ =	shalt  }
0x52: {  	_ =	shalt  }
0x53: {  	_ =	shalt  }
0x54: {  	_ =	shalt  }
0x55: {  	_ =	shalt  }
0x56: {  	_ =	shalt  }
0x57: {  	_ =	shalt  }
0x58: {  	_ =	shalt  }
0x59: {  	_ =	shalt  }
0x5a: {  	_ =	shalt  }
0x5b: {  	_ =	shalt  }
0x5c: {  	_ =	shalt  }
0x5d: {  	_ =	shalt  }
0x5e: {  	_ =	shalt  }
0x5f: {  	_ =	shalt  }
0x60: {  	_ =	shalt  }
0x61: {  	_ =	shalt  }
0x62: {  	_ =	shalt  }
0x63: {  	_ =	shalt  }
0x64: {  	_ =	shalt  }
0x65: {  	_ =	shalt  }
0x66: {  	_ =	shalt  }
0x67: {  	_ =	shalt  }
0x68: {  	_ =	shalt  }
0x69: {  	_ =	shalt  }
0x6a: {  	_ =	shalt  }
0x6b: {  	_ =	shalt  }
0x6c: {  	_ =	shalt  }
0x6d: {  	_ =	shalt  }
0x6e: {  	_ =	shalt  }
0x6f: {  	_ =	shalt  }
0x70: {  	_ =	shalt  }
0x71: {  	_ =	shalt  }
0x72: {  	_ =	shalt  }
0x73: {  	_ =	shalt  }
0x74: {  	_ =	shalt  }
0x75: {  	_ =	shalt  }
0x76: {  	_ =	shalt  }
0x77: {  	_ =	shalt  }
0x78: {  	_ =	shalt  }
0x79: {  	_ =	shalt  }
0x7a: {  	_ =	shalt  }
0x7b: {  	_ =	shalt  }
0x7c: {  	_ =	shalt  }
0x7d: {  	_ =	shalt  }
0x7e: {  	_ =	shalt  }
0x7f: {  	_ =	shalt  }
0x80: {  	_ =	shalt  }
0x81: {  	_ =	shalt  }
0x82: {  	_ =	shalt  }
0x83: {  	_ =	shalt  }
0x84: {  	_ =	shalt  }
0x85: {  	_ =	shalt  }
0x86: {  	_ =	shalt  }
0x87: {  	_ =	shalt  }
.Lfunc_end0:
.L_simem_size_0:
called_computation_lowered:
.L_overlay_start_0:
0x88: {  	s2 =	sld [smem:$0x3FD9]  }
0x89: {  	s3 =	sld [smem:$0x3FFE];
	_ =	sdelay $0x1  }
0x8a: {  	s1 =	srdreg.scid  }
0x8b: {  	s0 =	sand.u32 $0x1, s1  }
0x8c: {  	s14 =	sshll.u32 s0, $0xA;
	s2 =	sadd.s32 s3, s2  }
0x8d: {  	s2 =	sadd.s32 s2, s14  }
0x8e: {  	[smem:$0x3FC6] =	sst s2  }
0x8f: {  	_ = 	snop  }
0x90: {  	s2 =	sld [smem:$0x3FD0];
	_ =	sdelay $0x2  }
0x91: {  	s4 =	simm.s32 $0xA;
	s5 =	simm.s32 $0x10;
	s15 =	sld [smem:$0x3FC8]  }
0x92: {  	[smem:s5], [sflag:s4] =	dma.local [hbm:s2], $0x1  }
0x93: {  	_ =	swait.eq [sflag:s4], $0x1  }
0x94: {  	[sflag:s4] =	ssyncset.done $0x0  }
0x95: {  	[sflag:s4] =	ssyncadd.s32 $0xFFFFFFFF  }
0x96: {  	s16 =	sld [smem:$0x10];
	(tm) =	ssettm $0x1  }
0x97: {  	s17 =	sld [smem:$0x3FFB];
	_ =	sdelay $0x3  }
0x98: {  	_ =	strace s17  }
0x99: {  	s4 =	sld [smem:$0x3FFC];
	_ =	sdelay $0x3  }
0x9a: {  	_ =	strace s4  }
0x9b: {  	s4 =	sld [smem:$0x3FFD];
	_ =	sdelay $0x3  }
0x9c: {  	_ =	strace s4  }
0x9d: {  	_ =	strace $0x8FFFFFFF  }
0x9e: {  	s18 =	sld [smem:$0x3FDB];
	_ =	sdelay $0x1  }
0x9f: {  	s19 =	simm.s32 $_scs_section_size  }
0xa0: {  	s6 =	simm.s32 $_size__tile_overlayer_lowered;
	s7 =	simm.s32 $_tile_overlayer_lowered  }
0xa1: {  	s22 =	simm.s32 $0x1BFF;
	s21 =	sshll.u32 s7, $0x1;
	s4 =	sadd.s32 s19, s18  }
0xa2: {  	s8 =	simm.s32 $0x0;
	s20 =	sshll.u32 s6, $0x1;
	s6 =	sadd.s32 s21, s4  }
0xa3: {  	[timem:s8], [sflag:s22] =	dma.local [hbm:s6], s20  }
0xa4: {  	_ =	swait.ge [sflag:s22], s20  }
0xa5: {  	s5 =	ssub.s32 $0x0, s20;
	[sflag:s22] =	ssyncset.done $0x0  }
0xa6: {  	[sflag:s22] =	ssyncadd.s32 s5;
	_ =	sdelay $0x1  }
0xa7: {  	s23 =	simm.s32 $0x1B8B  }
0xa8: {  	_ =	swait.ge [sflag:s23], $0x1  }
0xa9: {  	[sflag:s23] =	ssyncset.done $0x0  }
0xaa: {  	s25 =	simm.s32 $0x1B8E;
	s24 =	sld [smem:$0x3FFE];
	[sflag:s23] =	ssyncadd.s32 $0xFFFFFFFF  }
0xab: {  	s26 =	simm.s32 $execute0_lowered;
	[smem:$0x3FD2] =	sst s25  }
0xac: {  	s6 =	sshll.u32 s26, $0x1;
	_ =	strace $0x80000046;
	[dreg:$0x1] =	wrdreg $0xFFFFFFFF  }
0xad: {  	s28 =	simm.s32 $_size_execute0_lowered;
	s4 =	sadd.s32 s4, s6;
	[dreg:$0x0] =	wrdreg $0x0  }
0xae: {  	s6 =	sshll.u32 s28, $0x1;
	[dreg:$0x2] =	wrdreg s4  }
0xaf: {  	[dreg:$0x3] =	wrdreg s6  }
0xb0: {  	[dreg:$0x4] =	wrdreg $0xC0  }
0xb1: {  	_ =	task [dreg:s8], $0x5FFFF  }
0xb2: {  	[dreg:$0x1] =	wrdreg $0xFFFFFFFF  }
0xb3: {  	[dreg:$0x0] =	wrdreg $0x60  }
0xb4: {  	[dreg:$0x2] =	wrdreg s24  }
0xb5: {  	[dreg:$0x3] =	wrdreg s15  }
0xb6: {  	[dreg:$0x4] =	wrdreg s16  }
0xb7: {  	[dreg:$0x5] =	wrdreg $0x9  }
0xb8: {  	_ =	task.clear_ibuf [dreg:s8], $0x6FFFF;
	_ =	strace $0x90000046  }
0xb9: {  	s29 =	simm.s32 $0x9;
	_ =	strace $0x80000048  }
0xba: {  	_ =	swait.ge [sflag:s29], $0x1  }
0xbb: {  	[sflag:s29] =	ssyncadd.s32 $0xFFFFFFFF  }
0xbc: {  	_ =	strace $0x90000048  }
0xbd: {  	_ =	sfence  }
0xbe: {  	s30 =	sld [smem:$0x0];
	_ =	sdelay $0x2  }
0xbf: {  	s31 =	sshll.u32 s1, $0xD;
	s1 =	sshrl.u32 s1, $0x2  }
0xc0: {  	s3 =	sand.u32 $0x4000, s31;
	s1 =	sadd.s32 s1, s30  }
0xc1: {  	s0 =	sor.u32 s3, s0;
	s1 =	sshll.u32 s1, $0x11  }
0xc2: {  	s0 =	sor.u32 s1, s0  }
0xc3: {  	s0 =	sadd.s32 $0x8F2B, s0  }
0xc4: {  	[sflag:s0] =	ssyncadd.remote.s32 $0x1  }
0xc5: {  	_ =	sfence.sel $0xFFFF  }
0xc6: {  	[dreg:$0x0] =	wrdreg $0xFFFFFFFF;
	(pc) =	sbr.abs _section_cstart, $3  }
0xc7: {  	[dreg:$0x1] =	wrdreg $0xFFFFFFFF  }
0xc8: {  	_ =	task.clear_ibuf [dreg:s8], $0x2FFFF;
	_ =	strace $0x9FFFFFFF  }
0xc9: {  	(tm) =	ssettm $0x7FFFFFFF  }
tec
execute0_lowered:
.L_overlay_start_1:
0x0: {  	(tag) =	ssettag $0x1  }
0x1: {  	s5 =	rddreg [dreg:$0x0]  }
0x2: {  	v0 =	vlaneseq.u32;
	s0 =	rddreg [dreg:$0x1];
	v1 =	vimm.s32 $0x0;
	v9 =	vimm.s32 $0x1  }
0x3: {  	s2 =	rddreg [dreg:$0x2];
	s4 =	srdreg.scid;
	v10 =	vimm.s32 $0x2;
	v11 =	vimm.s32 $0x3;
	v12 =	vimm.s32 $0x4  }
0x4: {  	s1 =	rddreg [dreg:$0x3];
	s3 =	simm.s32 $0x0;
	v13 =	vimm.s32 $0x5;
	v14 =	vimm.s32 $0x6;
	v15 =	vimm.s32 $0x7;
	s10 =	simm.s32 $0x0  }
0x5: {  	v16 =	vimm.s32 $0x8;
	v17 =	vimm.s32 $0x9;
	v18 =	vimm.s32 $0xA;
	s6 =	sand.u32 $0x1, s4;
	[smem:$0x7FF] =	sst s3;
	s4 =	stileid.u32  }
0x6: {  	v19 =	vimm.s32 $0xB;
	v20 =	vimm.s32 $0xC;
	v21 =	vimm.s32 $0xD;
	s5 =	sadd.s32 $0x600, s5;
	s7 =	ssub.s32 $0x2, s6;
	s9 =	sshll.u32 s4, $0xB  }
0x7: {  	v22 =	vimm.s32 $0xE;
	v23 =	vimm.s32 $0xF;
	v2 =	vor.u32 $0x10, v0;
	s6 =	sshll.u32 s6, $0xA;
	_ =	strace $0x80000047;
	s8 =	sshrl.u32 s7, $0x1  }
0x8: {  	v3 =	vor.u32 $0x20, v0;
	v4 =	vor.u32 $0x30, v0;
	v5 =	vor.u32 $0x40, v0;
	s6 =	sor.u32 s6, s9;
	s9 =	simm.s32 $0x1;
	s7 =	ssub.s32 s7, s8  }
0x9: {  	v6 =	vor.u32 $0x50, v0;
	v7 =	vor.u32 $0x60, v0;
	v8 =	vor.u32 $0x70, v0;
	s6 =	sor.u32 $0x60000, s6;
	s8 =	simm.s32 $0x80;
	s7 =	smax.u32 s7, $0x1  }
.LBB2_1:
0xa: {  	s11 =	simm.s32 $0x0  }
.LBB2_2:
0xb: {  	s12 =	sshll.u32 s11, $0x7  }
0xc: {  	s14 =	sadd.s32 s6, s12  }
0xd: {  	s12 =	sshll.u32 s14, $0x4  }
0xe: {  	s12 =	sand.u32 $0x1FFFF800, s12  }
0xf: {  	s13 =	simm.s32 $0x0;
	s15 =	sadd.s32 s0, s12  }
0x10: {  	[tilespmem:s8], [sflag:$0x1] =	stream.linear.gather [hbm4b:s15+s13], $0x4000, $0x38;
	[tilespmem:$0x4080] =	vst v63  }
0x11: {  	_ =	swait.ge [sflag:s9], $0x4000  }
0x12: {  	s14 =	sshrl.u32 s14, $0x3;
	[sflag:s9] =	ssyncset.done $0x0  }
0x13: {  	s14 =	sadd.s32 s5, s14;
	[sflag:s9] =	ssyncadd.s32 $0xFFFFC000  }
0x14: {  	[tilespmem:s13], [sflag:$0x1] =	stream.linear.gather [hbm4b:s14+s13], $0x80, $0x38;
	[tilespmem:$0x4080] =	vst v63  }
0x15: {  	_ =	swait.ge [sflag:s9], $0x80  }
0x16: {  	[sflag:s9] =	ssyncset.done $0x0  }
0x17: {  	[sflag:s9] =	ssyncadd.s32 $0xFFFFFF80  }
.LBB2_3:
0x18: {  	s14 =	sshll.u32 s13, $0x4  }
0x19: {  	s15 =	sshll.u32 s13, $0xB;
	s14 =	sand.u32 $0x3FFFFFF0, s14  }
0x1a: {  	s31 =	sand.u32 $0x3FFFF800, s15;
	v24 =	vld [tilespmem:s14+$0x0]  }
0x1b: {  	v25 =	vld [tilespmem:s31+$0x80]  }
0x1c: {  	v26 =	vld [tilespmem:s31+$0x90]  }
0x1d: {  	v27 =	vld [tilespmem:s31+$0xA0]  }
0x1e: {  	v28 =	vld [tilespmem:s31+$0xB0]  }
0x1f: {  	v30 =	vld [tilespmem:s31+$0xC0]  }
0x20: {  	v32 =	vld [tilespmem:s31+$0xD0]  }
0x21: {  	v34 =	vld [tilespmem:s31+$0xE0]  }
0x22: {  	v35 =	vld [tilespmem:s31+$0xF0]  }
0x23: {  	v36 =	vld [tilespmem:s31+$0x100]  }
0x24: {  	v37 =	vld [tilespmem:s31+$0x110]  }
0x25: {  	v38 =	vld [tilespmem:s31+$0x120]  }
0x26: {  	v39 =	vld [tilespmem:s31+$0x130];
	v31 =	vadd.f32 $1.000000000e+00, v25  }
0x27: {  	v40 =	vld [tilespmem:s31+$0x140];
	v33 =	vadd.f32 $1.000000000e+00, v26;
	v51 =	vadd.f32 $1.000000000e+00, v27  }
0x28: {  	v58 =	vld [tilespmem:s31+$0x150];
	v52 =	vadd.f32 $1.000000000e+00, v28;
	v53 =	vadd.f32 $1.000000000e+00, v30  }
0x29: {  	v54 =	vadd.f32 $1.000000000e+00, v32;
	v55 =	vadd.f32 $1.000000000e+00, v34  }
0x2a: {  	v56 =	vadd.f32 $1.000000000e+00, v35;
	v60 =	vadd.f32 $1.000000000e+00, v36  }
0x2b: {  	v29 =	vperm.xlane v24, v1;
	v61 =	vadd.f32 $1.000000000e+00, v37;
	v63 =	vadd.f32 $1.000000000e+00, v38  }
0x2c: {  	v46 =	vadd.f32 $1.000000000e+00, v39;
	v47 =	vadd.f32 $1.000000000e+00, v40  }
0x2d: {  	v62 =	vld [tilespmem:s31+$0x160];
	v49 =	vadd.f32 $1.000000000e+00, v58;
	vm0 =	veq.s32 v29, v0;
	vm10 =	veq.s32 v29, v2  }
0x2e: {  	v41 =	vld [tilespmem:s31+$0x170];
	vm11 =	veq.s32 v29, v3;
	vm12 =	veq.s32 v29, v4;
	vm13 =	veq.s32 v29, v5  }
0x2f: {  	vm14 =	veq.s32 v29, v6;
	vm15 =	veq.s32 v29, v7;
	vm4 =	veq.s32 v29, v8  }
0x30: {  	v29 =	vperm.xlane v24, v9;
	v25 =	vsel vm0, v31, v25;
	v26 =	vsel vm10, v33, v26  }
0x31: {  	v27 =	vsel vm11, v51, v27;
	v28 =	vsel vm12, v52, v28;
	v30 =	vsel vm13, v53, v30;
	[tilespmem:s31+$0x80] =	vst v25  }
0x32: {  	v32 =	vsel vm14, v54, v32;
	v57 =	vsel vm15, v55, v34;
	v59 =	vsel vm4, v56, v35;
	[tilespmem:s31+$0x90] =	vst v26  }
0x33: {  	v45 =	vld [tilespmem:s31+$0x180];
	v55 =	vadd.f32 $1.000000000e+00, v62;
	v56 =	vadd.f32 $1.000000000e+00, v41;
	v34 =	vperm.xlane v24, v17;
	[tilespmem:s31+$0xA0] =	vst v27  }
0x34: {  	v48 =	vld [tilespmem:s31+$0x190];
	vm5 =	veq.s32 v29, v0;
	vm1 =	veq.s32 v29, v2;
	[tilespmem:s31+$0xB0] =	vst v28;
	vm6 =	veq.s32 v29, v3  }
0x35: {  	v50 =	vld [tilespmem:s31+$0x1A0];
	[tilespmem:s31+$0xC0] =	vst v30;
	vm7 =	veq.s32 v29, v4;
	vm8 =	veq.s32 v29, v5;
	vm9 =	veq.s32 v29, v6  }
0x36: {  	[tilespmem:s31+$0xD0] =	vst v32;
	vm10 =	veq.s32 v29, v7;
	vm11 =	veq.s32 v29, v8;
	v30 =	vperm.xlane v24, v13  }
0x37: {  	v53 =	vld [tilespmem:s31+$0x1B0];
	[tilespmem:s31+$0xE0] =	vst v57;
	v43 =	vsel vm5, v60, v36;
	v44 =	vsel vm1, v61, v37;
	v27 =	vsel vm6, v63, v38  }
0x38: {  	[tilespmem:s31+$0xF0] =	vst v59;
	v57 =	vld [tilespmem:s31+$0x1C0];
	v51 =	vsel vm7, v46, v39;
	v52 =	vsel vm8, v47, v40;
	v54 =	vsel vm9, v49, v58  }
0x39: {  	v59 =	vld [tilespmem:s31+$0x1D0];
	v58 =	vperm.xlane v24, v10;
	v31 =	vsel vm10, v55, v62;
	v60 =	vadd.f32 $1.000000000e+00, v45;
	[tilespmem:s31+$0x100] =	vst v43  }
0x3a: {  	v32 =	vsel vm11, v56, v41;
	v61 =	vadd.f32 $1.000000000e+00, v48;
	v62 =	vadd.f32 $1.000000000e+00, v50;
	v63 =	vld [tilespmem:s31+$0x1E0];
	[tilespmem:s31+$0x110] =	vst v44  }
0x3b: {  	v46 =	vld [tilespmem:s31+$0x200];
	v37 =	vperm.xlane v24, v11;
	v40 =	vperm.xlane v24, v14;
	[tilespmem:s31+$0x120] =	vst v27;
	vm12 =	veq.s32 v58, v0  }
0x3c: {  	v49 =	vld [tilespmem:s31+$0x210];
	[tilespmem:s31+$0x130] =	vst v51;
	vm13 =	veq.s32 v58, v2;
	vm14 =	veq.s32 v58, v3;
	vm15 =	veq.s32 v58, v4  }
0x3d: {  	v55 =	vld [tilespmem:s31+$0x240];
	[tilespmem:s31+$0x140] =	vst v52;
	vm4 =	veq.s32 v58, v5;
	vm5 =	veq.s32 v58, v6;
	vm6 =	veq.s32 v58, v7  }
0x3e: {  	v38 =	vld [tilespmem:s31+$0x280];
	[tilespmem:s31+$0x150] =	vst v54;
	vm7 =	veq.s32 v58, v8;
	vm8 =	veq.s32 v37, v0;
	vm9 =	veq.s32 v37, v2  }
0x3f: {  	v43 =	vld [tilespmem:s31+$0x1F0];
	[tilespmem:s31+$0x160] =	vst v31;
	vm10 =	veq.s32 v37, v3;
	vm11 =	veq.s32 v37, v4;
	v42 =	vsel vm12, v60, v45  }
0x40: {  	v51 =	vld [tilespmem:s31+$0x220];
	[tilespmem:s31+$0x170] =	vst v32;
	v27 =	vsel vm13, v61, v48;
	v44 =	vsel vm14, v62, v50;
	v45 =	vadd.f32 $1.000000000e+00, v53  }
0x41: {  	v58 =	vld [tilespmem:s31+$0x250];
	vm12 =	veq.s32 v37, v5;
	vm13 =	veq.s32 v37, v6;
	vm14 =	veq.s32 v37, v7;
	[tilespmem:s31+$0x180] =	vst v42  }
0x42: {  	v60 =	vld [tilespmem:s31+$0x260];
	v47 =	vadd.f32 $1.000000000e+00, v57;
	v48 =	vadd.f32 $1.000000000e+00, v59;
	[tilespmem:s31+$0x190] =	vst v27;
	v50 =	vsel vm15, v45, v53  }
0x43: {  	v62 =	vld [tilespmem:s31+$0x270];
	[tilespmem:s31+$0x1A0] =	vst v44;
	v52 =	vadd.f32 $1.000000000e+00, v63;
	v44 =	vadd.f32 $1.000000000e+00, v55;
	vm15 =	veq.s32 v37, v8  }
0x44: {  	v53 =	vld [tilespmem:s31+$0x230];
	v26 =	vsel vm4, v47, v57;
	v54 =	vadd.f32 $1.000000000e+00, v43;
	v57 =	vadd.f32 $1.000000000e+00, v46;
	[tilespmem:s31+$0x1B0] =	vst v50  }
0x45: {  	v45 =	vld [tilespmem:s31+$0x290];
	v29 =	vsel vm5, v48, v59;
	v59 =	vadd.f32 $1.000000000e+00, v49;
	v61 =	vadd.f32 $1.000000000e+00, v51;
	[tilespmem:s31+$0x1C0] =	vst v26  }
0x46: {  	v48 =	vld [tilespmem:s31+$0x2A0];
	v56 =	vsel vm6, v52, v63;
	[tilespmem:s31+$0x1D0] =	vst v29;
	v47 =	vadd.f32 $1.000000000e+00, v58;
	v25 =	vsel vm7, v54, v43  }
0x47: {  	v28 =	vsel vm8, v57, v46;
	v63 =	vsel vm9, v59, v49;
	v43 =	vsel vm10, v61, v51;
	[tilespmem:s31+$0x1E0] =	vst v56;
	v51 =	vld [tilespmem:s31+$0x2B0]  }
0x48: {  	v49 =	vsel vm12, v44, v55;
	v50 =	vadd.f32 $1.000000000e+00, v60;
	v54 =	vld [tilespmem:s31+$0x2C0];
	v56 =	vperm.xlane v24, v12;
	[tilespmem:s31+$0x1F0] =	vst v25  }
0x49: {  	v57 =	vld [tilespmem:s31+$0x2D0];
	v59 =	vadd.f32 $1.000000000e+00, v38;
	vm12 =	veq.s32 v30, v0;
	[tilespmem:s31+$0x200] =	vst v28;
	v52 =	vsel vm13, v47, v58  }
0x4a: {  	v61 =	vld [tilespmem:s31+$0x2E0];
	[tilespmem:s31+$0x210] =	vst v63;
	vm13 =	veq.s32 v30, v2;
	v42 =	vadd.f32 $1.000000000e+00, v53;
	v55 =	vsel vm14, v50, v60  }
0x4b: {  	[tilespmem:s31+$0x220] =	vst v43;
	v63 =	vld [tilespmem:s31+$0x2F0];
	v60 =	vadd.f32 $1.000000000e+00, v45;
	vm4 =	veq.s32 v56, v0;
	vm5 =	veq.s32 v56, v2  }
0x4c: {  	[tilespmem:s31+$0x240] =	vst v49;
	v43 =	vld [tilespmem:s31+$0x300];
	vm6 =	veq.s32 v56, v3;
	vm7 =	veq.s32 v56, v4;
	vm8 =	veq.s32 v56, v5  }
0x4d: {  	[tilespmem:s31+$0x250] =	vst v52;
	vm9 =	veq.s32 v56, v6;
	v50 =	vld [tilespmem:s31+$0x330];
	vm10 =	veq.s32 v56, v7;
	vm14 =	veq.s32 v30, v3  }
0x4e: {  	v41 =	vsel vm4, v59, v38;
	[tilespmem:s31+$0x260] =	vst v55;
	v55 =	vld [tilespmem:s31+$0x350];
	vm4 =	veq.s32 v30, v5;
	v46 =	vsel vm11, v42, v53  }
0x4f: {  	v53 =	vadd.f32 $1.000000000e+00, v62;
	v42 =	vsel vm5, v60, v45;
	[tilespmem:s31+$0x280] =	vst v41;
	v60 =	vld [tilespmem:s31+$0x360];
	v45 =	vadd.f32 $1.000000000e+00, v54  }
0x50: {  	vm11 =	veq.s32 v56, v8;
	vm5 =	veq.s32 v30, v6;
	[tilespmem:s31+$0x230] =	vst v46;
	v44 =	vadd.f32 $1.000000000e+00, v51;
	v46 =	vld [tilespmem:s31+$0x310]  }
0x51: {  	v47 =	vadd.f32 $1.000000000e+00, v57;
	[tilespmem:s31+$0x290] =	vst v42;
	v58 =	vsel vm15, v53, v62;
	v49 =	vsel vm8, v45, v54;
	v54 =	vld [tilespmem:s31+$0x340]  }
0x52: {  	v52 =	vadd.f32 $1.000000000e+00, v61;
	v62 =	vadd.f32 $1.000000000e+00, v48;
	[tilespmem:s31+$0x270] =	vst v58;
	v28 =	vsel vm7, v44, v51;
	v44 =	vld [tilespmem:s31+$0x380]  }
0x53: {  	v53 =	vadd.f32 $1.000000000e+00, v63;
	vm15 =	veq.s32 v30, v4;
	v51 =	vsel vm9, v47, v57;
	v47 =	vld [tilespmem:s31+$0x390];
	[tilespmem:s31+$0x2B0] =	vst v28  }
0x54: {  	v26 =	vsel vm10, v52, v61;
	v57 =	vadd.f32 $1.000000000e+00, v43;
	v52 =	vld [tilespmem:s31+$0x3B0];
	vm7 =	veq.s32 v30, v8;
	[tilespmem:s31+$0x2C0] =	vst v49  }
0x55: {  	vm8 =	veq.s32 v40, v0;
	vm9 =	veq.s32 v40, v2;
	v27 =	vsel vm6, v62, v48;
	v62 =	vld [tilespmem:s31+$0x370];
	[tilespmem:s31+$0x2D0] =	vst v51  }
0x56: {  	vm10 =	veq.s32 v40, v3;
	v48 =	vld [tilespmem:s31+$0x320];
	v56 =	vsel vm11, v53, v63;
	[tilespmem:s31+$0x2E0] =	vst v26;
	vm6 =	veq.s32 v30, v7  }
0x57: {  	v49 =	vld [tilespmem:s31+$0x3A0];
	[tilespmem:s31+$0x2A0] =	vst v27;
	v61 =	vsel vm12, v57, v43;
	v43 =	vadd.f32 $1.000000000e+00, v50;
	v58 =	vadd.f32 $1.000000000e+00, v46  }
0x58: {  	vm11 =	veq.s32 v40, v4;
	[tilespmem:s31+$0x2F0] =	vst v56;
	v51 =	vadd.f32 $1.000000000e+00, v60;
	v56 =	vld [tilespmem:s31+$0x3D0];
	v45 =	vadd.f32 $1.000000000e+00, v54  }
0x59: {  	v53 =	vld [tilespmem:s31+$0x3C0];
	vm12 =	veq.s32 v40, v5;
	[tilespmem:s31+$0x300] =	vst v61;
	v41 =	vsel vm13, v58, v46;
	v46 =	vadd.f32 $1.000000000e+00, v55  }
0x5a: {  	v61 =	vld [tilespmem:s31+$0x3F0];
	v57 =	vadd.f32 $1.000000000e+00, v47;
	[tilespmem:s31+$0x310] =	vst v41;
	v63 =	vadd.f32 $1.000000000e+00, v62;
	v26 =	vsel vm4, v45, v54  }
0x5b: {  	v58 =	vld [tilespmem:s31+$0x3E0];
	vm13 =	veq.s32 v40, v6;
	v59 =	vadd.f32 $1.000000000e+00, v48;
	v54 =	vsel vm6, v51, v60;
	[tilespmem:s31+$0x340] =	vst v26  }
0x5c: {  	v60 =	vadd.f32 $1.000000000e+00, v49;
	v27 =	vsel vm9, v57, v47;
	v25 =	vsel vm7, v63, v62;
	v63 =	vld [tilespmem:s31+$0x400];
	[tilespmem:s31+$0x360] =	vst v54  }
0x5d: {  	v45 =	vadd.f32 $1.000000000e+00, v56;
	v42 =	vsel vm14, v59, v48;
	v48 =	vsel vm15, v43, v50;
	v43 =	vld [tilespmem:s31+$0x410];
	[tilespmem:s31+$0x390] =	vst v27  }
0x5e: {  	v50 =	vsel vm5, v46, v55;
	v55 =	vadd.f32 $1.000000000e+00, v44;
	v62 =	vadd.f32 $1.000000000e+00, v52;
	v46 =	vld [tilespmem:s31+$0x420];
	[tilespmem:s31+$0x320] =	vst v42  }
0x5f: {  	vm14 =	veq.s32 v40, v7;
	v51 =	vadd.f32 $1.000000000e+00, v61;
	[tilespmem:s31+$0x330] =	vst v48;
	v41 =	vsel vm10, v60, v49;
	v49 =	vld [tilespmem:s31+$0x430]  }
0x60: {  	vm15 =	veq.s32 v40, v8;
	v54 =	vperm.xlane v24, v15;
	[tilespmem:s31+$0x350] =	vst v50;
	v50 =	vsel vm13, v45, v56;
	v45 =	vld [tilespmem:s31+$0x4A0]  }
0x61: {  	v42 =	vadd.f32 $1.000000000e+00, v53;
	[tilespmem:s31+$0x370] =	vst v25;
	v59 =	vsel vm8, v55, v44;
	v44 =	vsel vm11, v62, v52;
	v52 =	vld [tilespmem:s31+$0x440]  }
0x62: {  	v48 =	vadd.f32 $1.000000000e+00, v58;
	[tilespmem:s31+$0x3A0] =	vst v41;
	v55 =	vld [tilespmem:s31+$0x450];
	v56 =	vsel vm15, v51, v61;
	vm4 =	veq.s32 v54, v0  }
0x63: {  	vm5 =	veq.s32 v54, v2;
	v61 =	vld [tilespmem:s31+$0x470];
	[tilespmem:s31+$0x3D0] =	vst v50;
	vm6 =	veq.s32 v54, v3;
	vm7 =	veq.s32 v54, v4  }
0x64: {  	vm8 =	veq.s32 v54, v5;
	vm9 =	veq.s32 v54, v6;
	v51 =	vld [tilespmem:s31+$0x4C0];
	[tilespmem:s31+$0x380] =	vst v59;
	v47 =	vsel vm12, v42, v53  }
0x65: {  	[tilespmem:s31+$0x3B0] =	vst v44;
	v59 =	vld [tilespmem:s31+$0x460];
	v53 =	vsel vm14, v48, v58;
	v57 =	vadd.f32 $1.000000000e+00, v63;
	v58 =	vadd.f32 $1.000000000e+00, v43  }
0x66: {  	v40 =	vld [tilespmem:s31+$0x480];
	vm10 =	veq.s32 v54, v7;
	vm11 =	veq.s32 v54, v8;
	[tilespmem:s31+$0x3F0] =	vst v56;
	v60 =	vadd.f32 $1.000000000e+00, v46  }
0x67: {  	[tilespmem:s31+$0x3C0] =	vst v47;
	v48 =	vld [tilespmem:s31+$0x4B0];
	v41 =	vadd.f32 $1.000000000e+00, v49;
	v62 =	vsel vm4, v57, v63;
	v63 =	vsel vm5, v58, v43  }
0x68: {  	[tilespmem:s31+$0x3E0] =	vst v53;
	v26 =	vsel vm6, v60, v46;
	v42 =	vadd.f32 $1.000000000e+00, v52;
	v44 =	vadd.f32 $1.000000000e+00, v55  }
0x69: {  	v43 =	vld [tilespmem:s31+$0x490];
	v50 =	vadd.f32 $1.000000000e+00, v61;
	v57 =	vadd.f32 $1.000000000e+00, v45;
	[tilespmem:s31+$0x400] =	vst v62;
	v46 =	vsel vm7, v41, v49  }
0x6a: {  	v58 =	vld [tilespmem:s31+$0x4E0];
	v49 =	vadd.f32 $1.000000000e+00, v59;
	[tilespmem:s31+$0x420] =	vst v26;
	v26 =	vperm.xlane v24, v16;
	v41 =	vadd.f32 $1.000000000e+00, v51  }
0x6b: {  	v60 =	vld [tilespmem:s31+$0x4F0];
	[tilespmem:s31+$0x410] =	vst v63;
	v47 =	vsel vm8, v42, v52;
	v25 =	vsel vm9, v44, v55;
	v54 =	vsel vm11, v50, v61  }
0x6c: {  	v52 =	vld [tilespmem:s31+$0x4D0];
	[tilespmem:s31+$0x430] =	vst v46;
	v55 =	vadd.f32 $1.000000000e+00, v40;
	v63 =	vadd.f32 $1.000000000e+00, v48;
	vm8 =	veq.s32 v34, v0  }
0x6d: {  	vm9 =	veq.s32 v34, v2;
	v53 =	vsel vm10, v49, v59;
	[tilespmem:s31+$0x440] =	vst v47;
	vm12 =	veq.s32 v26, v0;
	v49 =	vld [tilespmem:s31+$0x530]  }
0x6e: {  	vm11 =	veq.s32 v34, v4;
	[tilespmem:s31+$0x450] =	vst v25;
	vm14 =	veq.s32 v26, v3;
	v59 =	vsel vm12, v55, v40;
	v40 =	vld [tilespmem:s31+$0x500]  }
0x6f: {  	vm13 =	veq.s32 v26, v2;
	[tilespmem:s31+$0x470] =	vst v54;
	vm4 =	veq.s32 v26, v5;
	v62 =	vsel vm14, v57, v45;
	v45 =	vld [tilespmem:s31+$0x520]  }
0x70: {  	vm15 =	veq.s32 v26, v4;
	vm5 =	veq.s32 v26, v6;
	[tilespmem:s31+$0x460] =	vst v53;
	v46 =	vsel vm4, v41, v51;
	v51 =	vld [tilespmem:s31+$0x540]  }
0x71: {  	vm6 =	veq.s32 v26, v7;
	vm7 =	veq.s32 v26, v8;
	vm10 =	veq.s32 v34, v3;
	v57 =	vld [tilespmem:s31+$0x560];
	[tilespmem:s31+$0x480] =	vst v59  }
0x72: {  	v44 =	vsel vm15, v63, v48;
	vm12 =	veq.s32 v34, v5;
	v56 =	vadd.f32 $1.000000000e+00, v43;
	[tilespmem:s31+$0x4A0] =	vst v62;
	v59 =	vld [tilespmem:s31+$0x570]  }
0x73: {  	vm14 =	veq.s32 v34, v7;
	vm15 =	veq.s32 v34, v8;
	v50 =	vadd.f32 $1.000000000e+00, v60;
	[tilespmem:s31+$0x4B0] =	vst v44;
	v62 =	vld [tilespmem:s31+$0x580]  }
0x74: {  	v48 =	vadd.f32 $1.000000000e+00, v58;
	[tilespmem:s31+$0x4C0] =	vst v46;
	v44 =	vld [tilespmem:s31+$0x5A0];
	v61 =	vsel vm13, v56, v43;
	v42 =	vadd.f32 $1.000000000e+00, v52  }
0x75: {  	v43 =	vld [tilespmem:s31+$0x510];
	v55 =	vsel vm7, v50, v60;
	vm13 =	veq.s32 v34, v6;
	[tilespmem:s31+$0x490] =	vst v61;
	v61 =	vadd.f32 $1.000000000e+00, v49  }
0x76: {  	[tilespmem:s31+$0x4F0] =	vst v55;
	v47 =	vsel vm5, v42, v52;
	v52 =	vsel vm6, v48, v58;
	v53 =	vadd.f32 $1.000000000e+00, v40  }
0x77: {  	v58 =	vadd.f32 $1.000000000e+00, v45;
	v46 =	vadd.f32 $1.000000000e+00, v57;
	[tilespmem:s31+$0x4D0] =	vst v47;
	v42 =	vsel vm11, v61, v49  }
0x78: {  	v54 =	vld [tilespmem:s31+$0x550];
	[tilespmem:s31+$0x4E0] =	vst v52;
	v49 =	vadd.f32 $1.000000000e+00, v59;
	v52 =	vperm.xlane v24, v18;
	v55 =	vadd.f32 $1.000000000e+00, v62  }
0x79: {  	v41 =	vld [tilespmem:s31+$0x590];
	v26 =	vsel vm8, v53, v40;
	v63 =	vsel vm10, v58, v45;
	v40 =	vadd.f32 $1.000000000e+00, v51;
	[tilespmem:s31+$0x530] =	vst v42  }
0x7a: {  	v50 =	vld [tilespmem:s31+$0x5C0];
	v58 =	vadd.f32 $1.000000000e+00, v44;
	v56 =	vadd.f32 $1.000000000e+00, v43;
	[tilespmem:s31+$0x500] =	vst v26;
	vm4 =	veq.s32 v52, v0  }
0x7b: {  	v47 =	vld [tilespmem:s31+$0x5B0];
	[tilespmem:s31+$0x520] =	vst v63;
	vm5 =	veq.s32 v52, v2;
	vm6 =	veq.s32 v52, v3;
	v45 =	vsel vm12, v40, v51  }
0x7c: {  	v53 =	vld [tilespmem:s31+$0x5D0];
	vm7 =	veq.s32 v52, v4;
	vm8 =	veq.s32 v52, v5;
	v51 =	vsel vm14, v46, v57;
	[tilespmem:s31+$0x540] =	vst v45  }
0x7d: {  	v42 =	vld [tilespmem:s31+$0x610];
	vm10 =	veq.s32 v52, v7;
	vm11 =	veq.s32 v52, v8;
	v63 =	vsel vm6, v58, v44;
	[tilespmem:s31+$0x560] =	vst v51  }
0x7e: {  	v60 =	vsel vm9, v56, v43;
	v43 =	vadd.f32 $1.000000000e+00, v54;
	v56 =	vadd.f32 $1.000000000e+00, v41;
	[tilespmem:s31+$0x5A0] =	vst v63  }
0x7f: {  	v57 =	vld [tilespmem:s31+$0x5E0];
	vm9 =	veq.s32 v52, v6;
	v51 =	vperm.xlane v24, v19;
	[tilespmem:s31+$0x510] =	vst v60;
	v60 =	vsel vm4, v55, v62  }
0x80: {  	v44 =	vld [tilespmem:s31+$0x620];
	v40 =	vadd.f32 $1.000000000e+00, v47;
	v48 =	vsel vm13, v43, v54;
	v54 =	vsel vm15, v49, v59;
	[tilespmem:s31+$0x580] =	vst v60  }
0x81: {  	v46 =	vld [tilespmem:s31+$0x630];
	v61 =	vsel vm5, v56, v41;
	v41 =	vadd.f32 $1.000000000e+00, v50;
	v43 =	vadd.f32 $1.000000000e+00, v53;
	[tilespmem:s31+$0x550] =	vst v48  }
0x82: {  	v52 =	vld [tilespmem:s31+$0x650];
	vm12 =	veq.s32 v51, v0;
	v55 =	vadd.f32 $1.000000000e+00, v42;
	vm13 =	veq.s32 v51, v2;
	[tilespmem:s31+$0x570] =	vst v54  }
0x83: {  	v62 =	vld [tilespmem:s31+$0x600];
	vm14 =	veq.s32 v51, v3;
	vm15 =	veq.s32 v51, v4;
	[tilespmem:s31+$0x590] =	vst v61;
	v27 =	vsel vm7, v40, v47  }
0x84: {  	v59 =	vld [tilespmem:s31+$0x5F0];
	vm4 =	veq.s32 v51, v5;
	vm5 =	veq.s32 v51, v6;
	v45 =	vsel vm8, v41, v50;
	[tilespmem:s31+$0x5B0] =	vst v27  }
0x85: {  	vm6 =	veq.s32 v51, v7;
	v47 =	vsel vm9, v43, v53;
	v48 =	vadd.f32 $1.000000000e+00, v57;
	[tilespmem:s31+$0x5C0] =	vst v45  }
0x86: {  	vm7 =	veq.s32 v51, v8;
	v50 =	vld [tilespmem:s31+$0x640];
	v56 =	vadd.f32 $1.000000000e+00, v44;
	v25 =	vsel vm13, v55, v42;
	[tilespmem:s31+$0x5D0] =	vst v47  }
0x87: {  	v61 =	vadd.f32 $1.000000000e+00, v46;
	v43 =	vld [tilespmem:s31+$0x6A0];
	v40 =	vadd.f32 $1.000000000e+00, v52;
	[tilespmem:s31+$0x610] =	vst v25;
	v26 =	vsel vm10, v48, v57  }
0x88: {  	v41 =	vld [tilespmem:s31+$0x690];
	v54 =	vadd.f32 $1.000000000e+00, v62;
	v60 =	vsel vm14, v56, v44;
	v48 =	vperm.xlane v24, v20;
	[tilespmem:s31+$0x5E0] =	vst v26  }
0x89: {  	v57 =	vld [tilespmem:s31+$0x660];
	v42 =	vsel vm15, v61, v46;
	v49 =	vadd.f32 $1.000000000e+00, v59;
	[tilespmem:s31+$0x620] =	vst v60;
	v44 =	vsel vm5, v40, v52  }
0x8a: {  	[tilespmem:s31+$0x630] =	vst v42;
	v52 =	vld [tilespmem:s31+$0x6D0];
	v58 =	vsel vm12, v54, v62;
	vm8 =	veq.s32 v48, v0;
	vm9 =	veq.s32 v48, v2  }
0x8b: {  	v62 =	vld [tilespmem:s31+$0x680];
	[tilespmem:s31+$0x650] =	vst v44;
	vm10 =	veq.s32 v48, v3;
	vm12 =	veq.s32 v48, v5;
	v63 =	vadd.f32 $1.000000000e+00, v50  }
0x8c: {  	vm13 =	veq.s32 v48, v6;
	v53 =	vsel vm11, v49, v59;
	v59 =	vld [tilespmem:s31+$0x670];
	[tilespmem:s31+$0x600] =	vst v58;
	v56 =	vadd.f32 $1.000000000e+00, v43  }
0x8d: {  	v54 =	vld [tilespmem:s31+$0x6E0];
	vm14 =	veq.s32 v48, v7;
	[tilespmem:s31+$0x5F0] =	vst v53;
	v53 =	vadd.f32 $1.000000000e+00, v41;
	v26 =	vsel vm4, v63, v50  }
0x8e: {  	vm15 =	veq.s32 v48, v8;
	v49 =	vld [tilespmem:s31+$0x6C0];
	v45 =	vadd.f32 $1.000000000e+00, v57;
	v61 =	vsel vm10, v56, v43;
	[tilespmem:s31+$0x640] =	vst v26  }
0x8f: {  	v60 =	vld [tilespmem:s31+$0x700];
	vm11 =	veq.s32 v48, v4;
	v58 =	vsel vm9, v53, v41;
	v39 =	vadd.f32 $1.000000000e+00, v52;
	[tilespmem:s31+$0x6A0] =	vst v61  }
0x90: {  	v46 =	vld [tilespmem:s31+$0x6B0];
	v48 =	vperm.xlane v24, v21;
	v50 =	vsel vm6, v45, v57;
	v51 =	vadd.f32 $1.000000000e+00, v62;
	[tilespmem:s31+$0x690] =	vst v58  }
0x91: {  	v40 =	vld [tilespmem:s31+$0x720];
	v47 =	vadd.f32 $1.000000000e+00, v59;
	[tilespmem:s31+$0x660] =	vst v50;
	v44 =	vsel vm13, v39, v52  }
0x92: {  	v43 =	vld [tilespmem:s31+$0x730];
	vm4 =	veq.s32 v48, v0;
	v42 =	vadd.f32 $1.000000000e+00, v54;
	v55 =	vsel vm8, v51, v62;
	[tilespmem:s31+$0x6D0] =	vst v44  }
0x93: {  	vm5 =	veq.s32 v48, v2;
	v57 =	vld [tilespmem:s31+$0x6F0];
	v62 =	vadd.f32 $1.000000000e+00, v49;
	v25 =	vsel vm7, v47, v59;
	[tilespmem:s31+$0x680] =	vst v55  }
0x94: {  	v63 =	vld [tilespmem:s31+$0x710];
	vm10 =	veq.s32 v48, v7;
	v51 =	vadd.f32 $1.000000000e+00, v60;
	v47 =	vsel vm14, v42, v54;
	[tilespmem:s31+$0x670] =	vst v25  }
0x95: {  	v53 =	vld [tilespmem:s31+$0x760];
	vm9 =	veq.s32 v48, v6;
	v59 =	vadd.f32 $1.000000000e+00, v46;
	v41 =	vsel vm12, v62, v49;
	[tilespmem:s31+$0x6E0] =	vst v47  }
0x96: {  	vm6 =	veq.s32 v48, v3;
	v58 =	vld [tilespmem:s31+$0x780];
	v54 =	vadd.f32 $1.000000000e+00, v40;
	v56 =	vsel vm4, v51, v60;
	[tilespmem:s31+$0x6C0] =	vst v41  }
0x97: {  	vm8 =	veq.s32 v48, v5;
	v49 =	vld [tilespmem:s31+$0x750];
	v60 =	vadd.f32 $1.000000000e+00, v43;
	v38 =	vsel vm11, v59, v46;
	[tilespmem:s31+$0x700] =	vst v56  }
0x98: {  	vm7 =	veq.s32 v48, v4;
	v62 =	vld [tilespmem:s31+$0x790];
	v45 =	vadd.f32 $1.000000000e+00, v57;
	v59 =	vsel vm6, v54, v40;
	[tilespmem:s31+$0x6B0] =	vst v38  }
0x99: {  	v52 =	vadd.f32 $1.000000000e+00, v63;
	v46 =	vld [tilespmem:s31+$0x740];
	vm11 =	veq.s32 v48, v8;
	[tilespmem:s31+$0x720] =	vst v59;
	v41 =	vsel vm7, v60, v43  }
0x9a: {  	v40 =	vld [tilespmem:s31+$0x7A0];
	v48 =	vperm.xlane v24, v22;
	v50 =	vsel vm15, v45, v57;
	[tilespmem:s31+$0x730] =	vst v41;
	v45 =	vadd.f32 $1.000000000e+00, v53  }
0x9b: {  	v24 =	vperm.xlane v24, v23;
	v43 =	vld [tilespmem:s31+$0x7B0];
	v57 =	vsel vm5, v52, v63;
	v52 =	vadd.f32 $1.000000000e+00, v58;
	[tilespmem:s31+$0x6F0] =	vst v50  }
0x9c: {  	v55 =	vld [tilespmem:s31+$0x770];
	vm12 =	veq.s32 v48, v0;
	[tilespmem:s31+$0x710] =	vst v57;
	v63 =	vadd.f32 $1.000000000e+00, v49;
	v50 =	vsel vm10, v45, v53  }
0x9d: {  	v47 =	vld [tilespmem:s31+$0x7C0];
	vm13 =	veq.s32 v48, v2;
	v53 =	vadd.f32 $1.000000000e+00, v62;
	v56 =	vsel vm12, v52, v58;
	[tilespmem:s31+$0x760] =	vst v50  }
0x9e: {  	vm14 =	veq.s32 v48, v3;
	v57 =	vld [tilespmem:s31+$0x7F0];
	v61 =	vadd.f32 $1.000000000e+00, v46;
	[tilespmem:s31+$0x780] =	vst v56;
	v44 =	vsel vm9, v63, v49  }
0x9f: {  	v60 =	vld [tilespmem:s31+$0x800];
	vm15 =	veq.s32 v48, v4;
	v54 =	vadd.f32 $1.000000000e+00, v40;
	v25 =	vsel vm13, v53, v62;
	[tilespmem:s31+$0x750] =	vst v44  }
0xa0: {  	vm4 =	veq.s32 v48, v5;
	v49 =	vld [tilespmem:s31+$0x7D0];
	v59 =	vadd.f32 $1.000000000e+00, v43;
	v42 =	vsel vm8, v61, v46;
	[tilespmem:s31+$0x790] =	vst v25  }
0xa1: {  	vm5 =	veq.s32 v48, v6;
	v63 =	vld [tilespmem:s31+$0x810];
	v46 =	vadd.f32 $1.000000000e+00, v55;
	v58 =	vsel vm14, v54, v40;
	[tilespmem:s31+$0x740] =	vst v42  }
0xa2: {  	vm6 =	veq.s32 v48, v7;
	v61 =	vadd.f32 $1.000000000e+00, v47;
	v44 =	vld [tilespmem:s31+$0x840];
	[tilespmem:s31+$0x7A0] =	vst v58;
	v39 =	vsel vm15, v59, v43  }
0xa3: {  	vm7 =	veq.s32 v48, v8;
	v42 =	vld [tilespmem:s31+$0x830];
	v43 =	vadd.f32 $1.000000000e+00, v57;
	v51 =	vsel vm11, v46, v55;
	[tilespmem:s31+$0x7B0] =	vst v39  }
0xa4: {  	v52 =	vld [tilespmem:s31+$0x870];
	vm10 =	veq.s32 v24, v3;
	v25 =	vsel vm4, v61, v47;
	v46 =	vadd.f32 $1.000000000e+00, v60;
	[tilespmem:s31+$0x770] =	vst v51  }
0xa5: {  	vm8 =	veq.s32 v24, v0;
	v55 =	vld [tilespmem:s31+$0x7E0];
	[tilespmem:s31+$0x7C0] =	vst v25;
	v25 =	vsel vm7, v43, v57;
	v62 =	vadd.f32 $1.000000000e+00, v49  }
0xa6: {  	vm12 =	veq.s32 v24, v5;
	v40 =	vld [tilespmem:s31+$0x820];
	v48 =	vadd.f32 $1.000000000e+00, v63;
	[tilespmem:s31+$0x7F0] =	vst v25;
	v50 =	vsel vm8, v46, v60  }
0xa7: {  	vm9 =	veq.s32 v24, v2;
	v47 =	vld [tilespmem:s31+$0x850];
	[tilespmem:s31+$0x800] =	vst v50;
	v56 =	vadd.f32 $1.000000000e+00, v44;
	v27 =	vsel vm5, v62, v49  }
0xa8: {  	vm13 =	veq.s32 v24, v6;
	v49 =	vld [tilespmem:s31+$0x860];
	v53 =	vsel vm9, v48, v63;
	v54 =	vadd.f32 $1.000000000e+00, v42;
	[tilespmem:s31+$0x7D0] =	vst v27  }
0xa9: {  	vm11 =	veq.s32 v24, v4;
	v62 =	vadd.f32 $1.000000000e+00, v52;
	[tilespmem:s31+$0x810] =	vst v53;
	v59 =	vsel vm12, v56, v44  }
0xaa: {  	vm15 =	veq.s32 v24, v8;
	v41 =	vadd.f32 $1.000000000e+00, v55;
	v57 =	vsel vm11, v54, v42;
	[tilespmem:s31+$0x840] =	vst v59  }
0xab: {  	p0 =	sne.s32 s13, $0x7;
	vm14 =	veq.s32 v24, v7;
	v51 =	vadd.f32 $1.000000000e+00, v40;
	v24 =	vsel vm15, v62, v52;
	[tilespmem:s31+$0x830] =	vst v57  }
.Ltmp0:
0xac: {  	v58 =	vadd.f32 $1.000000000e+00, v47;
	v45 =	vsel vm6, v41, v55;
	[tilespmem:s31+$0x870] =	vst v24;
	(pc) =	sbr.rel @p0 .LBB2_3-.Ltmp0, $4  }
0xad: {  	v55 =	vsel vm10, v51, v40;
	[tilespmem:s31+$0x7E0] =	vst v45;
	v60 =	vadd.f32 $1.000000000e+00, v49  }
0xae: {  	v61 =	vsel vm13, v58, v47;
	[tilespmem:s31+$0x820] =	vst v55  }
0xaf: {  	[tilespmem:s31+$0x850] =	vst v61;
	v63 =	vsel vm14, v60, v49  }
0xb0: {  	s13 =	sadd.s32 $0x1, s13;
	[tilespmem:s31+$0x860] =	vst v63  }
0xb1: {  	s11 =	sadd.s32 $0x1, s11  }
0xb2: {  	p0 =	sne.s32 s11, $0x8  }
.Ltmp1:
0xb3: {  	s12 =	sadd.s32 s2, s12;
	(pc) =	sbr.rel @p0 .LBB2_2-.Ltmp1, $4  }
0xb4: {  	[hbm4b:s12+s3] =	stream.linear.scatter [tilespmem:s8], [sflag:$0x1], $0x4000, $0x38;
	[tilespmem:$0x4080] =	vst v63  }
0xb5: {  	_ =	swait.ge [sflag:s9], $0x4000  }
0xb6: {  	[sflag:s9] =	ssyncset.done $0x0  }
0xb7: {  	[sflag:s9] =	ssyncadd.s32 $0xFFFFC000  }
0xb8: {  	s10 =	sadd.s32 $0x1, s10  }
0xb9: {  	p0 =	sne.s32 s10, s7  }
.Ltmp2:
0xba: {  	_ = 	snop;
	(pc) =	sbr.rel @p0 .LBB2_1-.Ltmp2, $1  }
0xbb: {  	_ =	sdelay $0x3  }
0xbc: {  	_ =	sfence.sel $0x180000  }
0xbd: {  	[bflag:$0x0] =	sbarrier.arrive $0xFFFF  }
0xbe: {  	p0 =	sne.s32 s4, $0x0;
	_ =	strace $0x90000047  }
0xbf: {  	s0 =	sadd.s32 @!p0 $0x100000, s1;
	[bflag:$0x2] =	sbarrier.arrive $0xFFFF  }
0xc0: {  	[sflag:s0] =	ssyncadd.tile.s32 @!p0 $0x1;
	_ =	shalt  }
.Lfunc_end2:
_tile_overlayer_lowered:
.L_overlay_start_2:
0xc1: {  	(tag) =	ssettag $0x2  }
0xc2: {  	s0 =	rddreg [dreg:$0x0];
	s2 =	stileid.u32  }
0xc3: {  	s1 =	rddreg [dreg:$0x1];
	p0 =	sne.s32 s2, $0x0  }
0xc4: {  	s3 =	rddreg [dreg:$0x2];
	[bflag:$0x3] =	sbarrier.arrive $0xFFFF;
	s2 =	simm.s32 @!p0 $0x1C01  }
0xc5: {  	[timem:s3], [sflag:s2] =	dma.local @!p0 [hbm:s0], s1  }
0xc6: {  	s0 =	simm.s32 @!p0 $0x1  }
0xc7: {  	_ =	swait.ge @!p0 [sflag:s0], s1  }
0xc8: {  	s1 =	ssub.s32 @!p0 $0x0, s1;
	[sflag:s0] =	ssyncset.done @!p0 $0x0  }
0xc9: {  	[sflag:s0] =	ssyncadd.s32 @!p0 s1  }
0xca: {  	[bflag:$0x3] =	sbarrier.arrive $0xFFFF  }
0xcb: {  	_ =	shalt  }

</sc_bundles>
